<compile_context>
chip_gen: v7x
topology: tpu7x:2x2x1
jax: 0.10.2.dev20260603
libtpu: 0.0.44.dev20260713+nightly
codegen_flags: <defaults>
</compile_context>

<pallas_src>
import functools
import math

import jax
import jax.numpy as jnp
from jax import lax
from jax.experimental import pallas as pl
from jax.experimental.pallas import tpu as pltpu
from jax.experimental.pallas import tpu_sc as plsc

_N = 9976
_E = 638464
_B = 86
_IN = 128
_OUT = 116
_DH = 58

_NP = 9984
_ROWS_PER_SUB = _NP // 16
_NW = 32
_PER_W = 20480
_EP = _NW * _PER_W
_CH = 64
_CHUNKS = _PER_W // _CH
_HALF = _CHUNKS // 2
_PAD_DST = _NP - 1
_INV_SQRT_DH = 1.0 / math.sqrt(float(_DH))

_GATHER_DN = lax.GatherDimensionNumbers(
    offset_dims=(), collapsed_slice_dims=(0,), start_index_map=(0,))


def _lane_shuffle(x, idx):
    return lax.gather(x, idx[:, None], _GATHER_DN, slice_sizes=(1,),
                      mode=lax.GatherScatterMode.PROMISE_IN_BOUNDS)



def _qkv_body(h_ref, w_ref, b_ref, q_ref, kv_ref):
    h = h_ref[...]
    q_ref[...] = jnp.dot(h, w_ref[:, 0:128],
                         preferred_element_type=jnp.float32) + b_ref[0:1, 0:128]
    kv_ref[:, 0:128] = jnp.dot(h, w_ref[:, 128:256],
                               preferred_element_type=jnp.float32) + b_ref[0:1, 128:256]
    kv_ref[:, 128:256] = jnp.dot(h, w_ref[:, 256:384],
                                 preferred_element_type=jnp.float32) + b_ref[0:1, 256:384]


_qkv_call = pl.pallas_call(
    _qkv_body,
    grid=(_NP // 128,),
    in_specs=[
        pl.BlockSpec((128, 128), lambda i: (i, 0)),
        pl.BlockSpec((128, 384), lambda i: (0, 0)),
        pl.BlockSpec((8, 384), lambda i: (0, 0)),
    ],
    out_specs=[
        pl.BlockSpec((128, 128), lambda i: (i, 0)),
        pl.BlockSpec((128, 256), lambda i: (i, 0)),
    ],
    out_shape=[
        jax.ShapeDtypeStruct((_NP, 128), jnp.float32),
        jax.ShapeDtypeStruct((_NP, 256), jnp.float32),
    ],
)



@functools.cache
def _get_edge_kernel():
    return functools.partial(
        pl.kernel,
        mesh=plsc.VectorSubcoreMesh(core_axis_name="c", subcore_axis_name="s"),
        out_type=[jax.ShapeDtypeStruct((_NP, 128), jnp.float32)] * 2,
        scratch_types=[
            pltpu.VMEM((_CH,), jnp.int32),
            pltpu.VMEM((_CH,), jnp.int32),
            pltpu.VMEM((_CH,), jnp.int32),
            pltpu.VMEM((_CH,), jnp.int32),
            pltpu.VMEM((_CH,), jnp.int32),
            pltpu.VMEM((_CH,), jnp.int32),
            pltpu.VMEM((_CH, 128), jnp.float32),
            pltpu.VMEM((_CH, 256), jnp.float32),
            pltpu.VMEM((_CH, 128), jnp.float32),
            pltpu.VMEM((_CH, 256), jnp.float32),
            pltpu.VMEM_SHARED((_NP, 128), jnp.float32),
            pltpu.SemaphoreType.DMA,
            pltpu.SemaphoreType.DMA,
            pltpu.SemaphoreType.DMA,
            pltpu.SemaphoreType.DMA,
            pltpu.SemaphoreType.DMA,
            pltpu.SemaphoreType.DMA,
        ],
    )(_edge_body)


def _compute_chunk(qb_, kvb_, lane):

    def edge_body(eb, carry2):
        for j in range(4):
            e = eb * 4 + j
            t0 = (qb_[e, pl.ds(0, 16)] * kvb_[e, pl.ds(0, 16)]
                  + qb_[e, pl.ds(16, 16)] * kvb_[e, pl.ds(16, 16)]
                  + qb_[e, pl.ds(32, 16)] * kvb_[e, pl.ds(32, 16)]
                  + qb_[e, pl.ds(48, 16)] * kvb_[e, pl.ds(48, 16)])
            t1 = (qb_[e, pl.ds(64, 16)] * kvb_[e, pl.ds(64, 16)]
                  + qb_[e, pl.ds(80, 16)] * kvb_[e, pl.ds(80, 16)]
                  + qb_[e, pl.ds(96, 16)] * kvb_[e, pl.ds(96, 16)]
                  + qb_[e, pl.ds(112, 16)] * kvb_[e, pl.ds(112, 16)])
            for dlt in (1, 2, 4, 8):
                prm = lane ^ dlt
                t0 = t0 + _lane_shuffle(t0, prm)
                t1 = t1 + _lane_shuffle(t1, prm)
            ex0 = jnp.exp(t0 * _INV_SQRT_DH)
            ex1 = jnp.exp(t1 * _INV_SQRT_DH)
            qb_[e, pl.ds(0, 16)] = ex0 * kvb_[e, pl.ds(128, 16)]
            qb_[e, pl.ds(16, 16)] = ex0 * kvb_[e, pl.ds(144, 16)]
            qb_[e, pl.ds(32, 16)] = ex0 * kvb_[e, pl.ds(160, 16)]
            qb_[e, pl.ds(48, 16)] = jnp.where(
                lane == 10, ex0, ex0 * kvb_[e, pl.ds(176, 16)])
            qb_[e, pl.ds(64, 16)] = ex1 * kvb_[e, pl.ds(192, 16)]
            qb_[e, pl.ds(80, 16)] = ex1 * kvb_[e, pl.ds(208, 16)]
            qb_[e, pl.ds(96, 16)] = ex1 * kvb_[e, pl.ds(224, 16)]
            qb_[e, pl.ds(112, 16)] = jnp.where(
                lane == 10, ex1, ex1 * kvb_[e, pl.ds(240, 16)])
        return carry2

    lax.fori_loop(0, _CH // 4, edge_body, 0)


def _edge_body(q_hbm, kv_hbm, src_hbm, dst_hbm, zero_hbm,
               out0, out1, sidx0, didx0, sidx1, didx1, sdid0, sdid1,
               qb0, kvb0, qb1, kvb1,
               acc, sem_g0, sem_g1, sem_i0, sem_i1, sem_s0, sem_s1):
    c = lax.axis_index("c")
    s = lax.axis_index("s")

    pltpu.sync_copy(zero_hbm.at[pl.ds(s * _ROWS_PER_SUB, _ROWS_PER_SUB)],
                    acc.at[pl.ds(s * _ROWS_PER_SUB, _ROWS_PER_SUB)])
    plsc.subcore_barrier()

    base = (c * 16 + s) * _PER_W
    lane = lax.iota(jnp.int32, 16)

    def _snapshot(dst_ref, src_ref):
        for t in range(_CH // 16):
            dst_ref[pl.ds(t * 16, 16)] = src_ref[pl.ds(t * 16, 16)]

    pltpu.sync_copy(src_hbm.at[pl.ds(base, _CH)], sidx0)
    pltpu.sync_copy(dst_hbm.at[pl.ds(base, _CH)], didx0)
    pltpu.async_copy(q_hbm.at[didx0], qb0, sem_g0)
    pltpu.async_copy(kv_hbm.at[sidx0], kvb0, sem_g0)
    pltpu.async_copy(src_hbm.at[pl.ds(base + _CH, _CH)], sidx1, sem_i1)
    pltpu.async_copy(dst_hbm.at[pl.ds(base + _CH, _CH)], didx1, sem_i1)

    def half_body(i, carry):
        g0 = 2 * i
        pltpu.make_async_copy(
            src_hbm.at[pl.ds(base + (g0 + 1) * _CH, _CH)], sidx1, sem_i1).wait()
        pltpu.make_async_copy(
            dst_hbm.at[pl.ds(base + (g0 + 1) * _CH, _CH)], didx1, sem_i1).wait()

        @pl.when(i > 0)
        def _():
            pltpu.make_async_copy(qb1, acc.at[sdid1], sem_s1).wait()

        pltpu.async_copy(q_hbm.at[didx1], qb1, sem_g1)
        pltpu.async_copy(kv_hbm.at[sidx1], kvb1, sem_g1)

        pltpu.make_async_copy(q_hbm.at[didx0], qb0, sem_g0).wait()
        pltpu.make_async_copy(kv_hbm.at[sidx0], kvb0, sem_g0).wait()
        _snapshot(sdid0, didx0)

        @pl.when(i + 1 < _HALF)
        def _():
            off2 = base + (g0 + 2) * _CH
            pltpu.async_copy(src_hbm.at[pl.ds(off2, _CH)], sidx0, sem_i0)
            pltpu.async_copy(dst_hbm.at[pl.ds(off2, _CH)], didx0, sem_i0)

        _compute_chunk(qb0, kvb0, lane)
        pltpu.async_copy(qb0, acc.at[sdid0], sem_s0, add=True)

        @pl.when(i + 1 < _HALF)
        def _():
            off2 = base + (g0 + 2) * _CH
            pltpu.make_async_copy(
                src_hbm.at[pl.ds(off2, _CH)], sidx0, sem_i0).wait()
            pltpu.make_async_copy(
                dst_hbm.at[pl.ds(off2, _CH)], didx0, sem_i0).wait()

        pltpu.make_async_copy(qb0, acc.at[sdid0], sem_s0).wait()

        @pl.when(i + 1 < _HALF)
        def _():
            pltpu.async_copy(q_hbm.at[didx0], qb0, sem_g0)
            pltpu.async_copy(kv_hbm.at[sidx0], kvb0, sem_g0)

        pltpu.make_async_copy(q_hbm.at[didx1], qb1, sem_g1).wait()
        pltpu.make_async_copy(kv_hbm.at[sidx1], kvb1, sem_g1).wait()
        _snapshot(sdid1, didx1)

        @pl.when(i + 1 < _HALF)
        def _():
            off3 = base + (g0 + 3) * _CH
            pltpu.async_copy(src_hbm.at[pl.ds(off3, _CH)], sidx1, sem_i1)
            pltpu.async_copy(dst_hbm.at[pl.ds(off3, _CH)], didx1, sem_i1)

        _compute_chunk(qb1, kvb1, lane)
        pltpu.async_copy(qb1, acc.at[sdid1], sem_s1, add=True)
        return carry

    lax.fori_loop(0, _HALF, half_body, 0)
    pltpu.make_async_copy(qb1, acc.at[sdid1], sem_s1).wait()
    plsc.subcore_barrier()

    @pl.when(c == 0)
    def _():
        pltpu.sync_copy(acc.at[pl.ds(s * _ROWS_PER_SUB, _ROWS_PER_SUB)],
                        out0.at[pl.ds(s * _ROWS_PER_SUB, _ROWS_PER_SUB)])

    @pl.when(c == 1)
    def _():
        pltpu.sync_copy(acc.at[pl.ds(s * _ROWS_PER_SUB, _ROWS_PER_SUB)],
                        out1.at[pl.ds(s * _ROWS_PER_SUB, _ROWS_PER_SUB)])



def _proj_body(a0_ref, a1_ref, w_ref, b_ref, o_ref):
    sacc = a0_ref[...] + a1_ref[...]
    col = lax.broadcasted_iota(jnp.int32, (128, 128), 1)
    den = jnp.where(col < 64, sacc[:, 58:59], sacc[:, 122:123]) + 1e-16
    hat = sacc / den
    o_ref[...] = jnp.dot(hat, w_ref[...],
                         preferred_element_type=jnp.float32) + b_ref[0:1, :]


_proj_call = pl.pallas_call(
    _proj_body,
    grid=(_NP // 128,),
    in_specs=[
        pl.BlockSpec((128, 128), lambda i: (i, 0)),
        pl.BlockSpec((128, 128), lambda i: (i, 0)),
        pl.BlockSpec((128, 128), lambda i: (0, 0)),
        pl.BlockSpec((8, 128), lambda i: (0, 0)),
    ],
    out_specs=pl.BlockSpec((128, 128), lambda i: (i, 0)),
    out_shape=jax.ShapeDtypeStruct((_NP, 128), jnp.float32),
)



def _att_body(x_ref, a_ref, o_ref):
    x = x_ref[...]
    e3 = jnp.sum(x, axis=2) * (1.0 / float(_OUT))
    row = lax.broadcasted_iota(jnp.int32, (_B, 120), 1)
    e3 = jnp.where(row < _OUT, e3, -jnp.inf)
    m = jnp.max(e3, axis=1, keepdims=True)
    ex = jnp.exp(e3 - m)
    den = jnp.sum(ex, axis=1, keepdims=True) + 1e-16
    alpha = ex / den
    a_ref[...] = alpha
    o_ref[...] = alpha[:, :, None] * x


_att_call = pl.pallas_call(
    _att_body,
    in_specs=[pl.BlockSpec((_B, 120, 128), lambda: (0, 0, 0))],
    out_specs=[
        pl.BlockSpec((_B, 120), lambda: (0, 0)),
        pl.BlockSpec((_B, 120, 128), lambda: (0, 0, 0)),
    ],
    out_shape=[
        jax.ShapeDtypeStruct((_B, 120), jnp.float32),
        jax.ShapeDtypeStruct((_B, 120, 128), jnp.float32),
    ],
)



def _headpad_w(W):
    Wp = jnp.zeros((W.shape[0], 128), jnp.float32)
    Wp = Wp.at[:, 0:_DH].set(W[:, 0:_DH])
    Wp = Wp.at[:, 64:64 + _DH].set(W[:, _DH:_OUT])
    return Wp


def _headpad_b(b):
    bp = jnp.zeros((128,), jnp.float32)
    bp = bp.at[0:_DH].set(b[0:_DH])
    bp = bp.at[64:64 + _DH].set(b[_DH:_OUT])
    return bp


def kernel(h_flat, edge_index, batch_index, WQ, bQ, WK, bK, WV, bV, WO, bO):
    f32 = jnp.float32
    hp = jnp.zeros((_NP, _IN), f32).at[:_N].set(h_flat.astype(f32))

    Wcat = jnp.concatenate([_headpad_w(WQ), _headpad_w(WK), _headpad_w(WV)],
                           axis=1)
    bcat = jnp.zeros((8, 384), f32).at[0].set(
        jnp.concatenate([_headpad_b(bQ), _headpad_b(bK), _headpad_b(bV)]))

    qp, kvp = _qkv_call(hp, Wcat, bcat)

    src_p = jnp.concatenate(
        [edge_index[0], jnp.zeros((_EP - _E,), jnp.int32)])
    dst_p = jnp.concatenate(
        [edge_index[1], jnp.full((_EP - _E,), _PAD_DST, jnp.int32)])
    zeros_tab = jnp.zeros((_NP, 128), f32)

    acc0, acc1 = _get_edge_kernel()(qp, kvp, src_p, dst_p, zeros_tab)

    WOp = (jnp.zeros((128, 128), f32)
           .at[0:_DH, 0:_OUT].set(WO[0:_DH])
           .at[64:64 + _DH, 0:_OUT].set(WO[_DH:_OUT]))
    bOp = jnp.zeros((8, 128), f32).at[0, 0:_OUT].set(bO)

    hpj = _proj_call(acc0, acc1, WOp, bOp)

    x4 = jnp.pad(hpj[:_N].reshape(_B, _OUT, 128), ((0, 0), (0, 4), (0, 0)))
    am, hw = _att_call(x4)

    alpha_map = am[:, :_OUT]
    h_weighted = hw[:, :_OUT, :_OUT].reshape(_N, _OUT)
    return (alpha_map, h_weighted)

# --- scband reference (transcript-rebuilt; emitter-appended) ---
"""Pipeline reference for scband-node-attention-66365834658168 (READ-ONLY COPY).

The authoritative reference and input builder live on the scoring server;
editing this copy changes nothing except your own understanding.
"""

import jax, jax.numpy as jnp
import numpy as np

N = 9976
E = 638464
B = 86
IN_DIM = 128
OUT_DIM = 116
HEADS = 2
DH = OUT_DIM // HEADS  # 58


def setup_inputs(seed: int = 0) -> dict:
    key = jax.random.key(seed)
    ks = jax.random.split(key, 12)
    h_flat = jax.random.normal(ks[0], (N, IN_DIM), dtype=jnp.float32)
    edge_index = jax.random.randint(ks[1], (2, E), 0, N, dtype=jnp.int32)
    # exactly 116 nodes per graph, contiguous & sorted -> view(B, 116) is valid
    batch_index = jnp.repeat(jnp.arange(B, dtype=jnp.int32), N // B)
    s_in = 1.0 / np.sqrt(IN_DIM)
    s_out = 1.0 / np.sqrt(OUT_DIM)
    WQ = jax.random.normal(ks[2], (IN_DIM, OUT_DIM), dtype=jnp.float32) * s_in
    bQ = jnp.zeros((OUT_DIM,), dtype=jnp.float32)
    WK = jax.random.normal(ks[3], (IN_DIM, OUT_DIM), dtype=jnp.float32) * s_in
    bK = jnp.zeros((OUT_DIM,), dtype=jnp.float32)
    WV = jax.random.normal(ks[4], (IN_DIM, OUT_DIM), dtype=jnp.float32) * s_in
    bV = jnp.zeros((OUT_DIM,), dtype=jnp.float32)
    WO = jax.random.normal(ks[5], (OUT_DIM, OUT_DIM), dtype=jnp.float32) * s_out
    bO = jnp.zeros((OUT_DIM,), dtype=jnp.float32)
    return {"h_flat": h_flat, "edge_index": edge_index, "batch_index": batch_index,
            "WQ": WQ, "bQ": bQ, "WK": WK, "bK": bK, "WV": WV, "bV": bV,
            "WO": WO, "bO": bO}


def _segment_softmax(vals, seg_ids, num_segments, indices_are_sorted=False):
    smax = jax.ops.segment_max(vals, seg_ids, num_segments=num_segments,
                               indices_are_sorted=indices_are_sorted)
    smax = jnp.where(jnp.isfinite(smax), smax, 0.0)
    ex = jnp.exp(vals - jax.lax.stop_gradient(smax)[seg_ids])
    den = jax.ops.segment_sum(ex, seg_ids, num_segments=num_segments,
                              indices_are_sorted=indices_are_sorted)
    return ex / (den[seg_ids] + 1e-16)


def reference(h_flat, edge_index, batch_index, WQ, bQ, WK, bK, WV, bV, WO, bO):
    src = edge_index[0]
    dst = edge_index[1]
    perm = jnp.argsort(dst, stable=True)
    src_s = src[perm]
    dst_s = dst[perm]
    # GraphTransformerLayer(hidden_dim=128, out_dim=116, heads=2)
    Q = (h_flat @ WQ + bQ).reshape(N, HEADS, DH)
    K = (h_flat @ WK + bK).reshape(N, HEADS, DH)
    V = (h_flat @ WV + bV).reshape(N, HEADS, DH)
    scores = jnp.sum(Q[dst_s] * K[src_s], axis=-1) / jnp.sqrt(float(DH))  # [E, H]
    alpha_e = _segment_softmax(scores, dst_s, N, indices_are_sorted=True)  # [E, H]
    msg = alpha_e[:, :, None] * V[src_s]                                   # [E, H, DH]
    h_att = jax.ops.segment_sum(msg, dst_s, num_segments=N,
                                indices_are_sorted=True).reshape(N, OUT_DIM)
    h_proj = h_att @ WO + bO                                          # [N, 116]
    # NodeAttention head (dropout is inactive in eval mode)
    e = h_proj.mean(axis=-1)                                          # [N]
    alpha = _segment_softmax(e, batch_index, B, indices_are_sorted=True)  # [N]
    h_weighted = alpha[:, None] * h_proj                              # [N, 116]
    alpha_map = alpha.reshape(B, OUT_DIM)                             # [86, 116]
    return (alpha_map, h_weighted)

if __name__ == "__main__":
    import jax
    _d = setup_inputs()
    print(jax.jit(kernel)(*tuple(_d.values())))

</pallas_src>

<mosaic_0001>
#map = affine_map<(d0, d1) -> (0, 0)>
#map1 = affine_map<(d0, d1) -> (0)>
module attributes {stable_mosaic.version = 14 : i64} {
  func.func @_edge_body(%arg0: i32, %arg1: i32, %arg2: memref<9984x128xf32, #tpu.memory_space<hbm>>, %arg3: memref<9984x256xf32, #tpu.memory_space<hbm>>, %arg4: memref<655360xi32, #tpu.memory_space<hbm>>, %arg5: memref<655360xi32, #tpu.memory_space<hbm>>, %arg6: memref<9984x128xf32, #tpu.memory_space<hbm>>, %arg7: memref<9984x128xf32, #tpu.memory_space<hbm>>, %arg8: memref<9984x128xf32, #tpu.memory_space<hbm>>, %arg9: memref<64xi32, #tpu.memory_space<vmem>>, %arg10: memref<64xi32, #tpu.memory_space<vmem>>, %arg11: memref<64xi32, #tpu.memory_space<vmem>>, %arg12: memref<64xi32, #tpu.memory_space<vmem>>, %arg13: memref<64xi32, #tpu.memory_space<vmem>>, %arg14: memref<64xi32, #tpu.memory_space<vmem>>, %arg15: memref<64x128xf32, #tpu.memory_space<vmem>>, %arg16: memref<64x256xf32, #tpu.memory_space<vmem>>, %arg17: memref<64x128xf32, #tpu.memory_space<vmem>>, %arg18: memref<64x256xf32, #tpu.memory_space<vmem>>, %arg19: memref<9984x128xf32, #tpu.memory_space<vmem_shared>>, %arg20: memref<!tpu.dma_semaphore, #tpu.memory_space<semaphore_mem>>, %arg21: memref<!tpu.dma_semaphore, #tpu.memory_space<semaphore_mem>>, %arg22: memref<!tpu.dma_semaphore, #tpu.memory_space<semaphore_mem>>, %arg23: memref<!tpu.dma_semaphore, #tpu.memory_space<semaphore_mem>>, %arg24: memref<!tpu.dma_semaphore, #tpu.memory_space<semaphore_mem>>, %arg25: memref<!tpu.dma_semaphore, #tpu.memory_space<semaphore_mem>>) attributes {dimension_semantics = [#tpu.dimension_semantics<core_parallel>, #tpu.dimension_semantics<subcore_parallel>], iteration_bounds = array<i64: 2, 16>, scalar_prefetch = 0 : i64, scratch_operands = 17 : i64, tpu.core_type = #tpu.core_type<sc_vector_subcore>, window_params = [{transform_indices = #map}, {transform_indices = #map}, {transform_indices = #map1}, {transform_indices = #map1}, {transform_indices = #map}, {transform_indices = #map}, {transform_indices = #map}]} {
    %mul3A = arith.constant 624 : i32
    %mul3A_0 = arith.muli %arg1, %mul3A : i32
    %mul3A_1 = arith.constant 624 : i32
    %mul3A_2 = arith.muli %arg1, %mul3A_1 : i32
    "tpu.region"() ({
      %run_scoped3A = tpu.sem_alloc : memref<!tpu.dma_semaphore, #tpu.memory_space<semaphore_mem>>
      %dma_start3A_35 = arith.constant 0 : i32
      %dma_start3A_36 = tpu.memref_slice %arg19[%mul3A_2, %dma_start3A_35] : memref<9984x128xf32, #tpu.memory_space<vmem_shared>> -> memref<624x128xf32, #tpu.memory_space<vmem_shared>>
      %dma_start3A_37 = arith.constant 0 : i32
      %dma_start3A_38 = tpu.memref_slice %arg6[%mul3A_0, %dma_start3A_37] : memref<9984x128xf32, #tpu.memory_space<hbm>> -> memref<624x128xf32, #tpu.memory_space<hbm>>
      tpu.enqueue_dma source(%dma_start3A_38 : memref<624x128xf32, #tpu.memory_space<hbm>>) target(%dma_start3A_36 : memref<624x128xf32, #tpu.memory_space<vmem_shared>>) target_semaphore(%run_scoped3A : memref<!tpu.dma_semaphore, #tpu.memory_space<semaphore_mem>>)
      %dma_wait3A_39 = arith.constant 0 : i32
      %dma_wait3A_40 = tpu.memref_slice %arg19[%mul3A_2, %dma_wait3A_39] : memref<9984x128xf32, #tpu.memory_space<vmem_shared>> -> memref<624x128xf32, #tpu.memory_space<vmem_shared>>
      %dma_wait3A_41 = arith.constant 0 : i32
      %dma_wait3A_42 = tpu.memref_slice %arg6[%mul3A_0, %dma_wait3A_41] : memref<9984x128xf32, #tpu.memory_space<hbm>> -> memref<624x128xf32, #tpu.memory_space<hbm>>
      tpu.wait_dma2 semaphore(%run_scoped3A : memref<!tpu.dma_semaphore, #tpu.memory_space<semaphore_mem>>) src(%dma_wait3A_42 : memref<624x128xf32, #tpu.memory_space<hbm>>) dst(%dma_wait3A_40 : memref<624x128xf32, #tpu.memory_space<vmem_shared>>)
      tpu.yield
    }) : () -> ()
    %barrier3A = arith.constant 0 : index
    tpu.barrier barrier_id(%barrier3A)
    %mul3A_3 = arith.constant 16 : i32
    %mul3A_4 = arith.muli %arg0, %mul3A_3 : i32
    %add3A = arith.addi %mul3A_4, %arg1 : i32
    %mul3A_5 = arith.constant 20480 : i32
    %mul3A_6 = arith.muli %add3A, %mul3A_5 : i32
    %iota3A = tpu.iota {dimensions = array<i32: 0>} : vector<16xi32>
    "tpu.region"() ({
      %run_scoped3A = tpu.sem_alloc : memref<!tpu.dma_semaphore, #tpu.memory_space<semaphore_mem>>
      %dma_start3A_35 = tpu.memref_slice %arg4[%mul3A_6] : memref<655360xi32, #tpu.memory_space<hbm>> -> memref<64xi32, #tpu.memory_space<hbm>>
      %dma_start3A_36 = tpu.memref_slice %arg4[%mul3A_6] : memref<655360xi32, #tpu.memory_space<hbm>> -> memref<64xi32, #tpu.memory_space<hbm>>
      tpu.enqueue_dma source(%dma_start3A_36 : memref<64xi32, #tpu.memory_space<hbm>>) target(%arg9 : memref<64xi32, #tpu.memory_space<vmem>>) target_semaphore(%run_scoped3A : memref<!tpu.dma_semaphore, #tpu.memory_space<semaphore_mem>>)
      %dma_wait3A_37 = tpu.memref_slice %arg4[%mul3A_6] : memref<655360xi32, #tpu.memory_space<hbm>> -> memref<64xi32, #tpu.memory_space<hbm>>
      %dma_wait3A_38 = tpu.memref_slice %arg4[%mul3A_6] : memref<655360xi32, #tpu.memory_space<hbm>> -> memref<64xi32, #tpu.memory_space<hbm>>
      tpu.wait_dma2 semaphore(%run_scoped3A : memref<!tpu.dma_semaphore, #tpu.memory_space<semaphore_mem>>) src(%dma_wait3A_38 : memref<64xi32, #tpu.memory_space<hbm>>) dst(%arg9 : memref<64xi32, #tpu.memory_space<vmem>>)
      tpu.yield
    }) : () -> ()
    "tpu.region"() ({
      %run_scoped3A = tpu.sem_alloc : memref<!tpu.dma_semaphore, #tpu.memory_space<semaphore_mem>>
      %dma_start3A_35 = tpu.memref_slice %arg5[%mul3A_6] : memref<655360xi32, #tpu.memory_space<hbm>> -> memref<64xi32, #tpu.memory_space<hbm>>
      %dma_start3A_36 = tpu.memref_slice %arg5[%mul3A_6] : memref<655360xi32, #tpu.memory_space<hbm>> -> memref<64xi32, #tpu.memory_space<hbm>>
      tpu.enqueue_dma source(%dma_start3A_36 : memref<64xi32, #tpu.memory_space<hbm>>) target(%arg10 : memref<64xi32, #tpu.memory_space<vmem>>) target_semaphore(%run_scoped3A : memref<!tpu.dma_semaphore, #tpu.memory_space<semaphore_mem>>)
      %dma_wait3A_37 = tpu.memref_slice %arg5[%mul3A_6] : memref<655360xi32, #tpu.memory_space<hbm>> -> memref<64xi32, #tpu.memory_space<hbm>>
      %dma_wait3A_38 = tpu.memref_slice %arg5[%mul3A_6] : memref<655360xi32, #tpu.memory_space<hbm>> -> memref<64xi32, #tpu.memory_space<hbm>>
      tpu.wait_dma2 semaphore(%run_scoped3A : memref<!tpu.dma_semaphore, #tpu.memory_space<semaphore_mem>>) src(%dma_wait3A_38 : memref<64xi32, #tpu.memory_space<hbm>>) dst(%arg10 : memref<64xi32, #tpu.memory_space<vmem>>)
      tpu.yield
    }) : () -> ()
    %dma_start3A = arith.constant 0 : i32
    %dma_start3A_7 = arith.constant 0 : i32
    %dma_start3A_8 = tpu.memref_slice %arg2[%dma_start3A, %dma_start3A_7] : memref<9984x128xf32, #tpu.memory_space<hbm>> -> memref<9984x128xf32, #tpu.memory_space<hbm>>
    tpu.enqueue_indirect_dma source(%dma_start3A_8 : memref<9984x128xf32, #tpu.memory_space<hbm>>) target(%arg15 : memref<64x128xf32, #tpu.memory_space<vmem>>) offsets(%arg10 : memref<64xi32, #tpu.memory_space<vmem>>) semaphore(%arg20 : memref<!tpu.dma_semaphore, #tpu.memory_space<semaphore_mem>>)
    %dma_start3A_9 = arith.constant 0 : i32
    %dma_start3A_10 = arith.constant 0 : i32
    %dma_start3A_11 = tpu.memref_slice %arg3[%dma_start3A_9, %dma_start3A_10] : memref<9984x256xf32, #tpu.memory_space<hbm>> -> memref<9984x256xf32, #tpu.memory_space<hbm>>
    tpu.enqueue_indirect_dma source(%dma_start3A_11 : memref<9984x256xf32, #tpu.memory_space<hbm>>) target(%arg16 : memref<64x256xf32, #tpu.memory_space<vmem>>) offsets(%arg9 : memref<64xi32, #tpu.memory_space<vmem>>) semaphore(%arg20 : memref<!tpu.dma_semaphore, #tpu.memory_space<semaphore_mem>>)
    %add3A_12 = arith.constant 64 : i32
    %add3A_13 = arith.addi %mul3A_6, %add3A_12 : i32
    %dma_start3A_14 = tpu.memref_slice %arg4[%add3A_13] : memref<655360xi32, #tpu.memory_space<hbm>> -> memref<64xi32, #tpu.memory_space<hbm>>
    %dma_start3A_15 = tpu.memref_slice %arg4[%add3A_13] : memref<655360xi32, #tpu.memory_space<hbm>> -> memref<64xi32, #tpu.memory_space<hbm>>
    tpu.enqueue_dma source(%dma_start3A_15 : memref<64xi32, #tpu.memory_space<hbm>>) target(%arg11 : memref<64xi32, #tpu.memory_space<vmem>>) target_semaphore(%arg23 : memref<!tpu.dma_semaphore, #tpu.memory_space<semaphore_mem>>)
    %add3A_16 = arith.constant 64 : i32
    %add3A_17 = arith.addi %mul3A_6, %add3A_16 : i32
    %dma_start3A_18 = tpu.memref_slice %arg5[%add3A_17] : memref<655360xi32, #tpu.memory_space<hbm>> -> memref<64xi32, #tpu.memory_space<hbm>>
    %dma_start3A_19 = tpu.memref_slice %arg5[%add3A_17] : memref<655360xi32, #tpu.memory_space<hbm>> -> memref<64xi32, #tpu.memory_space<hbm>>
    tpu.enqueue_dma source(%dma_start3A_19 : memref<64xi32, #tpu.memory_space<hbm>>) target(%arg12 : memref<64xi32, #tpu.memory_space<vmem>>) target_semaphore(%arg23 : memref<!tpu.dma_semaphore, #tpu.memory_space<semaphore_mem>>)
    %scan3A = arith.constant 0 : i32
    %scan3A_20 = arith.constant 0 : i32
    %scan3A_21 = arith.constant 160 : i32
    %scan3A_22 = arith.addi %scan3A_20, %scan3A_21 : i32
    %scan3A_23 = arith.constant 1 : i32
    scf.for %scan3A_35 = %scan3A_20 to %scan3A_22 step %scan3A_23  : i32 {
      %mul3A_36 = arith.constant 2 : i32
      %mul3A_37 = arith.muli %mul3A_36, %scan3A_35 : i32
      %add3A_38 = arith.constant 1 : i32
      %add3A_39 = arith.addi %mul3A_37, %add3A_38 : i32
      %mul3A_40 = arith.constant 64 : i32
      %mul3A_41 = arith.muli %add3A_39, %mul3A_40 : i32
      %add3A_42 = arith.addi %mul3A_6, %mul3A_41 : i32
      %dma_wait3A_43 = tpu.memref_slice %arg4[%add3A_42] : memref<655360xi32, #tpu.memory_space<hbm>> -> memref<64xi32, #tpu.memory_space<hbm>>
      %dma_wait3A_44 = tpu.memref_slice %arg4[%add3A_42] : memref<655360xi32, #tpu.memory_space<hbm>> -> memref<64xi32, #tpu.memory_space<hbm>>
      tpu.wait_dma2 semaphore(%arg23 : memref<!tpu.dma_semaphore, #tpu.memory_space<semaphore_mem>>) src(%dma_wait3A_44 : memref<64xi32, #tpu.memory_space<hbm>>) dst(%arg11 : memref<64xi32, #tpu.memory_space<vmem>>)
      %add3A_45 = arith.constant 1 : i32
      %add3A_46 = arith.addi %mul3A_37, %add3A_45 : i32
      %mul3A_47 = arith.constant 64 : i32
      %mul3A_48 = arith.muli %add3A_46, %mul3A_47 : i32
      %add3A_49 = arith.addi %mul3A_6, %mul3A_48 : i32
      %dma_wait3A_50 = tpu.memref_slice %arg5[%add3A_49] : memref<655360xi32, #tpu.memory_space<hbm>> -> memref<64xi32, #tpu.memory_space<hbm>>
      %dma_wait3A_51 = tpu.memref_slice %arg5[%add3A_49] : memref<655360xi32, #tpu.memory_space<hbm>> -> memref<64xi32, #tpu.memory_space<hbm>>
      tpu.wait_dma2 semaphore(%arg23 : memref<!tpu.dma_semaphore, #tpu.memory_space<semaphore_mem>>) src(%dma_wait3A_51 : memref<64xi32, #tpu.memory_space<hbm>>) dst(%arg12 : memref<64xi32, #tpu.memory_space<vmem>>)
      %gt3A = arith.constant 0 : i32
      %gt3A_52 = arith.cmpi sgt, %scan3A_35, %gt3A : i32
      %convert_element_type3A_53 = arith.extui %gt3A_52 : i1 to i32
      %cond3A_54 = arith.constant 0 : i32
      %cond3A_55 = arith.cmpi ne, %convert_element_type3A_53, %cond3A_54 : i32
      scf.if %cond3A_55 {
        %dma_wait3A_176 = arith.constant 0 : i32
        %dma_wait3A_177 = arith.constant 0 : i32
        %dma_wait3A_178 = tpu.memref_slice %arg19[%dma_wait3A_176, %dma_wait3A_177] : memref<9984x128xf32, #tpu.memory_space<vmem_shared>> -> memref<9984x128xf32, #tpu.memory_space<vmem_shared>>
        tpu.wait_indirect_dma semaphore(%arg25 : memref<!tpu.dma_semaphore, #tpu.memory_space<semaphore_mem>>) src(%arg17 : memref<64x128xf32, #tpu.memory_space<vmem>>) dst(%dma_wait3A_178 : memref<9984x128xf32, #tpu.memory_space<vmem_shared>>)
      } else {
      }
      %dma_start3A_56 = arith.constant 0 : i32
      %dma_start3A_57 = arith.constant 0 : i32
      %dma_start3A_58 = tpu.memref_slice %arg2[%dma_start3A_56, %dma_start3A_57] : memref<9984x128xf32, #tpu.memory_space<hbm>> -> memref<9984x128xf32, #tpu.memory_space<hbm>>
      tpu.enqueue_indirect_dma source(%dma_start3A_58 : memref<9984x128xf32, #tpu.memory_space<hbm>>) target(%arg17 : memref<64x128xf32, #tpu.memory_space<vmem>>) offsets(%arg12 : memref<64xi32, #tpu.memory_space<vmem>>) semaphore(%arg21 : memref<!tpu.dma_semaphore, #tpu.memory_space<semaphore_mem>>)
      %dma_start3A_59 = arith.constant 0 : i32
      %dma_start3A_60 = arith.constant 0 : i32
      %dma_start3A_61 = tpu.memref_slice %arg3[%dma_start3A_59, %dma_start3A_60] : memref<9984x256xf32, #tpu.memory_space<hbm>> -> memref<9984x256xf32, #tpu.memory_space<hbm>>
      tpu.enqueue_indirect_dma source(%dma_start3A_61 : memref<9984x256xf32, #tpu.memory_space<hbm>>) target(%arg18 : memref<64x256xf32, #tpu.memory_space<vmem>>) offsets(%arg11 : memref<64xi32, #tpu.memory_space<vmem>>) semaphore(%arg21 : memref<!tpu.dma_semaphore, #tpu.memory_space<semaphore_mem>>)
      %dma_wait3A_62 = arith.constant 0 : i32
      %dma_wait3A_63 = arith.constant 0 : i32
      %dma_wait3A_64 = tpu.memref_slice %arg2[%dma_wait3A_62, %dma_wait3A_63] : memref<9984x128xf32, #tpu.memory_space<hbm>> -> memref<9984x128xf32, #tpu.memory_space<hbm>>
      tpu.wait_indirect_dma semaphore(%arg20 : memref<!tpu.dma_semaphore, #tpu.memory_space<semaphore_mem>>) src(%dma_wait3A_64 : memref<9984x128xf32, #tpu.memory_space<hbm>>) dst(%arg15 : memref<64x128xf32, #tpu.memory_space<vmem>>)
      %dma_wait3A_65 = arith.constant 0 : i32
      %dma_wait3A_66 = arith.constant 0 : i32
      %dma_wait3A_67 = tpu.memref_slice %arg3[%dma_wait3A_65, %dma_wait3A_66] : memref<9984x256xf32, #tpu.memory_space<hbm>> -> memref<9984x256xf32, #tpu.memory_space<hbm>>
      tpu.wait_indirect_dma semaphore(%arg20 : memref<!tpu.dma_semaphore, #tpu.memory_space<semaphore_mem>>) src(%dma_wait3A_67 : memref<9984x256xf32, #tpu.memory_space<hbm>>) dst(%arg16 : memref<64x256xf32, #tpu.memory_space<vmem>>)
      %get3A = arith.constant 0 : index
      %get3A_68 = tpu.vector_load %arg10[%get3A] {strides = array<i32>} : memref<64xi32, #tpu.memory_space<vmem>>, vector<16xi32>,
      %get3A_69 = vector.shape_cast %get3A_68 : vector<16xi32> to vector<16xi32>
      %swap3A = arith.constant 0 : index
      %swap3A_70 = tpu.vector_load %arg13[%swap3A] {strides = array<i32>} : memref<64xi32, #tpu.memory_space<vmem>>, vector<16xi32>,
      %swap3A_71 = vector.shape_cast %swap3A_70 : vector<16xi32> to vector<16xi32>
      %swap3A_72 = vector.shape_cast %get3A_69 : vector<16xi32> to vector<16xi32>
      tpu.vector_store %arg13[%swap3A], %swap3A_72 {strides = array<i32>} : memref<64xi32, #tpu.memory_space<vmem>>, vector<16xi32>,
      %get3A_73 = arith.constant 16 : index
      %get3A_74 = tpu.vector_load %arg10[%get3A_73] {strides = array<i32>} : memref<64xi32, #tpu.memory_space<vmem>>, vector<16xi32>,
      %get3A_75 = vector.shape_cast %get3A_74 : vector<16xi32> to vector<16xi32>
      %swap3A_76 = arith.constant 16 : index
      %swap3A_77 = tpu.vector_load %arg13[%swap3A_76] {strides = array<i32>} : memref<64xi32, #tpu.memory_space<vmem>>, vector<16xi32>,
      %swap3A_78 = vector.shape_cast %swap3A_77 : vector<16xi32> to vector<16xi32>
      %swap3A_79 = vector.shape_cast %get3A_75 : vector<16xi32> to vector<16xi32>
      tpu.vector_store %arg13[%swap3A_76], %swap3A_79 {strides = array<i32>} : memref<64xi32, #tpu.memory_space<vmem>>, vector<16xi32>,
      %get3A_80 = arith.constant 32 : index
      %get3A_81 = tpu.vector_load %arg10[%get3A_80] {strides = array<i32>} : memref<64xi32, #tpu.memory_space<vmem>>, vector<16xi32>,
      %get3A_82 = vector.shape_cast %get3A_81 : vector<16xi32> to vector<16xi32>
      %swap3A_83 = arith.constant 32 : index
      %swap3A_84 = tpu.vector_load %arg13[%swap3A_83] {strides = array<i32>} : memref<64xi32, #tpu.memory_space<vmem>>, vector<16xi32>,
      %swap3A_85 = vector.shape_cast %swap3A_84 : vector<16xi32> to vector<16xi32>
      %swap3A_86 = vector.shape_cast %get3A_82 : vector<16xi32> to vector<16xi32>
      tpu.vector_store %arg13[%swap3A_83], %swap3A_86 {strides = array<i32>} : memref<64xi32, #tpu.memory_space<vmem>>, vector<16xi32>,
      %get3A_87 = arith.constant 48 : index
      %get3A_88 = tpu.vector_load %arg10[%get3A_87] {strides = array<i32>} : memref<64xi32, #tpu.memory_space<vmem>>, vector<16xi32>,
      %get3A_89 = vector.shape_cast %get3A_88 : vector<16xi32> to vector<16xi32>
      %swap3A_90 = arith.constant 48 : index
      %swap3A_91 = tpu.vector_load %arg13[%swap3A_90] {strides = array<i32>} : memref<64xi32, #tpu.memory_space<vmem>>, vector<16xi32>,
      %swap3A_92 = vector.shape_cast %swap3A_91 : vector<16xi32> to vector<16xi32>
      %swap3A_93 = vector.shape_cast %get3A_89 : vector<16xi32> to vector<16xi32>
      tpu.vector_store %arg13[%swap3A_90], %swap3A_93 {strides = array<i32>} : memref<64xi32, #tpu.memory_space<vmem>>, vector<16xi32>,
      %add3A_94 = arith.constant 1 : i32
      %add3A_95 = arith.addi %scan3A_35, %add3A_94 : i32
      %lt3A = arith.constant 160 : i32
      %lt3A_96 = arith.cmpi slt, %add3A_95, %lt3A : i32
      %convert_element_type3A_97 = arith.extui %lt3A_96 : i1 to i32
      %cond3A_98 = arith.constant 0 : i32
      %cond3A_99 = arith.cmpi ne, %convert_element_type3A_97, %cond3A_98 : i32
      scf.if %cond3A_99 {
        %add3A_176 = arith.constant 2 : i32
        %add3A_177 = arith.addi %mul3A_37, %add3A_176 : i32
        %mul3A_178 = arith.constant 64 : i32
        %mul3A_179 = arith.muli %add3A_177, %mul3A_178 : i32
        %add3A_180 = arith.addi %mul3A_6, %mul3A_179 : i32
        %dma_start3A_181 = tpu.memref_slice %arg4[%add3A_180] : memref<655360xi32, #tpu.memory_space<hbm>> -> memref<64xi32, #tpu.memory_space<hbm>>
        %dma_start3A_182 = tpu.memref_slice %arg4[%add3A_180] : memref<655360xi32, #tpu.memory_space<hbm>> -> memref<64xi32, #tpu.memory_space<hbm>>
        tpu.enqueue_dma source(%dma_start3A_182 : memref<64xi32, #tpu.memory_space<hbm>>) target(%arg9 : memref<64xi32, #tpu.memory_space<vmem>>) target_semaphore(%arg22 : memref<!tpu.dma_semaphore, #tpu.memory_space<semaphore_mem>>)
        %dma_start3A_183 = tpu.memref_slice %arg5[%add3A_180] : memref<655360xi32, #tpu.memory_space<hbm>> -> memref<64xi32, #tpu.memory_space<hbm>>
        %dma_start3A_184 = tpu.memref_slice %arg5[%add3A_180] : memref<655360xi32, #tpu.memory_space<hbm>> -> memref<64xi32, #tpu.memory_space<hbm>>
        tpu.enqueue_dma source(%dma_start3A_184 : memref<64xi32, #tpu.memory_space<hbm>>) target(%arg10 : memref<64xi32, #tpu.memory_space<vmem>>) target_semaphore(%arg22 : memref<!tpu.dma_semaphore, #tpu.memory_space<semaphore_mem>>)
      } else {
      }
      %scan3A_100 = arith.constant 0 : i32
      %scan3A_101 = arith.constant 0 : i32
      %scan3A_102 = arith.constant 16 : i32
      %scan3A_103 = arith.addi %scan3A_101, %scan3A_102 : i32
      %scan3A_104 = arith.constant 1 : i32
      scf.for %scan3A_176 = %scan3A_101 to %scan3A_103 step %scan3A_104  : i32 {
        %mul3A_177 = arith.constant 4 : i32
        %mul3A_178 = arith.muli %scan3A_176, %mul3A_177 : i32
        %add3A_179 = arith.constant 0 : i32
        %add3A_180 = arith.addi %mul3A_178, %add3A_179 : i32
        %get3A_181 = arith.index_cast %add3A_180 : i32 to index
        %get3A_182 = arith.constant 0 : index
        %get3A_183 = tpu.vector_load %arg15[%get3A_181, %get3A_182] {strides = array<i32>} : memref<64x128xf32, #tpu.memory_space<vmem>>, vector<1x16xf32>,
        %get3A_184 = vector.shape_cast %get3A_183 : vector<1x16xf32> to vector<16xf32>
        %get3A_185 = arith.index_cast %add3A_180 : i32 to index
        %get3A_186 = arith.constant 0 : index
        %get3A_187 = tpu.vector_load %arg16[%get3A_185, %get3A_186] {strides = array<i32>} : memref<64x256xf32, #tpu.memory_space<vmem>>, vector<1x16xf32>,
        %get3A_188 = vector.shape_cast %get3A_187 : vector<1x16xf32> to vector<16xf32>
        %mul3A_189 = arith.mulf %get3A_184, %get3A_188 : vector<16xf32>
        %get3A_190 = arith.index_cast %add3A_180 : i32 to index
        %get3A_191 = arith.constant 16 : index
        %get3A_192 = tpu.vector_load %arg15[%get3A_190, %get3A_191] {strides = array<i32>} : memref<64x128xf32, #tpu.memory_space<vmem>>, vector<1x16xf32>,
        %get3A_193 = vector.shape_cast %get3A_192 : vector<1x16xf32> to vector<16xf32>
        %get3A_194 = arith.index_cast %add3A_180 : i32 to index
        %get3A_195 = arith.constant 16 : index
        %get3A_196 = tpu.vector_load %arg16[%get3A_194, %get3A_195] {strides = array<i32>} : memref<64x256xf32, #tpu.memory_space<vmem>>, vector<1x16xf32>,
        %get3A_197 = vector.shape_cast %get3A_196 : vector<1x16xf32> to vector<16xf32>
        %mul3A_198 = arith.mulf %get3A_193, %get3A_197 : vector<16xf32>
        %add3A_199 = arith.addf %mul3A_189, %mul3A_198 : vector<16xf32>
        %get3A_200 = arith.index_cast %add3A_180 : i32 to index
        %get3A_201 = arith.constant 32 : index
        %get3A_202 = tpu.vector_load %arg15[%get3A_200, %get3A_201] {strides = array<i32>} : memref<64x128xf32, #tpu.memory_space<vmem>>, vector<1x16xf32>,
        %get3A_203 = vector.shape_cast %get3A_202 : vector<1x16xf32> to vector<16xf32>
        %get3A_204 = arith.index_cast %add3A_180 : i32 to index
        %get3A_205 = arith.constant 32 : index
        %get3A_206 = tpu.vector_load %arg16[%get3A_204, %get3A_205] {strides = array<i32>} : memref<64x256xf32, #tpu.memory_space<vmem>>, vector<1x16xf32>,
        %get3A_207 = vector.shape_cast %get3A_206 : vector<1x16xf32> to vector<16xf32>
        %mul3A_208 = arith.mulf %get3A_203, %get3A_207 : vector<16xf32>
        %add3A_209 = arith.addf %add3A_199, %mul3A_208 : vector<16xf32>
        %get3A_210 = arith.index_cast %add3A_180 : i32 to index
        %get3A_211 = arith.constant 48 : index
        %get3A_212 = tpu.vector_load %arg15[%get3A_210, %get3A_211] {strides = array<i32>} : memref<64x128xf32, #tpu.memory_space<vmem>>, vector<1x16xf32>,
        %get3A_213 = vector.shape_cast %get3A_212 : vector<1x16xf32> to vector<16xf32>
        %get3A_214 = arith.index_cast %add3A_180 : i32 to index
        %get3A_215 = arith.constant 48 : index
        %get3A_216 = tpu.vector_load %arg16[%get3A_214, %get3A_215] {strides = array<i32>} : memref<64x256xf32, #tpu.memory_space<vmem>>, vector<1x16xf32>,
        %get3A_217 = vector.shape_cast %get3A_216 : vector<1x16xf32> to vector<16xf32>
        %mul3A_218 = arith.mulf %get3A_213, %get3A_217 : vector<16xf32>
        %add3A_219 = arith.addf %add3A_209, %mul3A_218 : vector<16xf32>
        %get3A_220 = arith.index_cast %add3A_180 : i32 to index
        %get3A_221 = arith.constant 64 : index
        %get3A_222 = tpu.vector_load %arg15[%get3A_220, %get3A_221] {strides = array<i32>} : memref<64x128xf32, #tpu.memory_space<vmem>>, vector<1x16xf32>,
        %get3A_223 = vector.shape_cast %get3A_222 : vector<1x16xf32> to vector<16xf32>
        %get3A_224 = arith.index_cast %add3A_180 : i32 to index
        %get3A_225 = arith.constant 64 : index
        %get3A_226 = tpu.vector_load %arg16[%get3A_224, %get3A_225] {strides = array<i32>} : memref<64x256xf32, #tpu.memory_space<vmem>>, vector<1x16xf32>,
        %get3A_227 = vector.shape_cast %get3A_226 : vector<1x16xf32> to vector<16xf32>
        %mul3A_228 = arith.mulf %get3A_223, %get3A_227 : vector<16xf32>
        %get3A_229 = arith.index_cast %add3A_180 : i32 to index
        %get3A_230 = arith.constant 80 : index
        %get3A_231 = tpu.vector_load %arg15[%get3A_229, %get3A_230] {strides = array<i32>} : memref<64x128xf32, #tpu.memory_space<vmem>>, vector<1x16xf32>,
        %get3A_232 = vector.shape_cast %get3A_231 : vector<1x16xf32> to vector<16xf32>
        %get3A_233 = arith.index_cast %add3A_180 : i32 to index
        %get3A_234 = arith.constant 80 : index
        %get3A_235 = tpu.vector_load %arg16[%get3A_233, %get3A_234] {strides = array<i32>} : memref<64x256xf32, #tpu.memory_space<vmem>>, vector<1x16xf32>,
        %get3A_236 = vector.shape_cast %get3A_235 : vector<1x16xf32> to vector<16xf32>
        %mul3A_237 = arith.mulf %get3A_232, %get3A_236 : vector<16xf32>
        %add3A_238 = arith.addf %mul3A_228, %mul3A_237 : vector<16xf32>
        %get3A_239 = arith.index_cast %add3A_180 : i32 to index
        %get3A_240 = arith.constant 96 : index
        %get3A_241 = tpu.vector_load %arg15[%get3A_239, %get3A_240] {strides = array<i32>} : memref<64x128xf32, #tpu.memory_space<vmem>>, vector<1x16xf32>,
        %get3A_242 = vector.shape_cast %get3A_241 : vector<1x16xf32> to vector<16xf32>
        %get3A_243 = arith.index_cast %add3A_180 : i32 to index
        %get3A_244 = arith.constant 96 : index
        %get3A_245 = tpu.vector_load %arg16[%get3A_243, %get3A_244] {strides = array<i32>} : memref<64x256xf32, #tpu.memory_space<vmem>>, vector<1x16xf32>,
        %get3A_246 = vector.shape_cast %get3A_245 : vector<1x16xf32> to vector<16xf32>
        %mul3A_247 = arith.mulf %get3A_242, %get3A_246 : vector<16xf32>
        %add3A_248 = arith.addf %add3A_238, %mul3A_247 : vector<16xf32>
        %get3A_249 = arith.index_cast %add3A_180 : i32 to index
        %get3A_250 = arith.constant 112 : index
        %get3A_251 = tpu.vector_load %arg15[%get3A_249, %get3A_250] {strides = array<i32>} : memref<64x128xf32, #tpu.memory_space<vmem>>, vector<1x16xf32>,
        %get3A_252 = vector.shape_cast %get3A_251 : vector<1x16xf32> to vector<16xf32>
        %get3A_253 = arith.index_cast %add3A_180 : i32 to index
        %get3A_254 = arith.constant 112 : index
        %get3A_255 = tpu.vector_load %arg16[%get3A_253, %get3A_254] {strides = array<i32>} : memref<64x256xf32, #tpu.memory_space<vmem>>, vector<1x16xf32>,
        %get3A_256 = vector.shape_cast %get3A_255 : vector<1x16xf32> to vector<16xf32>
        %mul3A_257 = arith.mulf %get3A_252, %get3A_256 : vector<16xf32>
        %add3A_258 = arith.addf %add3A_248, %mul3A_257 : vector<16xf32>
        %xor3A = arith.constant 1 : i32
        %xor3A_259 = vector.broadcast %xor3A : i32 to vector<16xi32>
        %xor3A_260 = arith.xori %iota3A, %xor3A_259 : vector<16xi32>
        %broadcast_in_dim3A = vector.shape_cast %xor3A_260 : vector<16xi32> to vector<16x1xi32>
        %gather3A = vector.shape_cast %broadcast_in_dim3A : vector<16x1xi32> to vector<16xi32>
        %gather3A_261 = tpu.dynamic_gather %add3A_219[%gather3A] in [0] : vector<16xf32>, vector<16xi32> -> vector<16xf32>
        %add3A_262 = arith.addf %add3A_219, %gather3A_261 : vector<16xf32>
        %broadcast_in_dim3A_263 = vector.shape_cast %xor3A_260 : vector<16xi32> to vector<16x1xi32>
        %gather3A_264 = vector.shape_cast %broadcast_in_dim3A_263 : vector<16x1xi32> to vector<16xi32>
        %gather3A_265 = tpu.dynamic_gather %add3A_258[%gather3A_264] in [0] : vector<16xf32>, vector<16xi32> -> vector<16xf32>
        %add3A_266 = arith.addf %add3A_258, %gather3A_265 : vector<16xf32>
        %xor3A_267 = arith.constant 2 : i32
        %xor3A_268 = vector.broadcast %xor3A_267 : i32 to vector<16xi32>
        %xor3A_269 = arith.xori %iota3A, %xor3A_268 : vector<16xi32>
        %broadcast_in_dim3A_270 = vector.shape_cast %xor3A_269 : vector<16xi32> to vector<16x1xi32>
        %gather3A_271 = vector.shape_cast %broadcast_in_dim3A_270 : vector<16x1xi32> to vector<16xi32>
        %gather3A_272 = tpu.dynamic_gather %add3A_262[%gather3A_271] in [0] : vector<16xf32>, vector<16xi32> -> vector<16xf32>
        %add3A_273 = arith.addf %add3A_262, %gather3A_272 : vector<16xf32>
        %broadcast_in_dim3A_274 = vector.shape_cast %xor3A_269 : vector<16xi32> to vector<16x1xi32>
        %gather3A_275 = vector.shape_cast %broadcast_in_dim3A_274 : vector<16x1xi32> to vector<16xi32>
        %gather3A_276 = tpu.dynamic_gather %add3A_266[%gather3A_275] in [0] : vector<16xf32>, vector<16xi32> -> vector<16xf32>
        %add3A_277 = arith.addf %add3A_266, %gather3A_276 : vector<16xf32>
        %xor3A_278 = arith.constant 4 : i32
        %xor3A_279 = vector.broadcast %xor3A_278 : i32 to vector<16xi32>
        %xor3A_280 = arith.xori %iota3A, %xor3A_279 : vector<16xi32>
        %broadcast_in_dim3A_281 = vector.shape_cast %xor3A_280 : vector<16xi32> to vector<16x1xi32>
        %gather3A_282 = vector.shape_cast %broadcast_in_dim3A_281 : vector<16x1xi32> to vector<16xi32>
        %gather3A_283 = tpu.dynamic_gather %add3A_273[%gather3A_282] in [0] : vector<16xf32>, vector<16xi32> -> vector<16xf32>
        %add3A_284 = arith.addf %add3A_273, %gather3A_283 : vector<16xf32>
        %broadcast_in_dim3A_285 = vector.shape_cast %xor3A_280 : vector<16xi32> to vector<16x1xi32>
        %gather3A_286 = vector.shape_cast %broadcast_in_dim3A_285 : vector<16x1xi32> to vector<16xi32>
        %gather3A_287 = tpu.dynamic_gather %add3A_277[%gather3A_286] in [0] : vector<16xf32>, vector<16xi32> -> vector<16xf32>
        %add3A_288 = arith.addf %add3A_277, %gather3A_287 : vector<16xf32>
        %xor3A_289 = arith.constant 8 : i32
        %xor3A_290 = vector.broadcast %xor3A_289 : i32 to vector<16xi32>
        %xor3A_291 = arith.xori %iota3A, %xor3A_290 : vector<16xi32>
        %broadcast_in_dim3A_292 = vector.shape_cast %xor3A_291 : vector<16xi32> to vector<16x1xi32>
        %gather3A_293 = vector.shape_cast %broadcast_in_dim3A_292 : vector<16x1xi32> to vector<16xi32>
        %gather3A_294 = tpu.dynamic_gather %add3A_284[%gather3A_293] in [0] : vector<16xf32>, vector<16xi32> -> vector<16xf32>
        %add3A_295 = arith.addf %add3A_284, %gather3A_294 : vector<16xf32>
        %broadcast_in_dim3A_296 = vector.shape_cast %xor3A_291 : vector<16xi32> to vector<16x1xi32>
        %gather3A_297 = vector.shape_cast %broadcast_in_dim3A_296 : vector<16x1xi32> to vector<16xi32>
        %gather3A_298 = tpu.dynamic_gather %add3A_288[%gather3A_297] in [0] : vector<16xf32>, vector<16xi32> -> vector<16xf32>
        %add3A_299 = arith.addf %add3A_288, %gather3A_298 : vector<16xf32>
        %mul3A_300 = arith.constant 0.13130644 : f32
        %mul3A_301 = vector.broadcast %mul3A_300 : f32 to vector<16xf32>
        %mul3A_302 = arith.mulf %add3A_295, %mul3A_301 : vector<16xf32>
        %exp3A = math.exp %mul3A_302 : vector<16xf32>
        %mul3A_303 = arith.constant 0.13130644 : f32
        %mul3A_304 = vector.broadcast %mul3A_303 : f32 to vector<16xf32>
        %mul3A_305 = arith.mulf %add3A_299, %mul3A_304 : vector<16xf32>
        %exp3A_306 = math.exp %mul3A_305 : vector<16xf32>
        %get3A_307 = arith.index_cast %add3A_180 : i32 to index
        %get3A_308 = arith.constant 128 : index
        %get3A_309 = tpu.vector_load %arg16[%get3A_307, %get3A_308] {strides = array<i32>} : memref<64x256xf32, #tpu.memory_space<vmem>>, vector<1x16xf32>,
        %get3A_310 = vector.shape_cast %get3A_309 : vector<1x16xf32> to vector<16xf32>
        %mul3A_311 = arith.mulf %exp3A, %get3A_310 : vector<16xf32>
        %swap3A_312 = arith.index_cast %add3A_180 : i32 to index
        %swap3A_313 = arith.constant 0 : index
        %swap3A_314 = tpu.vector_load %arg15[%swap3A_312, %swap3A_313] {strides = array<i32>} : memref<64x128xf32, #tpu.memory_space<vmem>>, vector<1x16xf32>,
        %swap3A_315 = vector.shape_cast %swap3A_314 : vector<1x16xf32> to vector<16xf32>
        %swap3A_316 = vector.shape_cast %mul3A_311 : vector<16xf32> to vector<1x16xf32>
        tpu.vector_store %arg15[%swap3A_312, %swap3A_313], %swap3A_316 {strides = array<i32>} : memref<64x128xf32, #tpu.memory_space<vmem>>, vector<1x16xf32>,
        %get3A_317 = arith.index_cast %add3A_180 : i32 to index
        %get3A_318 = arith.constant 144 : index
        %get3A_319 = tpu.vector_load %arg16[%get3A_317, %get3A_318] {strides = array<i32>} : memref<64x256xf32, #tpu.memory_space<vmem>>, vector<1x16xf32>,
        %get3A_320 = vector.shape_cast %get3A_319 : vector<1x16xf32> to vector<16xf32>
        %mul3A_321 = arith.mulf %exp3A, %get3A_320 : vector<16xf32>
        %swap3A_322 = arith.index_cast %add3A_180 : i32 to index
        %swap3A_323 = arith.constant 16 : index
        %swap3A_324 = tpu.vector_load %arg15[%swap3A_322, %swap3A_323] {strides = array<i32>} : memref<64x128xf32, #tpu.memory_space<vmem>>, vector<1x16xf32>,
        %swap3A_325 = vector.shape_cast %swap3A_324 : vector<1x16xf32> to vector<16xf32>
        %swap3A_326 = vector.shape_cast %mul3A_321 : vector<16xf32> to vector<1x16xf32>
        tpu.vector_store %arg15[%swap3A_322, %swap3A_323], %swap3A_326 {strides = array<i32>} : memref<64x128xf32, #tpu.memory_space<vmem>>, vector<1x16xf32>,
        %get3A_327 = arith.index_cast %add3A_180 : i32 to index
        %get3A_328 = arith.constant 160 : index
        %get3A_329 = tpu.vector_load %arg16[%get3A_327, %get3A_328] {strides = array<i32>} : memref<64x256xf32, #tpu.memory_space<vmem>>, vector<1x16xf32>,
        %get3A_330 = vector.shape_cast %get3A_329 : vector<1x16xf32> to vector<16xf32>
        %mul3A_331 = arith.mulf %exp3A, %get3A_330 : vector<16xf32>
        %swap3A_332 = arith.index_cast %add3A_180 : i32 to index
        %swap3A_333 = arith.constant 32 : index
        %swap3A_334 = tpu.vector_load %arg15[%swap3A_332, %swap3A_333] {strides = array<i32>} : memref<64x128xf32, #tpu.memory_space<vmem>>, vector<1x16xf32>,
        %swap3A_335 = vector.shape_cast %swap3A_334 : vector<1x16xf32> to vector<16xf32>
        %swap3A_336 = vector.shape_cast %mul3A_331 : vector<16xf32> to vector<1x16xf32>
        tpu.vector_store %arg15[%swap3A_332, %swap3A_333], %swap3A_336 {strides = array<i32>} : memref<64x128xf32, #tpu.memory_space<vmem>>, vector<1x16xf32>,
        %eq3A_337 = arith.constant 10 : i32
        %eq3A_338 = vector.broadcast %eq3A_337 : i32 to vector<16xi32>
        %eq3A_339 = arith.cmpi eq, %iota3A, %eq3A_338 : vector<16xi32>
        %get3A_340 = arith.index_cast %add3A_180 : i32 to index
        %get3A_341 = arith.constant 176 : index
        %get3A_342 = tpu.vector_load %arg16[%get3A_340, %get3A_341] {strides = array<i32>} : memref<64x256xf32, #tpu.memory_space<vmem>>, vector<1x16xf32>,
        %get3A_343 = vector.shape_cast %get3A_342 : vector<1x16xf32> to vector<16xf32>
        %mul3A_344 = arith.mulf %exp3A, %get3A_343 : vector<16xf32>
        %select_n3A = arith.select %eq3A_339, %exp3A, %mul3A_344 : vector<16xi1>, vector<16xf32>
        %swap3A_345 = arith.index_cast %add3A_180 : i32 to index
        %swap3A_346 = arith.constant 48 : index
        %swap3A_347 = tpu.vector_load %arg15[%swap3A_345, %swap3A_346] {strides = array<i32>} : memref<64x128xf32, #tpu.memory_space<vmem>>, vector<1x16xf32>,
        %swap3A_348 = vector.shape_cast %swap3A_347 : vector<1x16xf32> to vector<16xf32>
        %swap3A_349 = vector.shape_cast %select_n3A : vector<16xf32> to vector<1x16xf32>
        tpu.vector_store %arg15[%swap3A_345, %swap3A_346], %swap3A_349 {strides = array<i32>} : memref<64x128xf32, #tpu.memory_space<vmem>>, vector<1x16xf32>,
        %get3A_350 = arith.index_cast %add3A_180 : i32 to index
        %get3A_351 = arith.constant 192 : index
        %get3A_352 = tpu.vector_load %arg16[%get3A_350, %get3A_351] {strides = array<i32>} : memref<64x256xf32, #tpu.memory_space<vmem>>, vector<1x16xf32>,
        %get3A_353 = vector.shape_cast %get3A_352 : vector<1x16xf32> to vector<16xf32>
        %mul3A_354 = arith.mulf %exp3A_306, %get3A_353 : vector<16xf32>
        %swap3A_355 = arith.index_cast %add3A_180 : i32 to index
        %swap3A_356 = arith.constant 64 : index
        %swap3A_357 = tpu.vector_load %arg15[%swap3A_355, %swap3A_356] {strides = array<i32>} : memref<64x128xf32, #tpu.memory_space<vmem>>, vector<1x16xf32>,
        %swap3A_358 = vector.shape_cast %swap3A_357 : vector<1x16xf32> to vector<16xf32>
        %swap3A_359 = vector.shape_cast %mul3A_354 : vector<16xf32> to vector<1x16xf32>
        tpu.vector_store %arg15[%swap3A_355, %swap3A_356], %swap3A_359 {strides = array<i32>} : memref<64x128xf32, #tpu.memory_space<vmem>>, vector<1x16xf32>,
        %get3A_360 = arith.index_cast %add3A_180 : i32 to index
        %get3A_361 = arith.constant 208 : index
        %get3A_362 = tpu.vector_load %arg16[%get3A_360, %get3A_361] {strides = array<i32>} : memref<64x256xf32, #tpu.memory_space<vmem>>, vector<1x16xf32>,
        %get3A_363 = vector.shape_cast %get3A_362 : vector<1x16xf32> to vector<16xf32>
        %mul3A_364 = arith.mulf %exp3A_306, %get3A_363 : vector<16xf32>
        %swap3A_365 = arith.index_cast %add3A_180 : i32 to index
        %swap3A_366 = arith.constant 80 : index
        %swap3A_367 = tpu.vector_load %arg15[%swap3A_365, %swap3A_366] {strides = array<i32>} : memref<64x128xf32, #tpu.memory_space<vmem>>, vector<1x16xf32>,
        %swap3A_368 = vector.shape_cast %swap3A_367 : vector<1x16xf32> to vector<16xf32>
        %swap3A_369 = vector.shape_cast %mul3A_364 : vector<16xf32> to vector<1x16xf32>
        tpu.vector_store %arg15[%swap3A_365, %swap3A_366], %swap3A_369 {strides = array<i32>} : memref<64x128xf32, #tpu.memory_space<vmem>>, vector<1x16xf32>,
        %get3A_370 = arith.index_cast %add3A_180 : i32 to index
        %get3A_371 = arith.constant 224 : index
        %get3A_372 = tpu.vector_load %arg16[%get3A_370, %get3A_371] {strides = array<i32>} : memref<64x256xf32, #tpu.memory_space<vmem>>, vector<1x16xf32>,
        %get3A_373 = vector.shape_cast %get3A_372 : vector<1x16xf32> to vector<16xf32>
        %mul3A_374 = arith.mulf %exp3A_306, %get3A_373 : vector<16xf32>
        %swap3A_375 = arith.index_cast %add3A_180 : i32 to index
        %swap3A_376 = arith.constant 96 : index
        %swap3A_377 = tpu.vector_load %arg15[%swap3A_375, %swap3A_376] {strides = array<i32>} : memref<64x128xf32, #tpu.memory_space<vmem>>, vector<1x16xf32>,
        %swap3A_378 = vector.shape_cast %swap3A_377 : vector<1x16xf32> to vector<16xf32>
        %swap3A_379 = vector.shape_cast %mul3A_374 : vector<16xf32> to vector<1x16xf32>
        tpu.vector_store %arg15[%swap3A_375, %swap3A_376], %swap3A_379 {strides = array<i32>} : memref<64x128xf32, #tpu.memory_space<vmem>>, vector<1x16xf32>,
        %eq3A_380 = arith.constant 10 : i32
        %eq3A_381 = vector.broadcast %eq3A_380 : i32 to vector<16xi32>
        %eq3A_382 = arith.cmpi eq, %iota3A, %eq3A_381 : vector<16xi32>
        %get3A_383 = arith.index_cast %add3A_180 : i32 to index
        %get3A_384 = arith.constant 240 : index
        %get3A_385 = tpu.vector_load %arg16[%get3A_383, %get3A_384] {strides = array<i32>} : memref<64x256xf32, #tpu.memory_space<vmem>>, vector<1x16xf32>,
        %get3A_386 = vector.shape_cast %get3A_385 : vector<1x16xf32> to vector<16xf32>
        %mul3A_387 = arith.mulf %exp3A_306, %get3A_386 : vector<16xf32>
        %select_n3A_388 = arith.select %eq3A_382, %exp3A_306, %mul3A_387 : vector<16xi1>, vector<16xf32>
        %swap3A_389 = arith.index_cast %add3A_180 : i32 to index
        %swap3A_390 = arith.constant 112 : index
        %swap3A_391 = tpu.vector_load %arg15[%swap3A_389, %swap3A_390] {strides = array<i32>} : memref<64x128xf32, #tpu.memory_space<vmem>>, vector<1x16xf32>,
        %swap3A_392 = vector.shape_cast %swap3A_391 : vector<1x16xf32> to vector<16xf32>
        %swap3A_393 = vector.shape_cast %select_n3A_388 : vector<16xf32> to vector<1x16xf32>
        tpu.vector_store %arg15[%swap3A_389, %swap3A_390], %swap3A_393 {strides = array<i32>} : memref<64x128xf32, #tpu.memory_space<vmem>>, vector<1x16xf32>,
        %mul3A_394 = arith.constant 4 : i32
        %mul3A_395 = arith.muli %scan3A_176, %mul3A_394 : i32
        %add3A_396 = arith.constant 1 : i32
        %add3A_397 = arith.addi %mul3A_395, %add3A_396 : i32
        %get3A_398 = arith.index_cast %add3A_397 : i32 to index
        %get3A_399 = arith.constant 0 : index
        %get3A_400 = tpu.vector_load %arg15[%get3A_398, %get3A_399] {strides = array<i32>} : memref<64x128xf32, #tpu.memory_space<vmem>>, vector<1x16xf32>,
        %get3A_401 = vector.shape_cast %get3A_400 : vector<1x16xf32> to vector<16xf32>
        %get3A_402 = arith.index_cast %add3A_397 : i32 to index
        %get3A_403 = arith.constant 0 : index
        %get3A_404 = tpu.vector_load %arg16[%get3A_402, %get3A_403] {strides = array<i32>} : memref<64x256xf32, #tpu.memory_space<vmem>>, vector<1x16xf32>,
        %get3A_405 = vector.shape_cast %get3A_404 : vector<1x16xf32> to vector<16xf32>
        %mul3A_406 = arith.mulf %get3A_401, %get3A_405 : vector<16xf32>
        %get3A_407 = arith.index_cast %add3A_397 : i32 to index
        %get3A_408 = arith.constant 16 : index
        %get3A_409 = tpu.vector_load %arg15[%get3A_407, %get3A_408] {strides = array<i32>} : memref<64x128xf32, #tpu.memory_space<vmem>>, vector<1x16xf32>,
        %get3A_410 = vector.shape_cast %get3A_409 : vector<1x16xf32> to vector<16xf32>
        %get3A_411 = arith.index_cast %add3A_397 : i32 to index
        %get3A_412 = arith.constant 16 : index
        %get3A_413 = tpu.vector_load %arg16[%get3A_411, %get3A_412] {strides = array<i32>} : memref<64x256xf32, #tpu.memory_space<vmem>>, vector<1x16xf32>,
        %get3A_414 = vector.shape_cast %get3A_413 : vector<1x16xf32> to vector<16xf32>
        %mul3A_415 = arith.mulf %get3A_410, %get3A_414 : vector<16xf32>
        %add3A_416 = arith.addf %mul3A_406, %mul3A_415 : vector<16xf32>
        %get3A_417 = arith.index_cast %add3A_397 : i32 to index
        %get3A_418 = arith.constant 32 : index
        %get3A_419 = tpu.vector_load %arg15[%get3A_417, %get3A_418] {strides = array<i32>} : memref<64x128xf32, #tpu.memory_space<vmem>>, vector<1x16xf32>,
        %get3A_420 = vector.shape_cast %get3A_419 : vector<1x16xf32> to vector<16xf32>
        %get3A_421 = arith.index_cast %add3A_397 : i32 to index
        %get3A_422 = arith.constant 32 : index
        %get3A_423 = tpu.vector_load %arg16[%get3A_421, %get3A_422] {strides = array<i32>} : memref<64x256xf32, #tpu.memory_space<vmem>>, vector<1x16xf32>,
        %get3A_424 = vector.shape_cast %get3A_423 : vector<1x16xf32> to vector<16xf32>
        %mul3A_425 = arith.mulf %get3A_420, %get3A_424 : vector<16xf32>
        %add3A_426 = arith.addf %add3A_416, %mul3A_425 : vector<16xf32>
        %get3A_427 = arith.index_cast %add3A_397 : i32 to index
        %get3A_428 = arith.constant 48 : index
        %get3A_429 = tpu.vector_load %arg15[%get3A_427, %get3A_428] {strides = array<i32>} : memref<64x128xf32, #tpu.memory_space<vmem>>, vector<1x16xf32>,
        %get3A_430 = vector.shape_cast %get3A_429 : vector<1x16xf32> to vector<16xf32>
        %get3A_431 = arith.index_cast %add3A_397 : i32 to index
        %get3A_432 = arith.constant 48 : index
        %get3A_433 = tpu.vector_load %arg16[%get3A_431, %get3A_432] {strides = array<i32>} : memref<64x256xf32, #tpu.memory_space<vmem>>, vector<1x16xf32>,
        %get3A_434 = vector.shape_cast %get3A_433 : vector<1x16xf32> to vector<16xf32>
        %mul3A_435 = arith.mulf %get3A_430, %get3A_434 : vector<16xf32>
        %add3A_436 = arith.addf %add3A_426, %mul3A_435 : vector<16xf32>
        %get3A_437 = arith.index_cast %add3A_397 : i32 to index
        %get3A_438 = arith.constant 64 : index
        %get3A_439 = tpu.vector_load %arg15[%get3A_437, %get3A_438] {strides = array<i32>} : memref<64x128xf32, #tpu.memory_space<vmem>>, vector<1x16xf32>,
        %get3A_440 = vector.shape_cast %get3A_439 : vector<1x16xf32> to vector<16xf32>
        %get3A_441 = arith.index_cast %add3A_397 : i32 to index
        %get3A_442 = arith.constant 64 : index
        %get3A_443 = tpu.vector_load %arg16[%get3A_441, %get3A_442] {strides = array<i32>} : memref<64x256xf32, #tpu.memory_space<vmem>>, vector<1x16xf32>,
        %get3A_444 = vector.shape_cast %get3A_443 : vector<1x16xf32> to vector<16xf32>
        %mul3A_445 = arith.mulf %get3A_440, %get3A_444 : vector<16xf32>
        %get3A_446 = arith.index_cast %add3A_397 : i32 to index
        %get3A_447 = arith.constant 80 : index
        %get3A_448 = tpu.vector_load %arg15[%get3A_446, %get3A_447] {strides = array<i32>} : memref<64x128xf32, #tpu.memory_space<vmem>>, vector<1x16xf32>,
        %get3A_449 = vector.shape_cast %get3A_448 : vector<1x16xf32> to vector<16xf32>
        %get3A_450 = arith.index_cast %add3A_397 : i32 to index
        %get3A_451 = arith.constant 80 : index
        %get3A_452 = tpu.vector_load %arg16[%get3A_450, %get3A_451] {strides = array<i32>} : memref<64x256xf32, #tpu.memory_space<vmem>>, vector<1x16xf32>,
        %get3A_453 = vector.shape_cast %get3A_452 : vector<1x16xf32> to vector<16xf32>
        %mul3A_454 = arith.mulf %get3A_449, %get3A_453 : vector<16xf32>
        %add3A_455 = arith.addf %mul3A_445, %mul3A_454 : vector<16xf32>
        %get3A_456 = arith.index_cast %add3A_397 : i32 to index
        %get3A_457 = arith.constant 96 : index
        %get3A_458 = tpu.vector_load %arg15[%get3A_456, %get3A_457] {strides = array<i32>} : memref<64x128xf32, #tpu.memory_space<vmem>>, vector<1x16xf32>,
        %get3A_459 = vector.shape_cast %get3A_458 : vector<1x16xf32> to vector<16xf32>
        %get3A_460 = arith.index_cast %add3A_397 : i32 to index
        %get3A_461 = arith.constant 96 : index
        %get3A_462 = tpu.vector_load %arg16[%get3A_460, %get3A_461] {strides = array<i32>} : memref<64x256xf32, #tpu.memory_space<vmem>>, vector<1x16xf32>,
        %get3A_463 = vector.shape_cast %get3A_462 : vector<1x16xf32> to vector<16xf32>
        %mul3A_464 = arith.mulf %get3A_459, %get3A_463 : vector<16xf32>
        %add3A_465 = arith.addf %add3A_455, %mul3A_464 : vector<16xf32>
        %get3A_466 = arith.index_cast %add3A_397 : i32 to index
        %get3A_467 = arith.constant 112 : index
        %get3A_468 = tpu.vector_load %arg15[%get3A_466, %get3A_467] {strides = array<i32>} : memref<64x128xf32, #tpu.memory_space<vmem>>, vector<1x16xf32>,
        %get3A_469 = vector.shape_cast %get3A_468 : vector<1x16xf32> to vector<16xf32>
        %get3A_470 = arith.index_cast %add3A_397 : i32 to index
        %get3A_471 = arith.constant 112 : index
        %get3A_472 = tpu.vector_load %arg16[%get3A_470, %get3A_471] {strides = array<i32>} : memref<64x256xf32, #tpu.memory_space<vmem>>, vector<1x16xf32>,
        %get3A_473 = vector.shape_cast %get3A_472 : vector<1x16xf32> to vector<16xf32>
        %mul3A_474 = arith.mulf %get3A_469, %get3A_473 : vector<16xf32>
        %add3A_475 = arith.addf %add3A_465, %mul3A_474 : vector<16xf32>
        %xor3A_476 = arith.constant 1 : i32
        %xor3A_477 = vector.broadcast %xor3A_476 : i32 to vector<16xi32>
        %xor3A_478 = arith.xori %iota3A, %xor3A_477 : vector<16xi32>
        %broadcast_in_dim3A_479 = vector.shape_cast %xor3A_478 : vector<16xi32> to vector<16x1xi32>
        %gather3A_480 = vector.shape_cast %broadcast_in_dim3A_479 : vector<16x1xi32> to vector<16xi32>
        %gather3A_481 = tpu.dynamic_gather %add3A_436[%gather3A_480] in [0] : vector<16xf32>, vector<16xi32> -> vector<16xf32>
        %add3A_482 = arith.addf %add3A_436, %gather3A_481 : vector<16xf32>
        %broadcast_in_dim3A_483 = vector.shape_cast %xor3A_478 : vector<16xi32> to vector<16x1xi32>
        %gather3A_484 = vector.shape_cast %broadcast_in_dim3A_483 : vector<16x1xi32> to vector<16xi32>
        %gather3A_485 = tpu.dynamic_gather %add3A_475[%gather3A_484] in [0] : vector<16xf32>, vector<16xi32> -> vector<16xf32>
        %add3A_486 = arith.addf %add3A_475, %gather3A_485 : vector<16xf32>
        %xor3A_487 = arith.constant 2 : i32
        %xor3A_488 = vector.broadcast %xor3A_487 : i32 to vector<16xi32>
        %xor3A_489 = arith.xori %iota3A, %xor3A_488 : vector<16xi32>
        %broadcast_in_dim3A_490 = vector.shape_cast %xor3A_489 : vector<16xi32> to vector<16x1xi32>
        %gather3A_491 = vector.shape_cast %broadcast_in_dim3A_490 : vector<16x1xi32> to vector<16xi32>
        %gather3A_492 = tpu.dynamic_gather %add3A_482[%gather3A_491] in [0] : vector<16xf32>, vector<16xi32> -> vector<16xf32>
        %add3A_493 = arith.addf %add3A_482, %gather3A_492 : vector<16xf32>
        %broadcast_in_dim3A_494 = vector.shape_cast %xor3A_489 : vector<16xi32> to vector<16x1xi32>
        %gather3A_495 = vector.shape_cast %broadcast_in_dim3A_494 : vector<16x1xi32> to vector<16xi32>
        %gather3A_496 = tpu.dynamic_gather %add3A_486[%gather3A_495] in [0] : vector<16xf32>, vector<16xi32> -> vector<16xf32>
        %add3A_497 = arith.addf %add3A_486, %gather3A_496 : vector<16xf32>
        %xor3A_498 = arith.constant 4 : i32
        %xor3A_499 = vector.broadcast %xor3A_498 : i32 to vector<16xi32>
        %xor3A_500 = arith.xori %iota3A, %xor3A_499 : vector<16xi32>
        %broadcast_in_dim3A_501 = vector.shape_cast %xor3A_500 : vector<16xi32> to vector<16x1xi32>
        %gather3A_502 = vector.shape_cast %broadcast_in_dim3A_501 : vector<16x1xi32> to vector<16xi32>
        %gather3A_503 = tpu.dynamic_gather %add3A_493[%gather3A_502] in [0] : vector<16xf32>, vector<16xi32> -> vector<16xf32>
        %add3A_504 = arith.addf %add3A_493, %gather3A_503 : vector<16xf32>
        %broadcast_in_dim3A_505 = vector.shape_cast %xor3A_500 : vector<16xi32> to vector<16x1xi32>
        %gather3A_506 = vector.shape_cast %broadcast_in_dim3A_505 : vector<16x1xi32> to vector<16xi32>
        %gather3A_507 = tpu.dynamic_gather %add3A_497[%gather3A_506] in [0] : vector<16xf32>, vector<16xi32> -> vector<16xf32>
        %add3A_508 = arith.addf %add3A_497, %gather3A_507 : vector<16xf32>
        %xor3A_509 = arith.constant 8 : i32
        %xor3A_510 = vector.broadcast %xor3A_509 : i32 to vector<16xi32>
        %xor3A_511 = arith.xori %iota3A, %xor3A_510 : vector<16xi32>
        %broadcast_in_dim3A_512 = vector.shape_cast %xor3A_511 : vector<16xi32> to vector<16x1xi32>
        %gather3A_513 = vector.shape_cast %broadcast_in_dim3A_512 : vector<16x1xi32> to vector<16xi32>
        %gather3A_514 = tpu.dynamic_gather %add3A_504[%gather3A_513] in [0] : vector<16xf32>, vector<16xi32> -> vector<16xf32>
        %add3A_515 = arith.addf %add3A_504, %gather3A_514 : vector<16xf32>
        %broadcast_in_dim3A_516 = vector.shape_cast %xor3A_511 : vector<16xi32> to vector<16x1xi32>
        %gather3A_517 = vector.shape_cast %broadcast_in_dim3A_516 : vector<16x1xi32> to vector<16xi32>
        %gather3A_518 = tpu.dynamic_gather %add3A_508[%gather3A_517] in [0] : vector<16xf32>, vector<16xi32> -> vector<16xf32>
        %add3A_519 = arith.addf %add3A_508, %gather3A_518 : vector<16xf32>
        %mul3A_520 = arith.constant 0.13130644 : f32
        %mul3A_521 = vector.broadcast %mul3A_520 : f32 to vector<16xf32>
        %mul3A_522 = arith.mulf %add3A_515, %mul3A_521 : vector<16xf32>
        %exp3A_523 = math.exp %mul3A_522 : vector<16xf32>
        %mul3A_524 = arith.constant 0.13130644 : f32
        %mul3A_525 = vector.broadcast %mul3A_524 : f32 to vector<16xf32>
        %mul3A_526 = arith.mulf %add3A_519, %mul3A_525 : vector<16xf32>
        %exp3A_527 = math.exp %mul3A_526 : vector<16xf32>
        %get3A_528 = arith.index_cast %add3A_397 : i32 to index
        %get3A_529 = arith.constant 128 : index
        %get3A_530 = tpu.vector_load %arg16[%get3A_528, %get3A_529] {strides = array<i32>} : memref<64x256xf32, #tpu.memory_space<vmem>>, vector<1x16xf32>,
        %get3A_531 = vector.shape_cast %get3A_530 : vector<1x16xf32> to vector<16xf32>
        %mul3A_532 = arith.mulf %exp3A_523, %get3A_531 : vector<16xf32>
        %swap3A_533 = arith.index_cast %add3A_397 : i32 to index
        %swap3A_534 = arith.constant 0 : index
        %swap3A_535 = tpu.vector_load %arg15[%swap3A_533, %swap3A_534] {strides = array<i32>} : memref<64x128xf32, #tpu.memory_space<vmem>>, vector<1x16xf32>,
        %swap3A_536 = vector.shape_cast %swap3A_535 : vector<1x16xf32> to vector<16xf32>
        %swap3A_537 = vector.shape_cast %mul3A_532 : vector<16xf32> to vector<1x16xf32>
        tpu.vector_store %arg15[%swap3A_533, %swap3A_534], %swap3A_537 {strides = array<i32>} : memref<64x128xf32, #tpu.memory_space<vmem>>, vector<1x16xf32>,
        %get3A_538 = arith.index_cast %add3A_397 : i32 to index
        %get3A_539 = arith.constant 144 : index
        %get3A_540 = tpu.vector_load %arg16[%get3A_538, %get3A_539] {strides = array<i32>} : memref<64x256xf32, #tpu.memory_space<vmem>>, vector<1x16xf32>,
        %get3A_541 = vector.shape_cast %get3A_540 : vector<1x16xf32> to vector<16xf32>
        %mul3A_542 = arith.mulf %exp3A_523, %get3A_541 : vector<16xf32>
        %swap3A_543 = arith.index_cast %add3A_397 : i32 to index
        %swap3A_544 = arith.constant 16 : index
        %swap3A_545 = tpu.vector_load %arg15[%swap3A_543, %swap3A_544] {strides = array<i32>} : memref<64x128xf32, #tpu.memory_space<vmem>>, vector<1x16xf32>,
        %swap3A_546 = vector.shape_cast %swap3A_545 : vector<1x16xf32> to vector<16xf32>
        %swap3A_547 = vector.shape_cast %mul3A_542 : vector<16xf32> to vector<1x16xf32>
        tpu.vector_store %arg15[%swap3A_543, %swap3A_544], %swap3A_547 {strides = array<i32>} : memref<64x128xf32, #tpu.memory_space<vmem>>, vector<1x16xf32>,
        %get3A_548 = arith.index_cast %add3A_397 : i32 to index
        %get3A_549 = arith.constant 160 : index
        %get3A_550 = tpu.vector_load %arg16[%get3A_548, %get3A_549] {strides = array<i32>} : memref<64x256xf32, #tpu.memory_space<vmem>>, vector<1x16xf32>,
        %get3A_551 = vector.shape_cast %get3A_550 : vector<1x16xf32> to vector<16xf32>
        %mul3A_552 = arith.mulf %exp3A_523, %get3A_551 : vector<16xf32>
        %swap3A_553 = arith.index_cast %add3A_397 : i32 to index
        %swap3A_554 = arith.constant 32 : index
        %swap3A_555 = tpu.vector_load %arg15[%swap3A_553, %swap3A_554] {strides = array<i32>} : memref<64x128xf32, #tpu.memory_space<vmem>>, vector<1x16xf32>,
        %swap3A_556 = vector.shape_cast %swap3A_555 : vector<1x16xf32> to vector<16xf32>
        %swap3A_557 = vector.shape_cast %mul3A_552 : vector<16xf32> to vector<1x16xf32>
        tpu.vector_store %arg15[%swap3A_553, %swap3A_554], %swap3A_557 {strides = array<i32>} : memref<64x128xf32, #tpu.memory_space<vmem>>, vector<1x16xf32>,
        %eq3A_558 = arith.constant 10 : i32
        %eq3A_559 = vector.broadcast %eq3A_558 : i32 to vector<16xi32>
        %eq3A_560 = arith.cmpi eq, %iota3A, %eq3A_559 : vector<16xi32>
        %get3A_561 = arith.index_cast %add3A_397 : i32 to index
        %get3A_562 = arith.constant 176 : index
        %get3A_563 = tpu.vector_load %arg16[%get3A_561, %get3A_562] {strides = array<i32>} : memref<64x256xf32, #tpu.memory_space<vmem>>, vector<1x16xf32>,
        %get3A_564 = vector.shape_cast %get3A_563 : vector<1x16xf32> to vector<16xf32>
        %mul3A_565 = arith.mulf %exp3A_523, %get3A_564 : vector<16xf32>
        %select_n3A_566 = arith.select %eq3A_560, %exp3A_523, %mul3A_565 : vector<16xi1>, vector<16xf32>
        %swap3A_567 = arith.index_cast %add3A_397 : i32 to index
        %swap3A_568 = arith.constant 48 : index
        %swap3A_569 = tpu.vector_load %arg15[%swap3A_567, %swap3A_568] {strides = array<i32>} : memref<64x128xf32, #tpu.memory_space<vmem>>, vector<1x16xf32>,
        %swap3A_570 = vector.shape_cast %swap3A_569 : vector<1x16xf32> to vector<16xf32>
        %swap3A_571 = vector.shape_cast %select_n3A_566 : vector<16xf32> to vector<1x16xf32>
        tpu.vector_store %arg15[%swap3A_567, %swap3A_568], %swap3A_571 {strides = array<i32>} : memref<64x128xf32, #tpu.memory_space<vmem>>, vector<1x16xf32>,
        %get3A_572 = arith.index_cast %add3A_397 : i32 to index
        %get3A_573 = arith.constant 192 : index
        %get3A_574 = tpu.vector_load %arg16[%get3A_572, %get3A_573] {strides = array<i32>} : memref<64x256xf32, #tpu.memory_space<vmem>>, vector<1x16xf32>,
        %get3A_575 = vector.shape_cast %get3A_574 : vector<1x16xf32> to vector<16xf32>
        %mul3A_576 = arith.mulf %exp3A_527, %get3A_575 : vector<16xf32>
        %swap3A_577 = arith.index_cast %add3A_397 : i32 to index
        %swap3A_578 = arith.constant 64 : index
        %swap3A_579 = tpu.vector_load %arg15[%swap3A_577, %swap3A_578] {strides = array<i32>} : memref<64x128xf32, #tpu.memory_space<vmem>>, vector<1x16xf32>,
        %swap3A_580 = vector.shape_cast %swap3A_579 : vector<1x16xf32> to vector<16xf32>
        %swap3A_581 = vector.shape_cast %mul3A_576 : vector<16xf32> to vector<1x16xf32>
        tpu.vector_store %arg15[%swap3A_577, %swap3A_578], %swap3A_581 {strides = array<i32>} : memref<64x128xf32, #tpu.memory_space<vmem>>, vector<1x16xf32>,
        %get3A_582 = arith.index_cast %add3A_397 : i32 to index
        %get3A_583 = arith.constant 208 : index
        %get3A_584 = tpu.vector_load %arg16[%get3A_582, %get3A_583] {strides = array<i32>} : memref<64x256xf32, #tpu.memory_space<vmem>>, vector<1x16xf32>,
        %get3A_585 = vector.shape_cast %get3A_584 : vector<1x16xf32> to vector<16xf32>
        %mul3A_586 = arith.mulf %exp3A_527, %get3A_585 : vector<16xf32>
        %swap3A_587 = arith.index_cast %add3A_397 : i32 to index
        %swap3A_588 = arith.constant 80 : index
        %swap3A_589 = tpu.vector_load %arg15[%swap3A_587, %swap3A_588] {strides = array<i32>} : memref<64x128xf32, #tpu.memory_space<vmem>>, vector<1x16xf32>,
        %swap3A_590 = vector.shape_cast %swap3A_589 : vector<1x16xf32> to vector<16xf32>
        %swap3A_591 = vector.shape_cast %mul3A_586 : vector<16xf32> to vector<1x16xf32>
        tpu.vector_store %arg15[%swap3A_587, %swap3A_588], %swap3A_591 {strides = array<i32>} : memref<64x128xf32, #tpu.memory_space<vmem>>, vector<1x16xf32>,
        %get3A_592 = arith.index_cast %add3A_397 : i32 to index
        %get3A_593 = arith.constant 224 : index
        %get3A_594 = tpu.vector_load %arg16[%get3A_592, %get3A_593] {strides = array<i32>} : memref<64x256xf32, #tpu.memory_space<vmem>>, vector<1x16xf32>,
        %get3A_595 = vector.shape_cast %get3A_594 : vector<1x16xf32> to vector<16xf32>
        %mul3A_596 = arith.mulf %exp3A_527, %get3A_595 : vector<16xf32>
        %swap3A_597 = arith.index_cast %add3A_397 : i32 to index
        %swap3A_598 = arith.constant 96 : index
        %swap3A_599 = tpu.vector_load %arg15[%swap3A_597, %swap3A_598] {strides = array<i32>} : memref<64x128xf32, #tpu.memory_space<vmem>>, vector<1x16xf32>,
        %swap3A_600 = vector.shape_cast %swap3A_599 : vector<1x16xf32> to vector<16xf32>
        %swap3A_601 = vector.shape_cast %mul3A_596 : vector<16xf32> to vector<1x16xf32>
        tpu.vector_store %arg15[%swap3A_597, %swap3A_598], %swap3A_601 {strides = array<i32>} : memref<64x128xf32, #tpu.memory_space<vmem>>, vector<1x16xf32>,
        %eq3A_602 = arith.constant 10 : i32
        %eq3A_603 = vector.broadcast %eq3A_602 : i32 to vector<16xi32>
        %eq3A_604 = arith.cmpi eq, %iota3A, %eq3A_603 : vector<16xi32>
        %get3A_605 = arith.index_cast %add3A_397 : i32 to index
        %get3A_606 = arith.constant 240 : index
        %get3A_607 = tpu.vector_load %arg16[%get3A_605, %get3A_606] {strides = array<i32>} : memref<64x256xf32, #tpu.memory_space<vmem>>, vector<1x16xf32>,
        %get3A_608 = vector.shape_cast %get3A_607 : vector<1x16xf32> to vector<16xf32>
        %mul3A_609 = arith.mulf %exp3A_527, %get3A_608 : vector<16xf32>
        %select_n3A_610 = arith.select %eq3A_604, %exp3A_527, %mul3A_609 : vector<16xi1>, vector<16xf32>
        %swap3A_611 = arith.index_cast %add3A_397 : i32 to index
        %swap3A_612 = arith.constant 112 : index
        %swap3A_613 = tpu.vector_load %arg15[%swap3A_611, %swap3A_612] {strides = array<i32>} : memref<64x128xf32, #tpu.memory_space<vmem>>, vector<1x16xf32>,
        %swap3A_614 = vector.shape_cast %swap3A_613 : vector<1x16xf32> to vector<16xf32>
        %swap3A_615 = vector.shape_cast %select_n3A_610 : vector<16xf32> to vector<1x16xf32>
        tpu.vector_store %arg15[%swap3A_611, %swap3A_612], %swap3A_615 {strides = array<i32>} : memref<64x128xf32, #tpu.memory_space<vmem>>, vector<1x16xf32>,
        %mul3A_616 = arith.constant 4 : i32
        %mul3A_617 = arith.muli %scan3A_176, %mul3A_616 : i32
        %add3A_618 = arith.constant 2 : i32
        %add3A_619 = arith.addi %mul3A_617, %add3A_618 : i32
        %get3A_620 = arith.index_cast %add3A_619 : i32 to index
        %get3A_621 = arith.constant 0 : index
        %get3A_622 = tpu.vector_load %arg15[%get3A_620, %get3A_621] {strides = array<i32>} : memref<64x128xf32, #tpu.memory_space<vmem>>, vector<1x16xf32>,
        %get3A_623 = vector.shape_cast %get3A_622 : vector<1x16xf32> to vector<16xf32>
        %get3A_624 = arith.index_cast %add3A_619 : i32 to index
        %get3A_625 = arith.constant 0 : index
        %get3A_626 = tpu.vector_load %arg16[%get3A_624, %get3A_625] {strides = array<i32>} : memref<64x256xf32, #tpu.memory_space<vmem>>, vector<1x16xf32>,
        %get3A_627 = vector.shape_cast %get3A_626 : vector<1x16xf32> to vector<16xf32>
        %mul3A_628 = arith.mulf %get3A_623, %get3A_627 : vector<16xf32>
        %get3A_629 = arith.index_cast %add3A_619 : i32 to index
        %get3A_630 = arith.constant 16 : index
        %get3A_631 = tpu.vector_load %arg15[%get3A_629, %get3A_630] {strides = array<i32>} : memref<64x128xf32, #tpu.memory_space<vmem>>, vector<1x16xf32>,
        %get3A_632 = vector.shape_cast %get3A_631 : vector<1x16xf32> to vector<16xf32>
        %get3A_633 = arith.index_cast %add3A_619 : i32 to index
        %get3A_634 = arith.constant 16 : index
        %get3A_635 = tpu.vector_load %arg16[%get3A_633, %get3A_634] {strides = array<i32>} : memref<64x256xf32, #tpu.memory_space<vmem>>, vector<1x16xf32>,
        %get3A_636 = vector.shape_cast %get3A_635 : vector<1x16xf32> to vector<16xf32>
        %mul3A_637 = arith.mulf %get3A_632, %get3A_636 : vector<16xf32>
        %add3A_638 = arith.addf %mul3A_628, %mul3A_637 : vector<16xf32>
        %get3A_639 = arith.index_cast %add3A_619 : i32 to index
        %get3A_640 = arith.constant 32 : index
        %get3A_641 = tpu.vector_load %arg15[%get3A_639, %get3A_640] {strides = array<i32>} : memref<64x128xf32, #tpu.memory_space<vmem>>, vector<1x16xf32>,
        %get3A_642 = vector.shape_cast %get3A_641 : vector<1x16xf32> to vector<16xf32>
        %get3A_643 = arith.index_cast %add3A_619 : i32 to index
        %get3A_644 = arith.constant 32 : index
        %get3A_645 = tpu.vector_load %arg16[%get3A_643, %get3A_644] {strides = array<i32>} : memref<64x256xf32, #tpu.memory_space<vmem>>, vector<1x16xf32>,
        %get3A_646 = vector.shape_cast %get3A_645 : vector<1x16xf32> to vector<16xf32>
        %mul3A_647 = arith.mulf %get3A_642, %get3A_646 : vector<16xf32>
        %add3A_648 = arith.addf %add3A_638, %mul3A_647 : vector<16xf32>
        %get3A_649 = arith.index_cast %add3A_619 : i32 to index
        %get3A_650 = arith.constant 48 : index
        %get3A_651 = tpu.vector_load %arg15[%get3A_649, %get3A_650] {strides = array<i32>} : memref<64x128xf32, #tpu.memory_space<vmem>>, vector<1x16xf32>,
        %get3A_652 = vector.shape_cast %get3A_651 : vector<1x16xf32> to vector<16xf32>
        %get3A_653 = arith.index_cast %add3A_619 : i32 to index
        %get3A_654 = arith.constant 48 : index
        %get3A_655 = tpu.vector_load %arg16[%get3A_653, %get3A_654] {strides = array<i32>} : memref<64x256xf32, #tpu.memory_space<vmem>>, vector<1x16xf32>,
        %get3A_656 = vector.shape_cast %get3A_655 : vector<1x16xf32> to vector<16xf32>
        %mul3A_657 = arith.mulf %get3A_652, %get3A_656 : vector<16xf32>
        %add3A_658 = arith.addf %add3A_648, %mul3A_657 : vector<16xf32>
        %get3A_659 = arith.index_cast %add3A_619 : i32 to index
        %get3A_660 = arith.constant 64 : index
        %get3A_661 = tpu.vector_load %arg15[%get3A_659, %get3A_660] {strides = array<i32>} : memref<64x128xf32, #tpu.memory_space<vmem>>, vector<1x16xf32>,
        %get3A_662 = vector.shape_cast %get3A_661 : vector<1x16xf32> to vector<16xf32>
        %get3A_663 = arith.index_cast %add3A_619 : i32 to index
        %get3A_664 = arith.constant 64 : index
        %get3A_665 = tpu.vector_load %arg16[%get3A_663, %get3A_664] {strides = array<i32>} : memref<64x256xf32, #tpu.memory_space<vmem>>, vector<1x16xf32>,
        %get3A_666 = vector.shape_cast %get3A_665 : vector<1x16xf32> to vector<16xf32>
        %mul3A_667 = arith.mulf %get3A_662, %get3A_666 : vector<16xf32>
        %get3A_668 = arith.index_cast %add3A_619 : i32 to index
        %get3A_669 = arith.constant 80 : index
        %get3A_670 = tpu.vector_load %arg15[%get3A_668, %get3A_669] {strides = array<i32>} : memref<64x128xf32, #tpu.memory_space<vmem>>, vector<1x16xf32>,
        %get3A_671 = vector.shape_cast %get3A_670 : vector<1x16xf32> to vector<16xf32>
        %get3A_672 = arith.index_cast %add3A_619 : i32 to index
        %get3A_673 = arith.constant 80 : index
        %get3A_674 = tpu.vector_load %arg16[%get3A_672, %get3A_673] {strides = array<i32>} : memref<64x256xf32, #tpu.memory_space<vmem>>, vector<1x16xf32>,
        %get3A_675 = vector.shape_cast %get3A_674 : vector<1x16xf32> to vector<16xf32>
        %mul3A_676 = arith.mulf %get3A_671, %get3A_675 : vector<16xf32>
        %add3A_677 = arith.addf %mul3A_667, %mul3A_676 : vector<16xf32>
        %get3A_678 = arith.index_cast %add3A_619 : i32 to index
        %get3A_679 = arith.constant 96 : index
        %get3A_680 = tpu.vector_load %arg15[%get3A_678, %get3A_679] {strides = array<i32>} : memref<64x128xf32, #tpu.memory_space<vmem>>, vector<1x16xf32>,
        %get3A_681 = vector.shape_cast %get3A_680 : vector<1x16xf32> to vector<16xf32>
        %get3A_682 = arith.index_cast %add3A_619 : i32 to index
        %get3A_683 = arith.constant 96 : index
        %get3A_684 = tpu.vector_load %arg16[%get3A_682, %get3A_683] {strides = array<i32>} : memref<64x256xf32, #tpu.memory_space<vmem>>, vector<1x16xf32>,
        %get3A_685 = vector.shape_cast %get3A_684 : vector<1x16xf32> to vector<16xf32>
        %mul3A_686 = arith.mulf %get3A_681, %get3A_685 : vector<16xf32>
        %add3A_687 = arith.addf %add3A_677, %mul3A_686 : vector<16xf32>
        %get3A_688 = arith.index_cast %add3A_619 : i32 to index
        %get3A_689 = arith.constant 112 : index
        %get3A_690 = tpu.vector_load %arg15[%get3A_688, %get3A_689] {strides = array<i32>} : memref<64x128xf32, #tpu.memory_space<vmem>>, vector<1x16xf32>,
        %get3A_691 = vector.shape_cast %get3A_690 : vector<1x16xf32> to vector<16xf32>
        %get3A_692 = arith.index_cast %add3A_619 : i32 to index
        %get3A_693 = arith.constant 112 : index
        %get3A_694 = tpu.vector_load %arg16[%get3A_692, %get3A_693] {strides = array<i32>} : memref<64x256xf32, #tpu.memory_space<vmem>>, vector<1x16xf32>,
        %get3A_695 = vector.shape_cast %get3A_694 : vector<1x16xf32> to vector<16xf32>
        %mul3A_696 = arith.mulf %get3A_691, %get3A_695 : vector<16xf32>
        %add3A_697 = arith.addf %add3A_687, %mul3A_696 : vector<16xf32>
        %xor3A_698 = arith.constant 1 : i32
        %xor3A_699 = vector.broadcast %xor3A_698 : i32 to vector<16xi32>
        %xor3A_700 = arith.xori %iota3A, %xor3A_699 : vector<16xi32>
        %broadcast_in_dim3A_701 = vector.shape_cast %xor3A_700 : vector<16xi32> to vector<16x1xi32>
        %gather3A_702 = vector.shape_cast %broadcast_in_dim3A_701 : vector<16x1xi32> to vector<16xi32>
        %gather3A_703 = tpu.dynamic_gather %add3A_658[%gather3A_702] in [0] : vector<16xf32>, vector<16xi32> -> vector<16xf32>
        %add3A_704 = arith.addf %add3A_658, %gather3A_703 : vector<16xf32>
        %broadcast_in_dim3A_705 = vector.shape_cast %xor3A_700 : vector<16xi32> to vector<16x1xi32>
        %gather3A_706 = vector.shape_cast %broadcast_in_dim3A_705 : vector<16x1xi32> to vector<16xi32>
        %gather3A_707 = tpu.dynamic_gather %add3A_697[%gather3A_706] in [0] : vector<16xf32>, vector<16xi32> -> vector<16xf32>
        %add3A_708 = arith.addf %add3A_697, %gather3A_707 : vector<16xf32>
        %xor3A_709 = arith.constant 2 : i32
        %xor3A_710 = vector.broadcast %xor3A_709 : i32 to vector<16xi32>
        %xor3A_711 = arith.xori %iota3A, %xor3A_710 : vector<16xi32>
        %broadcast_in_dim3A_712 = vector.shape_cast %xor3A_711 : vector<16xi32> to vector<16x1xi32>
        %gather3A_713 = vector.shape_cast %broadcast_in_dim3A_712 : vector<16x1xi32> to vector<16xi32>
        %gather3A_714 = tpu.dynamic_gather %add3A_704[%gather3A_713] in [0] : vector<16xf32>, vector<16xi32> -> vector<16xf32>
        %add3A_715 = arith.addf %add3A_704, %gather3A_714 : vector<16xf32>
        %broadcast_in_dim3A_716 = vector.shape_cast %xor3A_711 : vector<16xi32> to vector<16x1xi32>
        %gather3A_717 = vector.shape_cast %broadcast_in_dim3A_716 : vector<16x1xi32> to vector<16xi32>
        %gather3A_718 = tpu.dynamic_gather %add3A_708[%gather3A_717] in [0] : vector<16xf32>, vector<16xi32> -> vector<16xf32>
        %add3A_719 = arith.addf %add3A_708, %gather3A_718 : vector<16xf32>
        %xor3A_720 = arith.constant 4 : i32
        %xor3A_721 = vector.broadcast %xor3A_720 : i32 to vector<16xi32>
        %xor3A_722 = arith.xori %iota3A, %xor3A_721 : vector<16xi32>
        %broadcast_in_dim3A_723 = vector.shape_cast %xor3A_722 : vector<16xi32> to vector<16x1xi32>
        %gather3A_724 = vector.shape_cast %broadcast_in_dim3A_723 : vector<16x1xi32> to vector<16xi32>
        %gather3A_725 = tpu.dynamic_gather %add3A_715[%gather3A_724] in [0] : vector<16xf32>, vector<16xi32> -> vector<16xf32>
        %add3A_726 = arith.addf %add3A_715, %gather3A_725 : vector<16xf32>
        %broadcast_in_dim3A_727 = vector.shape_cast %xor3A_722 : vector<16xi32> to vector<16x1xi32>
        %gather3A_728 = vector.shape_cast %broadcast_in_dim3A_727 : vector<16x1xi32> to vector<16xi32>
        %gather3A_729 = tpu.dynamic_gather %add3A_719[%gather3A_728] in [0] : vector<16xf32>, vector<16xi32> -> vector<16xf32>
        %add3A_730 = arith.addf %add3A_719, %gather3A_729 : vector<16xf32>
        %xor3A_731 = arith.constant 8 : i32
        %xor3A_732 = vector.broadcast %xor3A_731 : i32 to vector<16xi32>
        %xor3A_733 = arith.xori %iota3A, %xor3A_732 : vector<16xi32>
        %broadcast_in_dim3A_734 = vector.shape_cast %xor3A_733 : vector<16xi32> to vector<16x1xi32>
        %gather3A_735 = vector.shape_cast %broadcast_in_dim3A_734 : vector<16x1xi32> to vector<16xi32>
        %gather3A_736 = tpu.dynamic_gather %add3A_726[%gather3A_735] in [0] : vector<16xf32>, vector<16xi32> -> vector<16xf32>
        %add3A_737 = arith.addf %add3A_726, %gather3A_736 : vector<16xf32>
        %broadcast_in_dim3A_738 = vector.shape_cast %xor3A_733 : vector<16xi32> to vector<16x1xi32>
        %gather3A_739 = vector.shape_cast %broadcast_in_dim3A_738 : vector<16x1xi32> to vector<16xi32>
        %gather3A_740 = tpu.dynamic_gather %add3A_730[%gather3A_739] in [0] : vector<16xf32>, vector<16xi32> -> vector<16xf32>
        %add3A_741 = arith.addf %add3A_730, %gather3A_740 : vector<16xf32>
        %mul3A_742 = arith.constant 0.13130644 : f32
        %mul3A_743 = vector.broadcast %mul3A_742 : f32 to vector<16xf32>
        %mul3A_744 = arith.mulf %add3A_737, %mul3A_743 : vector<16xf32>
        %exp3A_745 = math.exp %mul3A_744 : vector<16xf32>
        %mul3A_746 = arith.constant 0.13130644 : f32
        %mul3A_747 = vector.broadcast %mul3A_746 : f32 to vector<16xf32>
        %mul3A_748 = arith.mulf %add3A_741, %mul3A_747 : vector<16xf32>
        %exp3A_749 = math.exp %mul3A_748 : vector<16xf32>
        %get3A_750 = arith.index_cast %add3A_619 : i32 to index
        %get3A_751 = arith.constant 128 : index
        %get3A_752 = tpu.vector_load %arg16[%get3A_750, %get3A_751] {strides = array<i32>} : memref<64x256xf32, #tpu.memory_space<vmem>>, vector<1x16xf32>,
        %get3A_753 = vector.shape_cast %get3A_752 : vector<1x16xf32> to vector<16xf32>
        %mul3A_754 = arith.mulf %exp3A_745, %get3A_753 : vector<16xf32>
        %swap3A_755 = arith.index_cast %add3A_619 : i32 to index
        %swap3A_756 = arith.constant 0 : index
        %swap3A_757 = tpu.vector_load %arg15[%swap3A_755, %swap3A_756] {strides = array<i32>} : memref<64x128xf32, #tpu.memory_space<vmem>>, vector<1x16xf32>,
        %swap3A_758 = vector.shape_cast %swap3A_757 : vector<1x16xf32> to vector<16xf32>
        %swap3A_759 = vector.shape_cast %mul3A_754 : vector<16xf32> to vector<1x16xf32>
        tpu.vector_store %arg15[%swap3A_755, %swap3A_756], %swap3A_759 {strides = array<i32>} : memref<64x128xf32, #tpu.memory_space<vmem>>, vector<1x16xf32>,
        %get3A_760 = arith.index_cast %add3A_619 : i32 to index
        %get3A_761 = arith.constant 144 : index
        %get3A_762 = tpu.vector_load %arg16[%get3A_760, %get3A_761] {strides = array<i32>} : memref<64x256xf32, #tpu.memory_space<vmem>>, vector<1x16xf32>,
        %get3A_763 = vector.shape_cast %get3A_762 : vector<1x16xf32> to vector<16xf32>
        %mul3A_764 = arith.mulf %exp3A_745, %get3A_763 : vector<16xf32>
        %swap3A_765 = arith.index_cast %add3A_619 : i32 to index
        %swap3A_766 = arith.constant 16 : index
        %swap3A_767 = tpu.vector_load %arg15[%swap3A_765, %swap3A_766] {strides = array<i32>} : memref<64x128xf32, #tpu.memory_space<vmem>>, vector<1x16xf32>,
        %swap3A_768 = vector.shape_cast %swap3A_767 : vector<1x16xf32> to vector<16xf32>
        %swap3A_769 = vector.shape_cast %mul3A_764 : vector<16xf32> to vector<1x16xf32>
        tpu.vector_store %arg15[%swap3A_765, %swap3A_766], %swap3A_769 {strides = array<i32>} : memref<64x128xf32, #tpu.memory_space<vmem>>, vector<1x16xf32>,
        %get3A_770 = arith.index_cast %add3A_619 : i32 to index
        %get3A_771 = arith.constant 160 : index
        %get3A_772 = tpu.vector_load %arg16[%get3A_770, %get3A_771] {strides = array<i32>} : memref<64x256xf32, #tpu.memory_space<vmem>>, vector<1x16xf32>,
        %get3A_773 = vector.shape_cast %get3A_772 : vector<1x16xf32> to vector<16xf32>
        %mul3A_774 = arith.mulf %exp3A_745, %get3A_773 : vector<16xf32>
        %swap3A_775 = arith.index_cast %add3A_619 : i32 to index
        %swap3A_776 = arith.constant 32 : index
        %swap3A_777 = tpu.vector_load %arg15[%swap3A_775, %swap3A_776] {strides = array<i32>} : memref<64x128xf32, #tpu.memory_space<vmem>>, vector<1x16xf32>,
        %swap3A_778 = vector.shape_cast %swap3A_777 : vector<1x16xf32> to vector<16xf32>
        %swap3A_779 = vector.shape_cast %mul3A_774 : vector<16xf32> to vector<1x16xf32>
        tpu.vector_store %arg15[%swap3A_775, %swap3A_776], %swap3A_779 {strides = array<i32>} : memref<64x128xf32, #tpu.memory_space<vmem>>, vector<1x16xf32>,
        %eq3A_780 = arith.constant 10 : i32
        %eq3A_781 = vector.broadcast %eq3A_780 : i32 to vector<16xi32>
        %eq3A_782 = arith.cmpi eq, %iota3A, %eq3A_781 : vector<16xi32>
        %get3A_783 = arith.index_cast %add3A_619 : i32 to index
        %get3A_784 = arith.constant 176 : index
        %get3A_785 = tpu.vector_load %arg16[%get3A_783, %get3A_784] {strides = array<i32>} : memref<64x256xf32, #tpu.memory_space<vmem>>, vector<1x16xf32>,
        %get3A_786 = vector.shape_cast %get3A_785 : vector<1x16xf32> to vector<16xf32>
        %mul3A_787 = arith.mulf %exp3A_745, %get3A_786 : vector<16xf32>
        %select_n3A_788 = arith.select %eq3A_782, %exp3A_745, %mul3A_787 : vector<16xi1>, vector<16xf32>
        %swap3A_789 = arith.index_cast %add3A_619 : i32 to index
        %swap3A_790 = arith.constant 48 : index
        %swap3A_791 = tpu.vector_load %arg15[%swap3A_789, %swap3A_790] {strides = array<i32>} : memref<64x128xf32, #tpu.memory_space<vmem>>, vector<1x16xf32>,
        %swap3A_792 = vector.shape_cast %swap3A_791 : vector<1x16xf32> to vector<16xf32>
        %swap3A_793 = vector.shape_cast %select_n3A_788 : vector<16xf32> to vector<1x16xf32>
        tpu.vector_store %arg15[%swap3A_789, %swap3A_790], %swap3A_793 {strides = array<i32>} : memref<64x128xf32, #tpu.memory_space<vmem>>, vector<1x16xf32>,
        %get3A_794 = arith.index_cast %add3A_619 : i32 to index
        %get3A_795 = arith.constant 192 : index
        %get3A_796 = tpu.vector_load %arg16[%get3A_794, %get3A_795] {strides = array<i32>} : memref<64x256xf32, #tpu.memory_space<vmem>>, vector<1x16xf32>,
        %get3A_797 = vector.shape_cast %get3A_796 : vector<1x16xf32> to vector<16xf32>
        %mul3A_798 = arith.mulf %exp3A_749, %get3A_797 : vector<16xf32>
        %swap3A_799 = arith.index_cast %add3A_619 : i32 to index
        %swap3A_800 = arith.constant 64 : index
        %swap3A_801 = tpu.vector_load %arg15[%swap3A_799, %swap3A_800] {strides = array<i32>} : memref<64x128xf32, #tpu.memory_space<vmem>>, vector<1x16xf32>,
        %swap3A_802 = vector.shape_cast %swap3A_801 : vector<1x16xf32> to vector<16xf32>
        %swap3A_803 = vector.shape_cast %mul3A_798 : vector<16xf32> to vector<1x16xf32>
        tpu.vector_store %arg15[%swap3A_799, %swap3A_800], %swap3A_803 {strides = array<i32>} : memref<64x128xf32, #tpu.memory_space<vmem>>, vector<1x16xf32>,
        %get3A_804 = arith.index_cast %add3A_619 : i32 to index
        %get3A_805 = arith.constant 208 : index
        %get3A_806 = tpu.vector_load %arg16[%get3A_804, %get3A_805] {strides = array<i32>} : memref<64x256xf32, #tpu.memory_space<vmem>>, vector<1x16xf32>,
        %get3A_807 = vector.shape_cast %get3A_806 : vector<1x16xf32> to vector<16xf32>
        %mul3A_808 = arith.mulf %exp3A_749, %get3A_807 : vector<16xf32>
        %swap3A_809 = arith.index_cast %add3A_619 : i32 to index
        %swap3A_810 = arith.constant 80 : index
        %swap3A_811 = tpu.vector_load %arg15[%swap3A_809, %swap3A_810] {strides = array<i32>} : memref<64x128xf32, #tpu.memory_space<vmem>>, vector<1x16xf32>,
        %swap3A_812 = vector.shape_cast %swap3A_811 : vector<1x16xf32> to vector<16xf32>
        %swap3A_813 = vector.shape_cast %mul3A_808 : vector<16xf32> to vector<1x16xf32>
        tpu.vector_store %arg15[%swap3A_809, %swap3A_810], %swap3A_813 {strides = array<i32>} : memref<64x128xf32, #tpu.memory_space<vmem>>, vector<1x16xf32>,
        %get3A_814 = arith.index_cast %add3A_619 : i32 to index
        %get3A_815 = arith.constant 224 : index
        %get3A_816 = tpu.vector_load %arg16[%get3A_814, %get3A_815] {strides = array<i32>} : memref<64x256xf32, #tpu.memory_space<vmem>>, vector<1x16xf32>,
        %get3A_817 = vector.shape_cast %get3A_816 : vector<1x16xf32> to vector<16xf32>
        %mul3A_818 = arith.mulf %exp3A_749, %get3A_817 : vector<16xf32>
        %swap3A_819 = arith.index_cast %add3A_619 : i32 to index
        %swap3A_820 = arith.constant 96 : index
        %swap3A_821 = tpu.vector_load %arg15[%swap3A_819, %swap3A_820] {strides = array<i32>} : memref<64x128xf32, #tpu.memory_space<vmem>>, vector<1x16xf32>,
        %swap3A_822 = vector.shape_cast %swap3A_821 : vector<1x16xf32> to vector<16xf32>
        %swap3A_823 = vector.shape_cast %mul3A_818 : vector<16xf32> to vector<1x16xf32>
        tpu.vector_store %arg15[%swap3A_819, %swap3A_820], %swap3A_823 {strides = array<i32>} : memref<64x128xf32, #tpu.memory_space<vmem>>, vector<1x16xf32>,
        %eq3A_824 = arith.constant 10 : i32
        %eq3A_825 = vector.broadcast %eq3A_824 : i32 to vector<16xi32>
        %eq3A_826 = arith.cmpi eq, %iota3A, %eq3A_825 : vector<16xi32>
        %get3A_827 = arith.index_cast %add3A_619 : i32 to index
        %get3A_828 = arith.constant 240 : index
        %get3A_829 = tpu.vector_load %arg16[%get3A_827, %get3A_828] {strides = array<i32>} : memref<64x256xf32, #tpu.memory_space<vmem>>, vector<1x16xf32>,
        %get3A_830 = vector.shape_cast %get3A_829 : vector<1x16xf32> to vector<16xf32>
        %mul3A_831 = arith.mulf %exp3A_749, %get3A_830 : vector<16xf32>
        %select_n3A_832 = arith.select %eq3A_826, %exp3A_749, %mul3A_831 : vector<16xi1>, vector<16xf32>
        %swap3A_833 = arith.index_cast %add3A_619 : i32 to index
        %swap3A_834 = arith.constant 112 : index
        %swap3A_835 = tpu.vector_load %arg15[%swap3A_833, %swap3A_834] {strides = array<i32>} : memref<64x128xf32, #tpu.memory_space<vmem>>, vector<1x16xf32>,
        %swap3A_836 = vector.shape_cast %swap3A_835 : vector<1x16xf32> to vector<16xf32>
        %swap3A_837 = vector.shape_cast %select_n3A_832 : vector<16xf32> to vector<1x16xf32>
        tpu.vector_store %arg15[%swap3A_833, %swap3A_834], %swap3A_837 {strides = array<i32>} : memref<64x128xf32, #tpu.memory_space<vmem>>, vector<1x16xf32>,
        %mul3A_838 = arith.constant 4 : i32
        %mul3A_839 = arith.muli %scan3A_176, %mul3A_838 : i32
        %add3A_840 = arith.constant 3 : i32
        %add3A_841 = arith.addi %mul3A_839, %add3A_840 : i32
        %get3A_842 = arith.index_cast %add3A_841 : i32 to index
        %get3A_843 = arith.constant 0 : index
        %get3A_844 = tpu.vector_load %arg15[%get3A_842, %get3A_843] {strides = array<i32>} : memref<64x128xf32, #tpu.memory_space<vmem>>, vector<1x16xf32>,
        %get3A_845 = vector.shape_cast %get3A_844 : vector<1x16xf32> to vector<16xf32>
        %get3A_846 = arith.index_cast %add3A_841 : i32 to index
        %get3A_847 = arith.constant 0 : index
        %get3A_848 = tpu.vector_load %arg16[%get3A_846, %get3A_847] {strides = array<i32>} : memref<64x256xf32, #tpu.memory_space<vmem>>, vector<1x16xf32>,
        %get3A_849 = vector.shape_cast %get3A_848 : vector<1x16xf32> to vector<16xf32>
        %mul3A_850 = arith.mulf %get3A_845, %get3A_849 : vector<16xf32>
        %get3A_851 = arith.index_cast %add3A_841 : i32 to index
        %get3A_852 = arith.constant 16 : index
        %get3A_853 = tpu.vector_load %arg15[%get3A_851, %get3A_852] {strides = array<i32>} : memref<64x128xf32, #tpu.memory_space<vmem>>, vector<1x16xf32>,
        %get3A_854 = vector.shape_cast %get3A_853 : vector<1x16xf32> to vector<16xf32>
        %get3A_855 = arith.index_cast %add3A_841 : i32 to index
        %get3A_856 = arith.constant 16 : index
        %get3A_857 = tpu.vector_load %arg16[%get3A_855, %get3A_856] {strides = array<i32>} : memref<64x256xf32, #tpu.memory_space<vmem>>, vector<1x16xf32>,
        %get3A_858 = vector.shape_cast %get3A_857 : vector<1x16xf32> to vector<16xf32>
        %mul3A_859 = arith.mulf %get3A_854, %get3A_858 : vector<16xf32>
        %add3A_860 = arith.addf %mul3A_850, %mul3A_859 : vector<16xf32>
        %get3A_861 = arith.index_cast %add3A_841 : i32 to index
        %get3A_862 = arith.constant 32 : index
        %get3A_863 = tpu.vector_load %arg15[%get3A_861, %get3A_862] {strides = array<i32>} : memref<64x128xf32, #tpu.memory_space<vmem>>, vector<1x16xf32>,
        %get3A_864 = vector.shape_cast %get3A_863 : vector<1x16xf32> to vector<16xf32>
        %get3A_865 = arith.index_cast %add3A_841 : i32 to index
        %get3A_866 = arith.constant 32 : index
        %get3A_867 = tpu.vector_load %arg16[%get3A_865, %get3A_866] {strides = array<i32>} : memref<64x256xf32, #tpu.memory_space<vmem>>, vector<1x16xf32>,
        %get3A_868 = vector.shape_cast %get3A_867 : vector<1x16xf32> to vector<16xf32>
        %mul3A_869 = arith.mulf %get3A_864, %get3A_868 : vector<16xf32>
        %add3A_870 = arith.addf %add3A_860, %mul3A_869 : vector<16xf32>
        %get3A_871 = arith.index_cast %add3A_841 : i32 to index
        %get3A_872 = arith.constant 48 : index
        %get3A_873 = tpu.vector_load %arg15[%get3A_871, %get3A_872] {strides = array<i32>} : memref<64x128xf32, #tpu.memory_space<vmem>>, vector<1x16xf32>,
        %get3A_874 = vector.shape_cast %get3A_873 : vector<1x16xf32> to vector<16xf32>
        %get3A_875 = arith.index_cast %add3A_841 : i32 to index
        %get3A_876 = arith.constant 48 : index
        %get3A_877 = tpu.vector_load %arg16[%get3A_875, %get3A_876] {strides = array<i32>} : memref<64x256xf32, #tpu.memory_space<vmem>>, vector<1x16xf32>,
        %get3A_878 = vector.shape_cast %get3A_877 : vector<1x16xf32> to vector<16xf32>
        %mul3A_879 = arith.mulf %get3A_874, %get3A_878 : vector<16xf32>
        %add3A_880 = arith.addf %add3A_870, %mul3A_879 : vector<16xf32>
        %get3A_881 = arith.index_cast %add3A_841 : i32 to index
        %get3A_882 = arith.constant 64 : index
        %get3A_883 = tpu.vector_load %arg15[%get3A_881, %get3A_882] {strides = array<i32>} : memref<64x128xf32, #tpu.memory_space<vmem>>, vector<1x16xf32>,
        %get3A_884 = vector.shape_cast %get3A_883 : vector<1x16xf32> to vector<16xf32>
        %get3A_885 = arith.index_cast %add3A_841 : i32 to index
        %get3A_886 = arith.constant 64 : index
        %get3A_887 = tpu.vector_load %arg16[%get3A_885, %get3A_886] {strides = array<i32>} : memref<64x256xf32, #tpu.memory_space<vmem>>, vector<1x16xf32>,
        %get3A_888 = vector.shape_cast %get3A_887 : vector<1x16xf32> to vector<16xf32>
        %mul3A_889 = arith.mulf %get3A_884, %get3A_888 : vector<16xf32>
        %get3A_890 = arith.index_cast %add3A_841 : i32 to index
        %get3A_891 = arith.constant 80 : index
        %get3A_892 = tpu.vector_load %arg15[%get3A_890, %get3A_891] {strides = array<i32>} : memref<64x128xf32, #tpu.memory_space<vmem>>, vector<1x16xf32>,
        %get3A_893 = vector.shape_cast %get3A_892 : vector<1x16xf32> to vector<16xf32>
        %get3A_894 = arith.index_cast %add3A_841 : i32 to index
        %get3A_895 = arith.constant 80 : index
        %get3A_896 = tpu.vector_load %arg16[%get3A_894, %get3A_895] {strides = array<i32>} : memref<64x256xf32, #tpu.memory_space<vmem>>, vector<1x16xf32>,
        %get3A_897 = vector.shape_cast %get3A_896 : vector<1x16xf32> to vector<16xf32>
        %mul3A_898 = arith.mulf %get3A_893, %get3A_897 : vector<16xf32>
        %add3A_899 = arith.addf %mul3A_889, %mul3A_898 : vector<16xf32>
        %get3A_900 = arith.index_cast %add3A_841 : i32 to index
        %get3A_901 = arith.constant 96 : index
        %get3A_902 = tpu.vector_load %arg15[%get3A_900, %get3A_901] {strides = array<i32>} : memref<64x128xf32, #tpu.memory_space<vmem>>, vector<1x16xf32>,
        %get3A_903 = vector.shape_cast %get3A_902 : vector<1x16xf32> to vector<16xf32>
        %get3A_904 = arith.index_cast %add3A_841 : i32 to index
        %get3A_905 = arith.constant 96 : index
        %get3A_906 = tpu.vector_load %arg16[%get3A_904, %get3A_905] {strides = array<i32>} : memref<64x256xf32, #tpu.memory_space<vmem>>, vector<1x16xf32>,
        %get3A_907 = vector.shape_cast %get3A_906 : vector<1x16xf32> to vector<16xf32>
        %mul3A_908 = arith.mulf %get3A_903, %get3A_907 : vector<16xf32>
        %add3A_909 = arith.addf %add3A_899, %mul3A_908 : vector<16xf32>
        %get3A_910 = arith.index_cast %add3A_841 : i32 to index
        %get3A_911 = arith.constant 112 : index
        %get3A_912 = tpu.vector_load %arg15[%get3A_910, %get3A_911] {strides = array<i32>} : memref<64x128xf32, #tpu.memory_space<vmem>>, vector<1x16xf32>,
        %get3A_913 = vector.shape_cast %get3A_912 : vector<1x16xf32> to vector<16xf32>
        %get3A_914 = arith.index_cast %add3A_841 : i32 to index
        %get3A_915 = arith.constant 112 : index
        %get3A_916 = tpu.vector_load %arg16[%get3A_914, %get3A_915] {strides = array<i32>} : memref<64x256xf32, #tpu.memory_space<vmem>>, vector<1x16xf32>,
        %get3A_917 = vector.shape_cast %get3A_916 : vector<1x16xf32> to vector<16xf32>
        %mul3A_918 = arith.mulf %get3A_913, %get3A_917 : vector<16xf32>
        %add3A_919 = arith.addf %add3A_909, %mul3A_918 : vector<16xf32>
        %xor3A_920 = arith.constant 1 : i32
        %xor3A_921 = vector.broadcast %xor3A_920 : i32 to vector<16xi32>
        %xor3A_922 = arith.xori %iota3A, %xor3A_921 : vector<16xi32>
        %broadcast_in_dim3A_923 = vector.shape_cast %xor3A_922 : vector<16xi32> to vector<16x1xi32>
        %gather3A_924 = vector.shape_cast %broadcast_in_dim3A_923 : vector<16x1xi32> to vector<16xi32>
        %gather3A_925 = tpu.dynamic_gather %add3A_880[%gather3A_924] in [0] : vector<16xf32>, vector<16xi32> -> vector<16xf32>
        %add3A_926 = arith.addf %add3A_880, %gather3A_925 : vector<16xf32>
        %broadcast_in_dim3A_927 = vector.shape_cast %xor3A_922 : vector<16xi32> to vector<16x1xi32>
        %gather3A_928 = vector.shape_cast %broadcast_in_dim3A_927 : vector<16x1xi32> to vector<16xi32>
        %gather3A_929 = tpu.dynamic_gather %add3A_919[%gather3A_928] in [0] : vector<16xf32>, vector<16xi32> -> vector<16xf32>
        %add3A_930 = arith.addf %add3A_919, %gather3A_929 : vector<16xf32>
        %xor3A_931 = arith.constant 2 : i32
        %xor3A_932 = vector.broadcast %xor3A_931 : i32 to vector<16xi32>
        %xor3A_933 = arith.xori %iota3A, %xor3A_932 : vector<16xi32>
        %broadcast_in_dim3A_934 = vector.shape_cast %xor3A_933 : vector<16xi32> to vector<16x1xi32>
        %gather3A_935 = vector.shape_cast %broadcast_in_dim3A_934 : vector<16x1xi32> to vector<16xi32>
        %gather3A_936 = tpu.dynamic_gather %add3A_926[%gather3A_935] in [0] : vector<16xf32>, vector<16xi32> -> vector<16xf32>
        %add3A_937 = arith.addf %add3A_926, %gather3A_936 : vector<16xf32>
        %broadcast_in_dim3A_938 = vector.shape_cast %xor3A_933 : vector<16xi32> to vector<16x1xi32>
        %gather3A_939 = vector.shape_cast %broadcast_in_dim3A_938 : vector<16x1xi32> to vector<16xi32>
        %gather3A_940 = tpu.dynamic_gather %add3A_930[%gather3A_939] in [0] : vector<16xf32>, vector<16xi32> -> vector<16xf32>
        %add3A_941 = arith.addf %add3A_930, %gather3A_940 : vector<16xf32>
        %xor3A_942 = arith.constant 4 : i32
        %xor3A_943 = vector.broadcast %xor3A_942 : i32 to vector<16xi32>
        %xor3A_944 = arith.xori %iota3A, %xor3A_943 : vector<16xi32>
        %broadcast_in_dim3A_945 = vector.shape_cast %xor3A_944 : vector<16xi32> to vector<16x1xi32>
        %gather3A_946 = vector.shape_cast %broadcast_in_dim3A_945 : vector<16x1xi32> to vector<16xi32>
        %gather3A_947 = tpu.dynamic_gather %add3A_937[%gather3A_946] in [0] : vector<16xf32>, vector<16xi32> -> vector<16xf32>
        %add3A_948 = arith.addf %add3A_937, %gather3A_947 : vector<16xf32>
        %broadcast_in_dim3A_949 = vector.shape_cast %xor3A_944 : vector<16xi32> to vector<16x1xi32>
        %gather3A_950 = vector.shape_cast %broadcast_in_dim3A_949 : vector<16x1xi32> to vector<16xi32>
        %gather3A_951 = tpu.dynamic_gather %add3A_941[%gather3A_950] in [0] : vector<16xf32>, vector<16xi32> -> vector<16xf32>
        %add3A_952 = arith.addf %add3A_941, %gather3A_951 : vector<16xf32>
        %xor3A_953 = arith.constant 8 : i32
        %xor3A_954 = vector.broadcast %xor3A_953 : i32 to vector<16xi32>
        %xor3A_955 = arith.xori %iota3A, %xor3A_954 : vector<16xi32>
        %broadcast_in_dim3A_956 = vector.shape_cast %xor3A_955 : vector<16xi32> to vector<16x1xi32>
        %gather3A_957 = vector.shape_cast %broadcast_in_dim3A_956 : vector<16x1xi32> to vector<16xi32>
        %gather3A_958 = tpu.dynamic_gather %add3A_948[%gather3A_957] in [0] : vector<16xf32>, vector<16xi32> -> vector<16xf32>
        %add3A_959 = arith.addf %add3A_948, %gather3A_958 : vector<16xf32>
        %broadcast_in_dim3A_960 = vector.shape_cast %xor3A_955 : vector<16xi32> to vector<16x1xi32>
        %gather3A_961 = vector.shape_cast %broadcast_in_dim3A_960 : vector<16x1xi32> to vector<16xi32>
        %gather3A_962 = tpu.dynamic_gather %add3A_952[%gather3A_961] in [0] : vector<16xf32>, vector<16xi32> -> vector<16xf32>
        %add3A_963 = arith.addf %add3A_952, %gather3A_962 : vector<16xf32>
        %mul3A_964 = arith.constant 0.13130644 : f32
        %mul3A_965 = vector.broadcast %mul3A_964 : f32 to vector<16xf32>
        %mul3A_966 = arith.mulf %add3A_959, %mul3A_965 : vector<16xf32>
        %exp3A_967 = math.exp %mul3A_966 : vector<16xf32>
        %mul3A_968 = arith.constant 0.13130644 : f32
        %mul3A_969 = vector.broadcast %mul3A_968 : f32 to vector<16xf32>
        %mul3A_970 = arith.mulf %add3A_963, %mul3A_969 : vector<16xf32>
        %exp3A_971 = math.exp %mul3A_970 : vector<16xf32>
        %get3A_972 = arith.index_cast %add3A_841 : i32 to index
        %get3A_973 = arith.constant 128 : index
        %get3A_974 = tpu.vector_load %arg16[%get3A_972, %get3A_973] {strides = array<i32>} : memref<64x256xf32, #tpu.memory_space<vmem>>, vector<1x16xf32>,
        %get3A_975 = vector.shape_cast %get3A_974 : vector<1x16xf32> to vector<16xf32>
        %mul3A_976 = arith.mulf %exp3A_967, %get3A_975 : vector<16xf32>
        %swap3A_977 = arith.index_cast %add3A_841 : i32 to index
        %swap3A_978 = arith.constant 0 : index
        %swap3A_979 = tpu.vector_load %arg15[%swap3A_977, %swap3A_978] {strides = array<i32>} : memref<64x128xf32, #tpu.memory_space<vmem>>, vector<1x16xf32>,
        %swap3A_980 = vector.shape_cast %swap3A_979 : vector<1x16xf32> to vector<16xf32>
        %swap3A_981 = vector.shape_cast %mul3A_976 : vector<16xf32> to vector<1x16xf32>
        tpu.vector_store %arg15[%swap3A_977, %swap3A_978], %swap3A_981 {strides = array<i32>} : memref<64x128xf32, #tpu.memory_space<vmem>>, vector<1x16xf32>,
        %get3A_982 = arith.index_cast %add3A_841 : i32 to index
        %get3A_983 = arith.constant 144 : index
        %get3A_984 = tpu.vector_load %arg16[%get3A_982, %get3A_983] {strides = array<i32>} : memref<64x256xf32, #tpu.memory_space<vmem>>, vector<1x16xf32>,
        %get3A_985 = vector.shape_cast %get3A_984 : vector<1x16xf32> to vector<16xf32>
        %mul3A_986 = arith.mulf %exp3A_967, %get3A_985 : vector<16xf32>
        %swap3A_987 = arith.index_cast %add3A_841 : i32 to index
        %swap3A_988 = arith.constant 16 : index
        %swap3A_989 = tpu.vector_load %arg15[%swap3A_987, %swap3A_988] {strides = array<i32>} : memref<64x128xf32, #tpu.memory_space<vmem>>, vector<1x16xf32>,
        %swap3A_990 = vector.shape_cast %swap3A_989 : vector<1x16xf32> to vector<16xf32>
        %swap3A_991 = vector.shape_cast %mul3A_986 : vector<16xf32> to vector<1x16xf32>
        tpu.vector_store %arg15[%swap3A_987, %swap3A_988], %swap3A_991 {strides = array<i32>} : memref<64x128xf32, #tpu.memory_space<vmem>>, vector<1x16xf32>,
        %get3A_992 = arith.index_cast %add3A_841 : i32 to index
        %get3A_993 = arith.constant 160 : index
        %get3A_994 = tpu.vector_load %arg16[%get3A_992, %get3A_993] {strides = array<i32>} : memref<64x256xf32, #tpu.memory_space<vmem>>, vector<1x16xf32>,
        %get3A_995 = vector.shape_cast %get3A_994 : vector<1x16xf32> to vector<16xf32>
        %mul3A_996 = arith.mulf %exp3A_967, %get3A_995 : vector<16xf32>
        %swap3A_997 = arith.index_cast %add3A_841 : i32 to index
        %swap3A_998 = arith.constant 32 : index
        %swap3A_999 = tpu.vector_load %arg15[%swap3A_997, %swap3A_998] {strides = array<i32>} : memref<64x128xf32, #tpu.memory_space<vmem>>, vector<1x16xf32>,
        %swap3A_1000 = vector.shape_cast %swap3A_999 : vector<1x16xf32> to vector<16xf32>
        %swap3A_1001 = vector.shape_cast %mul3A_996 : vector<16xf32> to vector<1x16xf32>
        tpu.vector_store %arg15[%swap3A_997, %swap3A_998], %swap3A_1001 {strides = array<i32>} : memref<64x128xf32, #tpu.memory_space<vmem>>, vector<1x16xf32>,
        %eq3A_1002 = arith.constant 10 : i32
        %eq3A_1003 = vector.broadcast %eq3A_1002 : i32 to vector<16xi32>
        %eq3A_1004 = arith.cmpi eq, %iota3A, %eq3A_1003 : vector<16xi32>
        %get3A_1005 = arith.index_cast %add3A_841 : i32 to index
        %get3A_1006 = arith.constant 176 : index
        %get3A_1007 = tpu.vector_load %arg16[%get3A_1005, %get3A_1006] {strides = array<i32>} : memref<64x256xf32, #tpu.memory_space<vmem>>, vector<1x16xf32>,
        %get3A_1008 = vector.shape_cast %get3A_1007 : vector<1x16xf32> to vector<16xf32>
        %mul3A_1009 = arith.mulf %exp3A_967, %get3A_1008 : vector<16xf32>
        %select_n3A_1010 = arith.select %eq3A_1004, %exp3A_967, %mul3A_1009 : vector<16xi1>, vector<16xf32>
        %swap3A_1011 = arith.index_cast %add3A_841 : i32 to index
        %swap3A_1012 = arith.constant 48 : index
        %swap3A_1013 = tpu.vector_load %arg15[%swap3A_1011, %swap3A_1012] {strides = array<i32>} : memref<64x128xf32, #tpu.memory_space<vmem>>, vector<1x16xf32>,
        %swap3A_1014 = vector.shape_cast %swap3A_1013 : vector<1x16xf32> to vector<16xf32>
        %swap3A_1015 = vector.shape_cast %select_n3A_1010 : vector<16xf32> to vector<1x16xf32>
        tpu.vector_store %arg15[%swap3A_1011, %swap3A_1012], %swap3A_1015 {strides = array<i32>} : memref<64x128xf32, #tpu.memory_space<vmem>>, vector<1x16xf32>,
        %get3A_1016 = arith.index_cast %add3A_841 : i32 to index
        %get3A_1017 = arith.constant 192 : index
        %get3A_1018 = tpu.vector_load %arg16[%get3A_1016, %get3A_1017] {strides = array<i32>} : memref<64x256xf32, #tpu.memory_space<vmem>>, vector<1x16xf32>,
        %get3A_1019 = vector.shape_cast %get3A_1018 : vector<1x16xf32> to vector<16xf32>
        %mul3A_1020 = arith.mulf %exp3A_971, %get3A_1019 : vector<16xf32>
        %swap3A_1021 = arith.index_cast %add3A_841 : i32 to index
        %swap3A_1022 = arith.constant 64 : index
        %swap3A_1023 = tpu.vector_load %arg15[%swap3A_1021, %swap3A_1022] {strides = array<i32>} : memref<64x128xf32, #tpu.memory_space<vmem>>, vector<1x16xf32>,
        %swap3A_1024 = vector.shape_cast %swap3A_1023 : vector<1x16xf32> to vector<16xf32>
        %swap3A_1025 = vector.shape_cast %mul3A_1020 : vector<16xf32> to vector<1x16xf32>
        tpu.vector_store %arg15[%swap3A_1021, %swap3A_1022], %swap3A_1025 {strides = array<i32>} : memref<64x128xf32, #tpu.memory_space<vmem>>, vector<1x16xf32>,
        %get3A_1026 = arith.index_cast %add3A_841 : i32 to index
        %get3A_1027 = arith.constant 208 : index
        %get3A_1028 = tpu.vector_load %arg16[%get3A_1026, %get3A_1027] {strides = array<i32>} : memref<64x256xf32, #tpu.memory_space<vmem>>, vector<1x16xf32>,
        %get3A_1029 = vector.shape_cast %get3A_1028 : vector<1x16xf32> to vector<16xf32>
        %mul3A_1030 = arith.mulf %exp3A_971, %get3A_1029 : vector<16xf32>
        %swap3A_1031 = arith.index_cast %add3A_841 : i32 to index
        %swap3A_1032 = arith.constant 80 : index
        %swap3A_1033 = tpu.vector_load %arg15[%swap3A_1031, %swap3A_1032] {strides = array<i32>} : memref<64x128xf32, #tpu.memory_space<vmem>>, vector<1x16xf32>,
        %swap3A_1034 = vector.shape_cast %swap3A_1033 : vector<1x16xf32> to vector<16xf32>
        %swap3A_1035 = vector.shape_cast %mul3A_1030 : vector<16xf32> to vector<1x16xf32>
        tpu.vector_store %arg15[%swap3A_1031, %swap3A_1032], %swap3A_1035 {strides = array<i32>} : memref<64x128xf32, #tpu.memory_space<vmem>>, vector<1x16xf32>,
        %get3A_1036 = arith.index_cast %add3A_841 : i32 to index
        %get3A_1037 = arith.constant 224 : index
        %get3A_1038 = tpu.vector_load %arg16[%get3A_1036, %get3A_1037] {strides = array<i32>} : memref<64x256xf32, #tpu.memory_space<vmem>>, vector<1x16xf32>,
        %get3A_1039 = vector.shape_cast %get3A_1038 : vector<1x16xf32> to vector<16xf32>
        %mul3A_1040 = arith.mulf %exp3A_971, %get3A_1039 : vector<16xf32>
        %swap3A_1041 = arith.index_cast %add3A_841 : i32 to index
        %swap3A_1042 = arith.constant 96 : index
        %swap3A_1043 = tpu.vector_load %arg15[%swap3A_1041, %swap3A_1042] {strides = array<i32>} : memref<64x128xf32, #tpu.memory_space<vmem>>, vector<1x16xf32>,
        %swap3A_1044 = vector.shape_cast %swap3A_1043 : vector<1x16xf32> to vector<16xf32>
        %swap3A_1045 = vector.shape_cast %mul3A_1040 : vector<16xf32> to vector<1x16xf32>
        tpu.vector_store %arg15[%swap3A_1041, %swap3A_1042], %swap3A_1045 {strides = array<i32>} : memref<64x128xf32, #tpu.memory_space<vmem>>, vector<1x16xf32>,
        %eq3A_1046 = arith.constant 10 : i32
        %eq3A_1047 = vector.broadcast %eq3A_1046 : i32 to vector<16xi32>
        %eq3A_1048 = arith.cmpi eq, %iota3A, %eq3A_1047 : vector<16xi32>
        %get3A_1049 = arith.index_cast %add3A_841 : i32 to index
        %get3A_1050 = arith.constant 240 : index
        %get3A_1051 = tpu.vector_load %arg16[%get3A_1049, %get3A_1050] {strides = array<i32>} : memref<64x256xf32, #tpu.memory_space<vmem>>, vector<1x16xf32>,
        %get3A_1052 = vector.shape_cast %get3A_1051 : vector<1x16xf32> to vector<16xf32>
        %mul3A_1053 = arith.mulf %exp3A_971, %get3A_1052 : vector<16xf32>
        %select_n3A_1054 = arith.select %eq3A_1048, %exp3A_971, %mul3A_1053 : vector<16xi1>, vector<16xf32>
        %swap3A_1055 = arith.index_cast %add3A_841 : i32 to index
        %swap3A_1056 = arith.constant 112 : index
        %swap3A_1057 = tpu.vector_load %arg15[%swap3A_1055, %swap3A_1056] {strides = array<i32>} : memref<64x128xf32, #tpu.memory_space<vmem>>, vector<1x16xf32>,
        %swap3A_1058 = vector.shape_cast %swap3A_1057 : vector<1x16xf32> to vector<16xf32>
        %swap3A_1059 = vector.shape_cast %select_n3A_1054 : vector<16xf32> to vector<1x16xf32>
        tpu.vector_store %arg15[%swap3A_1055, %swap3A_1056], %swap3A_1059 {strides = array<i32>} : memref<64x128xf32, #tpu.memory_space<vmem>>, vector<1x16xf32>,
      }
      %scan3A_105 = arith.constant 16 : i32
      %dma_start3A_106 = arith.constant 0 : i32
      %dma_start3A_107 = arith.constant 0 : i32
      %dma_start3A_108 = tpu.memref_slice %arg19[%dma_start3A_106, %dma_start3A_107] : memref<9984x128xf32, #tpu.memory_space<vmem_shared>> -> memref<9984x128xf32, #tpu.memory_space<vmem_shared>>
      tpu.enqueue_indirect_dma source(%arg15 : memref<64x128xf32, #tpu.memory_space<vmem>>) target(%dma_start3A_108 : memref<9984x128xf32, #tpu.memory_space<vmem_shared>>) offsets(%arg13 : memref<64xi32, #tpu.memory_space<vmem>>) semaphore(%arg24 : memref<!tpu.dma_semaphore, #tpu.memory_space<semaphore_mem>>) {add = true}
      %add3A_109 = arith.constant 1 : i32
      %add3A_110 = arith.addi %scan3A_35, %add3A_109 : i32
      %lt3A_111 = arith.constant 160 : i32
      %lt3A_112 = arith.cmpi slt, %add3A_110, %lt3A_111 : i32
      %convert_element_type3A_113 = arith.extui %lt3A_112 : i1 to i32
      %cond3A_114 = arith.constant 0 : i32
      %cond3A_115 = arith.cmpi ne, %convert_element_type3A_113, %cond3A_114 : i32
      scf.if %cond3A_115 {
        %add3A_176 = arith.constant 2 : i32
        %add3A_177 = arith.addi %mul3A_37, %add3A_176 : i32
        %mul3A_178 = arith.constant 64 : i32
        %mul3A_179 = arith.muli %add3A_177, %mul3A_178 : i32
        %add3A_180 = arith.addi %mul3A_6, %mul3A_179 : i32
        %dma_wait3A_181 = tpu.memref_slice %arg4[%add3A_180] : memref<655360xi32, #tpu.memory_space<hbm>> -> memref<64xi32, #tpu.memory_space<hbm>>
        %dma_wait3A_182 = tpu.memref_slice %arg4[%add3A_180] : memref<655360xi32, #tpu.memory_space<hbm>> -> memref<64xi32, #tpu.memory_space<hbm>>
        tpu.wait_dma2 semaphore(%arg22 : memref<!tpu.dma_semaphore, #tpu.memory_space<semaphore_mem>>) src(%dma_wait3A_182 : memref<64xi32, #tpu.memory_space<hbm>>) dst(%arg9 : memref<64xi32, #tpu.memory_space<vmem>>)
        %dma_wait3A_183 = tpu.memref_slice %arg5[%add3A_180] : memref<655360xi32, #tpu.memory_space<hbm>> -> memref<64xi32, #tpu.memory_space<hbm>>
        %dma_wait3A_184 = tpu.memref_slice %arg5[%add3A_180] : memref<655360xi32, #tpu.memory_space<hbm>> -> memref<64xi32, #tpu.memory_space<hbm>>
        tpu.wait_dma2 semaphore(%arg22 : memref<!tpu.dma_semaphore, #tpu.memory_space<semaphore_mem>>) src(%dma_wait3A_184 : memref<64xi32, #tpu.memory_space<hbm>>) dst(%arg10 : memref<64xi32, #tpu.memory_space<vmem>>)
      } else {
      }
      %dma_wait3A_116 = arith.constant 0 : i32
      %dma_wait3A_117 = arith.constant 0 : i32
      %dma_wait3A_118 = tpu.memref_slice %arg19[%dma_wait3A_116, %dma_wait3A_117] : memref<9984x128xf32, #tpu.memory_space<vmem_shared>> -> memref<9984x128xf32, #tpu.memory_space<vmem_shared>>
      tpu.wait_indirect_dma semaphore(%arg24 : memref<!tpu.dma_semaphore, #tpu.memory_space<semaphore_mem>>) src(%arg15 : memref<64x128xf32, #tpu.memory_space<vmem>>) dst(%dma_wait3A_118 : memref<9984x128xf32, #tpu.memory_space<vmem_shared>>)
      %add3A_119 = arith.constant 1 : i32
      %add3A_120 = arith.addi %scan3A_35, %add3A_119 : i32
      %lt3A_121 = arith.constant 160 : i32
      %lt3A_122 = arith.cmpi slt, %add3A_120, %lt3A_121 : i32
      %convert_element_type3A_123 = arith.extui %lt3A_122 : i1 to i32
      %cond3A_124 = arith.constant 0 : i32
      %cond3A_125 = arith.cmpi ne, %convert_element_type3A_123, %cond3A_124 : i32
      scf.if %cond3A_125 {
        %dma_start3A_176 = arith.constant 0 : i32
        %dma_start3A_177 = arith.constant 0 : i32
        %dma_start3A_178 = tpu.memref_slice %arg2[%dma_start3A_176, %dma_start3A_177] : memref<9984x128xf32, #tpu.memory_space<hbm>> -> memref<9984x128xf32, #tpu.memory_space<hbm>>
        tpu.enqueue_indirect_dma source(%dma_start3A_178 : memref<9984x128xf32, #tpu.memory_space<hbm>>) target(%arg15 : memref<64x128xf32, #tpu.memory_space<vmem>>) offsets(%arg10 : memref<64xi32, #tpu.memory_space<vmem>>) semaphore(%arg20 : memref<!tpu.dma_semaphore, #tpu.memory_space<semaphore_mem>>)
        %dma_start3A_179 = arith.constant 0 : i32
        %dma_start3A_180 = arith.constant 0 : i32
        %dma_start3A_181 = tpu.memref_slice %arg3[%dma_start3A_179, %dma_start3A_180] : memref<9984x256xf32, #tpu.memory_space<hbm>> -> memref<9984x256xf32, #tpu.memory_space<hbm>>
        tpu.enqueue_indirect_dma source(%dma_start3A_181 : memref<9984x256xf32, #tpu.memory_space<hbm>>) target(%arg16 : memref<64x256xf32, #tpu.memory_space<vmem>>) offsets(%arg9 : memref<64xi32, #tpu.memory_space<vmem>>) semaphore(%arg20 : memref<!tpu.dma_semaphore, #tpu.memory_space<semaphore_mem>>)
      } else {
      }
      %dma_wait3A_126 = arith.constant 0 : i32
      %dma_wait3A_127 = arith.constant 0 : i32
      %dma_wait3A_128 = tpu.memref_slice %arg2[%dma_wait3A_126, %dma_wait3A_127] : memref<9984x128xf32, #tpu.memory_space<hbm>> -> memref<9984x128xf32, #tpu.memory_space<hbm>>
      tpu.wait_indirect_dma semaphore(%arg21 : memref<!tpu.dma_semaphore, #tpu.memory_space<semaphore_mem>>) src(%dma_wait3A_128 : memref<9984x128xf32, #tpu.memory_space<hbm>>) dst(%arg17 : memref<64x128xf32, #tpu.memory_space<vmem>>)
      %dma_wait3A_129 = arith.constant 0 : i32
      %dma_wait3A_130 = arith.constant 0 : i32
      %dma_wait3A_131 = tpu.memref_slice %arg3[%dma_wait3A_129, %dma_wait3A_130] : memref<9984x256xf32, #tpu.memory_space<hbm>> -> memref<9984x256xf32, #tpu.memory_space<hbm>>
      tpu.wait_indirect_dma semaphore(%arg21 : memref<!tpu.dma_semaphore, #tpu.memory_space<semaphore_mem>>) src(%dma_wait3A_131 : memref<9984x256xf32, #tpu.memory_space<hbm>>) dst(%arg18 : memref<64x256xf32, #tpu.memory_space<vmem>>)
      %get3A_132 = arith.constant 0 : index
      %get3A_133 = tpu.vector_load %arg12[%get3A_132] {strides = array<i32>} : memref<64xi32, #tpu.memory_space<vmem>>, vector<16xi32>,
      %get3A_134 = vector.shape_cast %get3A_133 : vector<16xi32> to vector<16xi32>
      %swap3A_135 = arith.constant 0 : index
      %swap3A_136 = tpu.vector_load %arg14[%swap3A_135] {strides = array<i32>} : memref<64xi32, #tpu.memory_space<vmem>>, vector<16xi32>,
      %swap3A_137 = vector.shape_cast %swap3A_136 : vector<16xi32> to vector<16xi32>
      %swap3A_138 = vector.shape_cast %get3A_134 : vector<16xi32> to vector<16xi32>
      tpu.vector_store %arg14[%swap3A_135], %swap3A_138 {strides = array<i32>} : memref<64xi32, #tpu.memory_space<vmem>>, vector<16xi32>,
      %get3A_139 = arith.constant 16 : index
      %get3A_140 = tpu.vector_load %arg12[%get3A_139] {strides = array<i32>} : memref<64xi32, #tpu.memory_space<vmem>>, vector<16xi32>,
      %get3A_141 = vector.shape_cast %get3A_140 : vector<16xi32> to vector<16xi32>
      %swap3A_142 = arith.constant 16 : index
      %swap3A_143 = tpu.vector_load %arg14[%swap3A_142] {strides = array<i32>} : memref<64xi32, #tpu.memory_space<vmem>>, vector<16xi32>,
      %swap3A_144 = vector.shape_cast %swap3A_143 : vector<16xi32> to vector<16xi32>
      %swap3A_145 = vector.shape_cast %get3A_141 : vector<16xi32> to vector<16xi32>
      tpu.vector_store %arg14[%swap3A_142], %swap3A_145 {strides = array<i32>} : memref<64xi32, #tpu.memory_space<vmem>>, vector<16xi32>,
      %get3A_146 = arith.constant 32 : index
      %get3A_147 = tpu.vector_load %arg12[%get3A_146] {strides = array<i32>} : memref<64xi32, #tpu.memory_space<vmem>>, vector<16xi32>,
      %get3A_148 = vector.shape_cast %get3A_147 : vector<16xi32> to vector<16xi32>
      %swap3A_149 = arith.constant 32 : index
      %swap3A_150 = tpu.vector_load %arg14[%swap3A_149] {strides = array<i32>} : memref<64xi32, #tpu.memory_space<vmem>>, vector<16xi32>,
      %swap3A_151 = vector.shape_cast %swap3A_150 : vector<16xi32> to vector<16xi32>
      %swap3A_152 = vector.shape_cast %get3A_148 : vector<16xi32> to vector<16xi32>
      tpu.vector_store %arg14[%swap3A_149], %swap3A_152 {strides = array<i32>} : memref<64xi32, #tpu.memory_space<vmem>>, vector<16xi32>,
      %get3A_153 = arith.constant 48 : index
      %get3A_154 = tpu.vector_load %arg12[%get3A_153] {strides = array<i32>} : memref<64xi32, #tpu.memory_space<vmem>>, vector<16xi32>,
      %get3A_155 = vector.shape_cast %get3A_154 : vector<16xi32> to vector<16xi32>
      %swap3A_156 = arith.constant 48 : index
      %swap3A_157 = tpu.vector_load %arg14[%swap3A_156] {strides = array<i32>} : memref<64xi32, #tpu.memory_space<vmem>>, vector<16xi32>,
      %swap3A_158 = vector.shape_cast %swap3A_157 : vector<16xi32> to vector<16xi32>
      %swap3A_159 = vector.shape_cast %get3A_155 : vector<16xi32> to vector<16xi32>
      tpu.vector_store %arg14[%swap3A_156], %swap3A_159 {strides = array<i32>} : memref<64xi32, #tpu.memory_space<vmem>>, vector<16xi32>,
      %add3A_160 = arith.constant 1 : i32
      %add3A_161 = arith.addi %scan3A_35, %add3A_160 : i32
      %lt3A_162 = arith.constant 160 : i32
      %lt3A_163 = arith.cmpi slt, %add3A_161, %lt3A_162 : i32
      %convert_element_type3A_164 = arith.extui %lt3A_163 : i1 to i32
      %cond3A_165 = arith.constant 0 : i32
      %cond3A_166 = arith.cmpi ne, %convert_element_type3A_164, %cond3A_165 : i32
      scf.if %cond3A_166 {
        %add3A_176 = arith.constant 3 : i32
        %add3A_177 = arith.addi %mul3A_37, %add3A_176 : i32
        %mul3A_178 = arith.constant 64 : i32
        %mul3A_179 = arith.muli %add3A_177, %mul3A_178 : i32
        %add3A_180 = arith.addi %mul3A_6, %mul3A_179 : i32
        %dma_start3A_181 = tpu.memref_slice %arg4[%add3A_180] : memref<655360xi32, #tpu.memory_space<hbm>> -> memref<64xi32, #tpu.memory_space<hbm>>
        %dma_start3A_182 = tpu.memref_slice %arg4[%add3A_180] : memref<655360xi32, #tpu.memory_space<hbm>> -> memref<64xi32, #tpu.memory_space<hbm>>
        tpu.enqueue_dma source(%dma_start3A_182 : memref<64xi32, #tpu.memory_space<hbm>>) target(%arg11 : memref<64xi32, #tpu.memory_space<vmem>>) target_semaphore(%arg23 : memref<!tpu.dma_semaphore, #tpu.memory_space<semaphore_mem>>)
        %dma_start3A_183 = tpu.memref_slice %arg5[%add3A_180] : memref<655360xi32, #tpu.memory_space<hbm>> -> memref<64xi32, #tpu.memory_space<hbm>>
        %dma_start3A_184 = tpu.memref_slice %arg5[%add3A_180] : memref<655360xi32, #tpu.memory_space<hbm>> -> memref<64xi32, #tpu.memory_space<hbm>>
        tpu.enqueue_dma source(%dma_start3A_184 : memref<64xi32, #tpu.memory_space<hbm>>) target(%arg12 : memref<64xi32, #tpu.memory_space<vmem>>) target_semaphore(%arg23 : memref<!tpu.dma_semaphore, #tpu.memory_space<semaphore_mem>>)
      } else {
      }
      %scan3A_167 = arith.constant 0 : i32
      %scan3A_168 = arith.constant 0 : i32
      %scan3A_169 = arith.constant 16 : i32
      %scan3A_170 = arith.addi %scan3A_168, %scan3A_169 : i32
      %scan3A_171 = arith.constant 1 : i32
      scf.for %scan3A_176 = %scan3A_168 to %scan3A_170 step %scan3A_171  : i32 {
        %mul3A_177 = arith.constant 4 : i32
        %mul3A_178 = arith.muli %scan3A_176, %mul3A_177 : i32
        %add3A_179 = arith.constant 0 : i32
        %add3A_180 = arith.addi %mul3A_178, %add3A_179 : i32
        %get3A_181 = arith.index_cast %add3A_180 : i32 to index
        %get3A_182 = arith.constant 0 : index
        %get3A_183 = tpu.vector_load %arg17[%get3A_181, %get3A_182] {strides = array<i32>} : memref<64x128xf32, #tpu.memory_space<vmem>>, vector<1x16xf32>,
        %get3A_184 = vector.shape_cast %get3A_183 : vector<1x16xf32> to vector<16xf32>
        %get3A_185 = arith.index_cast %add3A_180 : i32 to index
        %get3A_186 = arith.constant 0 : index
        %get3A_187 = tpu.vector_load %arg18[%get3A_185, %get3A_186] {strides = array<i32>} : memref<64x256xf32, #tpu.memory_space<vmem>>, vector<1x16xf32>,
        %get3A_188 = vector.shape_cast %get3A_187 : vector<1x16xf32> to vector<16xf32>
        %mul3A_189 = arith.mulf %get3A_184, %get3A_188 : vector<16xf32>
        %get3A_190 = arith.index_cast %add3A_180 : i32 to index
        %get3A_191 = arith.constant 16 : index
        %get3A_192 = tpu.vector_load %arg17[%get3A_190, %get3A_191] {strides = array<i32>} : memref<64x128xf32, #tpu.memory_space<vmem>>, vector<1x16xf32>,
        %get3A_193 = vector.shape_cast %get3A_192 : vector<1x16xf32> to vector<16xf32>
        %get3A_194 = arith.index_cast %add3A_180 : i32 to index
        %get3A_195 = arith.constant 16 : index
        %get3A_196 = tpu.vector_load %arg18[%get3A_194, %get3A_195] {strides = array<i32>} : memref<64x256xf32, #tpu.memory_space<vmem>>, vector<1x16xf32>,
        %get3A_197 = vector.shape_cast %get3A_196 : vector<1x16xf32> to vector<16xf32>
        %mul3A_198 = arith.mulf %get3A_193, %get3A_197 : vector<16xf32>
        %add3A_199 = arith.addf %mul3A_189, %mul3A_198 : vector<16xf32>
        %get3A_200 = arith.index_cast %add3A_180 : i32 to index
        %get3A_201 = arith.constant 32 : index
        %get3A_202 = tpu.vector_load %arg17[%get3A_200, %get3A_201] {strides = array<i32>} : memref<64x128xf32, #tpu.memory_space<vmem>>, vector<1x16xf32>,
        %get3A_203 = vector.shape_cast %get3A_202 : vector<1x16xf32> to vector<16xf32>
        %get3A_204 = arith.index_cast %add3A_180 : i32 to index
        %get3A_205 = arith.constant 32 : index
        %get3A_206 = tpu.vector_load %arg18[%get3A_204, %get3A_205] {strides = array<i32>} : memref<64x256xf32, #tpu.memory_space<vmem>>, vector<1x16xf32>,
        %get3A_207 = vector.shape_cast %get3A_206 : vector<1x16xf32> to vector<16xf32>
        %mul3A_208 = arith.mulf %get3A_203, %get3A_207 : vector<16xf32>
        %add3A_209 = arith.addf %add3A_199, %mul3A_208 : vector<16xf32>
        %get3A_210 = arith.index_cast %add3A_180 : i32 to index
        %get3A_211 = arith.constant 48 : index
        %get3A_212 = tpu.vector_load %arg17[%get3A_210, %get3A_211] {strides = array<i32>} : memref<64x128xf32, #tpu.memory_space<vmem>>, vector<1x16xf32>,
        %get3A_213 = vector.shape_cast %get3A_212 : vector<1x16xf32> to vector<16xf32>
        %get3A_214 = arith.index_cast %add3A_180 : i32 to index
        %get3A_215 = arith.constant 48 : index
        %get3A_216 = tpu.vector_load %arg18[%get3A_214, %get3A_215] {strides = array<i32>} : memref<64x256xf32, #tpu.memory_space<vmem>>, vector<1x16xf32>,
        %get3A_217 = vector.shape_cast %get3A_216 : vector<1x16xf32> to vector<16xf32>
        %mul3A_218 = arith.mulf %get3A_213, %get3A_217 : vector<16xf32>
        %add3A_219 = arith.addf %add3A_209, %mul3A_218 : vector<16xf32>
        %get3A_220 = arith.index_cast %add3A_180 : i32 to index
        %get3A_221 = arith.constant 64 : index
        %get3A_222 = tpu.vector_load %arg17[%get3A_220, %get3A_221] {strides = array<i32>} : memref<64x128xf32, #tpu.memory_space<vmem>>, vector<1x16xf32>,
        %get3A_223 = vector.shape_cast %get3A_222 : vector<1x16xf32> to vector<16xf32>
        %get3A_224 = arith.index_cast %add3A_180 : i32 to index
        %get3A_225 = arith.constant 64 : index
        %get3A_226 = tpu.vector_load %arg18[%get3A_224, %get3A_225] {strides = array<i32>} : memref<64x256xf32, #tpu.memory_space<vmem>>, vector<1x16xf32>,
        %get3A_227 = vector.shape_cast %get3A_226 : vector<1x16xf32> to vector<16xf32>
        %mul3A_228 = arith.mulf %get3A_223, %get3A_227 : vector<16xf32>
        %get3A_229 = arith.index_cast %add3A_180 : i32 to index
        %get3A_230 = arith.constant 80 : index
        %get3A_231 = tpu.vector_load %arg17[%get3A_229, %get3A_230] {strides = array<i32>} : memref<64x128xf32, #tpu.memory_space<vmem>>, vector<1x16xf32>,
        %get3A_232 = vector.shape_cast %get3A_231 : vector<1x16xf32> to vector<16xf32>
        %get3A_233 = arith.index_cast %add3A_180 : i32 to index
        %get3A_234 = arith.constant 80 : index
        %get3A_235 = tpu.vector_load %arg18[%get3A_233, %get3A_234] {strides = array<i32>} : memref<64x256xf32, #tpu.memory_space<vmem>>, vector<1x16xf32>,
        %get3A_236 = vector.shape_cast %get3A_235 : vector<1x16xf32> to vector<16xf32>
        %mul3A_237 = arith.mulf %get3A_232, %get3A_236 : vector<16xf32>
        %add3A_238 = arith.addf %mul3A_228, %mul3A_237 : vector<16xf32>
        %get3A_239 = arith.index_cast %add3A_180 : i32 to index
        %get3A_240 = arith.constant 96 : index
        %get3A_241 = tpu.vector_load %arg17[%get3A_239, %get3A_240] {strides = array<i32>} : memref<64x128xf32, #tpu.memory_space<vmem>>, vector<1x16xf32>,
        %get3A_242 = vector.shape_cast %get3A_241 : vector<1x16xf32> to vector<16xf32>
        %get3A_243 = arith.index_cast %add3A_180 : i32 to index
        %get3A_244 = arith.constant 96 : index
        %get3A_245 = tpu.vector_load %arg18[%get3A_243, %get3A_244] {strides = array<i32>} : memref<64x256xf32, #tpu.memory_space<vmem>>, vector<1x16xf32>,
        %get3A_246 = vector.shape_cast %get3A_245 : vector<1x16xf32> to vector<16xf32>
        %mul3A_247 = arith.mulf %get3A_242, %get3A_246 : vector<16xf32>
        %add3A_248 = arith.addf %add3A_238, %mul3A_247 : vector<16xf32>
        %get3A_249 = arith.index_cast %add3A_180 : i32 to index
        %get3A_250 = arith.constant 112 : index
        %get3A_251 = tpu.vector_load %arg17[%get3A_249, %get3A_250] {strides = array<i32>} : memref<64x128xf32, #tpu.memory_space<vmem>>, vector<1x16xf32>,
        %get3A_252 = vector.shape_cast %get3A_251 : vector<1x16xf32> to vector<16xf32>
        %get3A_253 = arith.index_cast %add3A_180 : i32 to index
        %get3A_254 = arith.constant 112 : index
        %get3A_255 = tpu.vector_load %arg18[%get3A_253, %get3A_254] {strides = array<i32>} : memref<64x256xf32, #tpu.memory_space<vmem>>, vector<1x16xf32>,
        %get3A_256 = vector.shape_cast %get3A_255 : vector<1x16xf32> to vector<16xf32>
        %mul3A_257 = arith.mulf %get3A_252, %get3A_256 : vector<16xf32>
        %add3A_258 = arith.addf %add3A_248, %mul3A_257 : vector<16xf32>
        %xor3A = arith.constant 1 : i32
        %xor3A_259 = vector.broadcast %xor3A : i32 to vector<16xi32>
        %xor3A_260 = arith.xori %iota3A, %xor3A_259 : vector<16xi32>
        %broadcast_in_dim3A = vector.shape_cast %xor3A_260 : vector<16xi32> to vector<16x1xi32>
        %gather3A = vector.shape_cast %broadcast_in_dim3A : vector<16x1xi32> to vector<16xi32>
        %gather3A_261 = tpu.dynamic_gather %add3A_219[%gather3A] in [0] : vector<16xf32>, vector<16xi32> -> vector<16xf32>
        %add3A_262 = arith.addf %add3A_219, %gather3A_261 : vector<16xf32>
        %broadcast_in_dim3A_263 = vector.shape_cast %xor3A_260 : vector<16xi32> to vector<16x1xi32>
        %gather3A_264 = vector.shape_cast %broadcast_in_dim3A_263 : vector<16x1xi32> to vector<16xi32>
        %gather3A_265 = tpu.dynamic_gather %add3A_258[%gather3A_264] in [0] : vector<16xf32>, vector<16xi32> -> vector<16xf32>
        %add3A_266 = arith.addf %add3A_258, %gather3A_265 : vector<16xf32>
        %xor3A_267 = arith.constant 2 : i32
        %xor3A_268 = vector.broadcast %xor3A_267 : i32 to vector<16xi32>
        %xor3A_269 = arith.xori %iota3A, %xor3A_268 : vector<16xi32>
        %broadcast_in_dim3A_270 = vector.shape_cast %xor3A_269 : vector<16xi32> to vector<16x1xi32>
        %gather3A_271 = vector.shape_cast %broadcast_in_dim3A_270 : vector<16x1xi32> to vector<16xi32>
        %gather3A_272 = tpu.dynamic_gather %add3A_262[%gather3A_271] in [0] : vector<16xf32>, vector<16xi32> -> vector<16xf32>
        %add3A_273 = arith.addf %add3A_262, %gather3A_272 : vector<16xf32>
        %broadcast_in_dim3A_274 = vector.shape_cast %xor3A_269 : vector<16xi32> to vector<16x1xi32>
        %gather3A_275 = vector.shape_cast %broadcast_in_dim3A_274 : vector<16x1xi32> to vector<16xi32>
        %gather3A_276 = tpu.dynamic_gather %add3A_266[%gather3A_275] in [0] : vector<16xf32>, vector<16xi32> -> vector<16xf32>
        %add3A_277 = arith.addf %add3A_266, %gather3A_276 : vector<16xf32>
        %xor3A_278 = arith.constant 4 : i32
        %xor3A_279 = vector.broadcast %xor3A_278 : i32 to vector<16xi32>
        %xor3A_280 = arith.xori %iota3A, %xor3A_279 : vector<16xi32>
        %broadcast_in_dim3A_281 = vector.shape_cast %xor3A_280 : vector<16xi32> to vector<16x1xi32>
        %gather3A_282 = vector.shape_cast %broadcast_in_dim3A_281 : vector<16x1xi32> to vector<16xi32>
        %gather3A_283 = tpu.dynamic_gather %add3A_273[%gather3A_282] in [0] : vector<16xf32>, vector<16xi32> -> vector<16xf32>
        %add3A_284 = arith.addf %add3A_273, %gather3A_283 : vector<16xf32>
        %broadcast_in_dim3A_285 = vector.shape_cast %xor3A_280 : vector<16xi32> to vector<16x1xi32>
        %gather3A_286 = vector.shape_cast %broadcast_in_dim3A_285 : vector<16x1xi32> to vector<16xi32>
        %gather3A_287 = tpu.dynamic_gather %add3A_277[%gather3A_286] in [0] : vector<16xf32>, vector<16xi32> -> vector<16xf32>
        %add3A_288 = arith.addf %add3A_277, %gather3A_287 : vector<16xf32>
        %xor3A_289 = arith.constant 8 : i32
        %xor3A_290 = vector.broadcast %xor3A_289 : i32 to vector<16xi32>
        %xor3A_291 = arith.xori %iota3A, %xor3A_290 : vector<16xi32>
        %broadcast_in_dim3A_292 = vector.shape_cast %xor3A_291 : vector<16xi32> to vector<16x1xi32>
        %gather3A_293 = vector.shape_cast %broadcast_in_dim3A_292 : vector<16x1xi32> to vector<16xi32>
        %gather3A_294 = tpu.dynamic_gather %add3A_284[%gather3A_293] in [0] : vector<16xf32>, vector<16xi32> -> vector<16xf32>
        %add3A_295 = arith.addf %add3A_284, %gather3A_294 : vector<16xf32>
        %broadcast_in_dim3A_296 = vector.shape_cast %xor3A_291 : vector<16xi32> to vector<16x1xi32>
        %gather3A_297 = vector.shape_cast %broadcast_in_dim3A_296 : vector<16x1xi32> to vector<16xi32>
        %gather3A_298 = tpu.dynamic_gather %add3A_288[%gather3A_297] in [0] : vector<16xf32>, vector<16xi32> -> vector<16xf32>
        %add3A_299 = arith.addf %add3A_288, %gather3A_298 : vector<16xf32>
        %mul3A_300 = arith.constant 0.13130644 : f32
        %mul3A_301 = vector.broadcast %mul3A_300 : f32 to vector<16xf32>
        %mul3A_302 = arith.mulf %add3A_295, %mul3A_301 : vector<16xf32>
        %exp3A = math.exp %mul3A_302 : vector<16xf32>
        %mul3A_303 = arith.constant 0.13130644 : f32
        %mul3A_304 = vector.broadcast %mul3A_303 : f32 to vector<16xf32>
        %mul3A_305 = arith.mulf %add3A_299, %mul3A_304 : vector<16xf32>
        %exp3A_306 = math.exp %mul3A_305 : vector<16xf32>
        %get3A_307 = arith.index_cast %add3A_180 : i32 to index
        %get3A_308 = arith.constant 128 : index
        %get3A_309 = tpu.vector_load %arg18[%get3A_307, %get3A_308] {strides = array<i32>} : memref<64x256xf32, #tpu.memory_space<vmem>>, vector<1x16xf32>,
        %get3A_310 = vector.shape_cast %get3A_309 : vector<1x16xf32> to vector<16xf32>
        %mul3A_311 = arith.mulf %exp3A, %get3A_310 : vector<16xf32>
        %swap3A_312 = arith.index_cast %add3A_180 : i32 to index
        %swap3A_313 = arith.constant 0 : index
        %swap3A_314 = tpu.vector_load %arg17[%swap3A_312, %swap3A_313] {strides = array<i32>} : memref<64x128xf32, #tpu.memory_space<vmem>>, vector<1x16xf32>,
        %swap3A_315 = vector.shape_cast %swap3A_314 : vector<1x16xf32> to vector<16xf32>
        %swap3A_316 = vector.shape_cast %mul3A_311 : vector<16xf32> to vector<1x16xf32>
        tpu.vector_store %arg17[%swap3A_312, %swap3A_313], %swap3A_316 {strides = array<i32>} : memref<64x128xf32, #tpu.memory_space<vmem>>, vector<1x16xf32>,
        %get3A_317 = arith.index_cast %add3A_180 : i32 to index
        %get3A_318 = arith.constant 144 : index
        %get3A_319 = tpu.vector_load %arg18[%get3A_317, %get3A_318] {strides = array<i32>} : memref<64x256xf32, #tpu.memory_space<vmem>>, vector<1x16xf32>,
        %get3A_320 = vector.shape_cast %get3A_319 : vector<1x16xf32> to vector<16xf32>
        %mul3A_321 = arith.mulf %exp3A, %get3A_320 : vector<16xf32>
        %swap3A_322 = arith.index_cast %add3A_180 : i32 to index
        %swap3A_323 = arith.constant 16 : index
        %swap3A_324 = tpu.vector_load %arg17[%swap3A_322, %swap3A_323] {strides = array<i32>} : memref<64x128xf32, #tpu.memory_space<vmem>>, vector<1x16xf32>,
        %swap3A_325 = vector.shape_cast %swap3A_324 : vector<1x16xf32> to vector<16xf32>
        %swap3A_326 = vector.shape_cast %mul3A_321 : vector<16xf32> to vector<1x16xf32>
        tpu.vector_store %arg17[%swap3A_322, %swap3A_323], %swap3A_326 {strides = array<i32>} : memref<64x128xf32, #tpu.memory_space<vmem>>, vector<1x16xf32>,
        %get3A_327 = arith.index_cast %add3A_180 : i32 to index
        %get3A_328 = arith.constant 160 : index
        %get3A_329 = tpu.vector_load %arg18[%get3A_327, %get3A_328] {strides = array<i32>} : memref<64x256xf32, #tpu.memory_space<vmem>>, vector<1x16xf32>,
        %get3A_330 = vector.shape_cast %get3A_329 : vector<1x16xf32> to vector<16xf32>
        %mul3A_331 = arith.mulf %exp3A, %get3A_330 : vector<16xf32>
        %swap3A_332 = arith.index_cast %add3A_180 : i32 to index
        %swap3A_333 = arith.constant 32 : index
        %swap3A_334 = tpu.vector_load %arg17[%swap3A_332, %swap3A_333] {strides = array<i32>} : memref<64x128xf32, #tpu.memory_space<vmem>>, vector<1x16xf32>,
        %swap3A_335 = vector.shape_cast %swap3A_334 : vector<1x16xf32> to vector<16xf32>
        %swap3A_336 = vector.shape_cast %mul3A_331 : vector<16xf32> to vector<1x16xf32>
        tpu.vector_store %arg17[%swap3A_332, %swap3A_333], %swap3A_336 {strides = array<i32>} : memref<64x128xf32, #tpu.memory_space<vmem>>, vector<1x16xf32>,
        %eq3A_337 = arith.constant 10 : i32
        %eq3A_338 = vector.broadcast %eq3A_337 : i32 to vector<16xi32>
        %eq3A_339 = arith.cmpi eq, %iota3A, %eq3A_338 : vector<16xi32>
        %get3A_340 = arith.index_cast %add3A_180 : i32 to index
        %get3A_341 = arith.constant 176 : index
        %get3A_342 = tpu.vector_load %arg18[%get3A_340, %get3A_341] {strides = array<i32>} : memref<64x256xf32, #tpu.memory_space<vmem>>, vector<1x16xf32>,
        %get3A_343 = vector.shape_cast %get3A_342 : vector<1x16xf32> to vector<16xf32>
        %mul3A_344 = arith.mulf %exp3A, %get3A_343 : vector<16xf32>
        %select_n3A = arith.select %eq3A_339, %exp3A, %mul3A_344 : vector<16xi1>, vector<16xf32>
        %swap3A_345 = arith.index_cast %add3A_180 : i32 to index
        %swap3A_346 = arith.constant 48 : index
        %swap3A_347 = tpu.vector_load %arg17[%swap3A_345, %swap3A_346] {strides = array<i32>} : memref<64x128xf32, #tpu.memory_space<vmem>>, vector<1x16xf32>,
        %swap3A_348 = vector.shape_cast %swap3A_347 : vector<1x16xf32> to vector<16xf32>
        %swap3A_349 = vector.shape_cast %select_n3A : vector<16xf32> to vector<1x16xf32>
        tpu.vector_store %arg17[%swap3A_345, %swap3A_346], %swap3A_349 {strides = array<i32>} : memref<64x128xf32, #tpu.memory_space<vmem>>, vector<1x16xf32>,
        %get3A_350 = arith.index_cast %add3A_180 : i32 to index
        %get3A_351 = arith.constant 192 : index
        %get3A_352 = tpu.vector_load %arg18[%get3A_350, %get3A_351] {strides = array<i32>} : memref<64x256xf32, #tpu.memory_space<vmem>>, vector<1x16xf32>,
        %get3A_353 = vector.shape_cast %get3A_352 : vector<1x16xf32> to vector<16xf32>
        %mul3A_354 = arith.mulf %exp3A_306, %get3A_353 : vector<16xf32>
        %swap3A_355 = arith.index_cast %add3A_180 : i32 to index
        %swap3A_356 = arith.constant 64 : index
        %swap3A_357 = tpu.vector_load %arg17[%swap3A_355, %swap3A_356] {strides = array<i32>} : memref<64x128xf32, #tpu.memory_space<vmem>>, vector<1x16xf32>,
        %swap3A_358 = vector.shape_cast %swap3A_357 : vector<1x16xf32> to vector<16xf32>
        %swap3A_359 = vector.shape_cast %mul3A_354 : vector<16xf32> to vector<1x16xf32>
        tpu.vector_store %arg17[%swap3A_355, %swap3A_356], %swap3A_359 {strides = array<i32>} : memref<64x128xf32, #tpu.memory_space<vmem>>, vector<1x16xf32>,
        %get3A_360 = arith.index_cast %add3A_180 : i32 to index
        %get3A_361 = arith.constant 208 : index
        %get3A_362 = tpu.vector_load %arg18[%get3A_360, %get3A_361] {strides = array<i32>} : memref<64x256xf32, #tpu.memory_space<vmem>>, vector<1x16xf32>,
        %get3A_363 = vector.shape_cast %get3A_362 : vector<1x16xf32> to vector<16xf32>
        %mul3A_364 = arith.mulf %exp3A_306, %get3A_363 : vector<16xf32>
        %swap3A_365 = arith.index_cast %add3A_180 : i32 to index
        %swap3A_366 = arith.constant 80 : index
        %swap3A_367 = tpu.vector_load %arg17[%swap3A_365, %swap3A_366] {strides = array<i32>} : memref<64x128xf32, #tpu.memory_space<vmem>>, vector<1x16xf32>,
        %swap3A_368 = vector.shape_cast %swap3A_367 : vector<1x16xf32> to vector<16xf32>
        %swap3A_369 = vector.shape_cast %mul3A_364 : vector<16xf32> to vector<1x16xf32>
        tpu.vector_store %arg17[%swap3A_365, %swap3A_366], %swap3A_369 {strides = array<i32>} : memref<64x128xf32, #tpu.memory_space<vmem>>, vector<1x16xf32>,
        %get3A_370 = arith.index_cast %add3A_180 : i32 to index
        %get3A_371 = arith.constant 224 : index
        %get3A_372 = tpu.vector_load %arg18[%get3A_370, %get3A_371] {strides = array<i32>} : memref<64x256xf32, #tpu.memory_space<vmem>>, vector<1x16xf32>,
        %get3A_373 = vector.shape_cast %get3A_372 : vector<1x16xf32> to vector<16xf32>
        %mul3A_374 = arith.mulf %exp3A_306, %get3A_373 : vector<16xf32>
        %swap3A_375 = arith.index_cast %add3A_180 : i32 to index
        %swap3A_376 = arith.constant 96 : index
        %swap3A_377 = tpu.vector_load %arg17[%swap3A_375, %swap3A_376] {strides = array<i32>} : memref<64x128xf32, #tpu.memory_space<vmem>>, vector<1x16xf32>,
        %swap3A_378 = vector.shape_cast %swap3A_377 : vector<1x16xf32> to vector<16xf32>
        %swap3A_379 = vector.shape_cast %mul3A_374 : vector<16xf32> to vector<1x16xf32>
        tpu.vector_store %arg17[%swap3A_375, %swap3A_376], %swap3A_379 {strides = array<i32>} : memref<64x128xf32, #tpu.memory_space<vmem>>, vector<1x16xf32>,
        %eq3A_380 = arith.constant 10 : i32
        %eq3A_381 = vector.broadcast %eq3A_380 : i32 to vector<16xi32>
        %eq3A_382 = arith.cmpi eq, %iota3A, %eq3A_381 : vector<16xi32>
        %get3A_383 = arith.index_cast %add3A_180 : i32 to index
        %get3A_384 = arith.constant 240 : index
        %get3A_385 = tpu.vector_load %arg18[%get3A_383, %get3A_384] {strides = array<i32>} : memref<64x256xf32, #tpu.memory_space<vmem>>, vector<1x16xf32>,
        %get3A_386 = vector.shape_cast %get3A_385 : vector<1x16xf32> to vector<16xf32>
        %mul3A_387 = arith.mulf %exp3A_306, %get3A_386 : vector<16xf32>
        %select_n3A_388 = arith.select %eq3A_382, %exp3A_306, %mul3A_387 : vector<16xi1>, vector<16xf32>
        %swap3A_389 = arith.index_cast %add3A_180 : i32 to index
        %swap3A_390 = arith.constant 112 : index
        %swap3A_391 = tpu.vector_load %arg17[%swap3A_389, %swap3A_390] {strides = array<i32>} : memref<64x128xf32, #tpu.memory_space<vmem>>, vector<1x16xf32>,
        %swap3A_392 = vector.shape_cast %swap3A_391 : vector<1x16xf32> to vector<16xf32>
        %swap3A_393 = vector.shape_cast %select_n3A_388 : vector<16xf32> to vector<1x16xf32>
        tpu.vector_store %arg17[%swap3A_389, %swap3A_390], %swap3A_393 {strides = array<i32>} : memref<64x128xf32, #tpu.memory_space<vmem>>, vector<1x16xf32>,
        %mul3A_394 = arith.constant 4 : i32
        %mul3A_395 = arith.muli %scan3A_176, %mul3A_394 : i32
        %add3A_396 = arith.constant 1 : i32
        %add3A_397 = arith.addi %mul3A_395, %add3A_396 : i32
        %get3A_398 = arith.index_cast %add3A_397 : i32 to index
        %get3A_399 = arith.constant 0 : index
        %get3A_400 = tpu.vector_load %arg17[%get3A_398, %get3A_399] {strides = array<i32>} : memref<64x128xf32, #tpu.memory_space<vmem>>, vector<1x16xf32>,
        %get3A_401 = vector.shape_cast %get3A_400 : vector<1x16xf32> to vector<16xf32>
        %get3A_402 = arith.index_cast %add3A_397 : i32 to index
        %get3A_403 = arith.constant 0 : index
        %get3A_404 = tpu.vector_load %arg18[%get3A_402, %get3A_403] {strides = array<i32>} : memref<64x256xf32, #tpu.memory_space<vmem>>, vector<1x16xf32>,
        %get3A_405 = vector.shape_cast %get3A_404 : vector<1x16xf32> to vector<16xf32>
        %mul3A_406 = arith.mulf %get3A_401, %get3A_405 : vector<16xf32>
        %get3A_407 = arith.index_cast %add3A_397 : i32 to index
        %get3A_408 = arith.constant 16 : index
        %get3A_409 = tpu.vector_load %arg17[%get3A_407, %get3A_408] {strides = array<i32>} : memref<64x128xf32, #tpu.memory_space<vmem>>, vector<1x16xf32>,
        %get3A_410 = vector.shape_cast %get3A_409 : vector<1x16xf32> to vector<16xf32>
        %get3A_411 = arith.index_cast %add3A_397 : i32 to index
        %get3A_412 = arith.constant 16 : index
        %get3A_413 = tpu.vector_load %arg18[%get3A_411, %get3A_412] {strides = array<i32>} : memref<64x256xf32, #tpu.memory_space<vmem>>, vector<1x16xf32>,
        %get3A_414 = vector.shape_cast %get3A_413 : vector<1x16xf32> to vector<16xf32>
        %mul3A_415 = arith.mulf %get3A_410, %get3A_414 : vector<16xf32>
        %add3A_416 = arith.addf %mul3A_406, %mul3A_415 : vector<16xf32>
        %get3A_417 = arith.index_cast %add3A_397 : i32 to index
        %get3A_418 = arith.constant 32 : index
        %get3A_419 = tpu.vector_load %arg17[%get3A_417, %get3A_418] {strides = array<i32>} : memref<64x128xf32, #tpu.memory_space<vmem>>, vector<1x16xf32>,
        %get3A_420 = vector.shape_cast %get3A_419 : vector<1x16xf32> to vector<16xf32>
        %get3A_421 = arith.index_cast %add3A_397 : i32 to index
        %get3A_422 = arith.constant 32 : index
        %get3A_423 = tpu.vector_load %arg18[%get3A_421, %get3A_422] {strides = array<i32>} : memref<64x256xf32, #tpu.memory_space<vmem>>, vector<1x16xf32>,
        %get3A_424 = vector.shape_cast %get3A_423 : vector<1x16xf32> to vector<16xf32>
        %mul3A_425 = arith.mulf %get3A_420, %get3A_424 : vector<16xf32>
        %add3A_426 = arith.addf %add3A_416, %mul3A_425 : vector<16xf32>
        %get3A_427 = arith.index_cast %add3A_397 : i32 to index
        %get3A_428 = arith.constant 48 : index
        %get3A_429 = tpu.vector_load %arg17[%get3A_427, %get3A_428] {strides = array<i32>} : memref<64x128xf32, #tpu.memory_space<vmem>>, vector<1x16xf32>,
        %get3A_430 = vector.shape_cast %get3A_429 : vector<1x16xf32> to vector<16xf32>
        %get3A_431 = arith.index_cast %add3A_397 : i32 to index
        %get3A_432 = arith.constant 48 : index
        %get3A_433 = tpu.vector_load %arg18[%get3A_431, %get3A_432] {strides = array<i32>} : memref<64x256xf32, #tpu.memory_space<vmem>>, vector<1x16xf32>,
        %get3A_434 = vector.shape_cast %get3A_433 : vector<1x16xf32> to vector<16xf32>
        %mul3A_435 = arith.mulf %get3A_430, %get3A_434 : vector<16xf32>
        %add3A_436 = arith.addf %add3A_426, %mul3A_435 : vector<16xf32>
        %get3A_437 = arith.index_cast %add3A_397 : i32 to index
        %get3A_438 = arith.constant 64 : index
        %get3A_439 = tpu.vector_load %arg17[%get3A_437, %get3A_438] {strides = array<i32>} : memref<64x128xf32, #tpu.memory_space<vmem>>, vector<1x16xf32>,
        %get3A_440 = vector.shape_cast %get3A_439 : vector<1x16xf32> to vector<16xf32>
        %get3A_441 = arith.index_cast %add3A_397 : i32 to index
        %get3A_442 = arith.constant 64 : index
        %get3A_443 = tpu.vector_load %arg18[%get3A_441, %get3A_442] {strides = array<i32>} : memref<64x256xf32, #tpu.memory_space<vmem>>, vector<1x16xf32>,
        %get3A_444 = vector.shape_cast %get3A_443 : vector<1x16xf32> to vector<16xf32>
        %mul3A_445 = arith.mulf %get3A_440, %get3A_444 : vector<16xf32>
        %get3A_446 = arith.index_cast %add3A_397 : i32 to index
        %get3A_447 = arith.constant 80 : index
        %get3A_448 = tpu.vector_load %arg17[%get3A_446, %get3A_447] {strides = array<i32>} : memref<64x128xf32, #tpu.memory_space<vmem>>, vector<1x16xf32>,
        %get3A_449 = vector.shape_cast %get3A_448 : vector<1x16xf32> to vector<16xf32>
        %get3A_450 = arith.index_cast %add3A_397 : i32 to index
        %get3A_451 = arith.constant 80 : index
        %get3A_452 = tpu.vector_load %arg18[%get3A_450, %get3A_451] {strides = array<i32>} : memref<64x256xf32, #tpu.memory_space<vmem>>, vector<1x16xf32>,
        %get3A_453 = vector.shape_cast %get3A_452 : vector<1x16xf32> to vector<16xf32>
        %mul3A_454 = arith.mulf %get3A_449, %get3A_453 : vector<16xf32>
        %add3A_455 = arith.addf %mul3A_445, %mul3A_454 : vector<16xf32>
        %get3A_456 = arith.index_cast %add3A_397 : i32 to index
        %get3A_457 = arith.constant 96 : index
        %get3A_458 = tpu.vector_load %arg17[%get3A_456, %get3A_457] {strides = array<i32>} : memref<64x128xf32, #tpu.memory_space<vmem>>, vector<1x16xf32>,
        %get3A_459 = vector.shape_cast %get3A_458 : vector<1x16xf32> to vector<16xf32>
        %get3A_460 = arith.index_cast %add3A_397 : i32 to index
        %get3A_461 = arith.constant 96 : index
        %get3A_462 = tpu.vector_load %arg18[%get3A_460, %get3A_461] {strides = array<i32>} : memref<64x256xf32, #tpu.memory_space<vmem>>, vector<1x16xf32>,
        %get3A_463 = vector.shape_cast %get3A_462 : vector<1x16xf32> to vector<16xf32>
        %mul3A_464 = arith.mulf %get3A_459, %get3A_463 : vector<16xf32>
        %add3A_465 = arith.addf %add3A_455, %mul3A_464 : vector<16xf32>
        %get3A_466 = arith.index_cast %add3A_397 : i32 to index
        %get3A_467 = arith.constant 112 : index
        %get3A_468 = tpu.vector_load %arg17[%get3A_466, %get3A_467] {strides = array<i32>} : memref<64x128xf32, #tpu.memory_space<vmem>>, vector<1x16xf32>,
        %get3A_469 = vector.shape_cast %get3A_468 : vector<1x16xf32> to vector<16xf32>
        %get3A_470 = arith.index_cast %add3A_397 : i32 to index
        %get3A_471 = arith.constant 112 : index
        %get3A_472 = tpu.vector_load %arg18[%get3A_470, %get3A_471] {strides = array<i32>} : memref<64x256xf32, #tpu.memory_space<vmem>>, vector<1x16xf32>,
        %get3A_473 = vector.shape_cast %get3A_472 : vector<1x16xf32> to vector<16xf32>
        %mul3A_474 = arith.mulf %get3A_469, %get3A_473 : vector<16xf32>
        %add3A_475 = arith.addf %add3A_465, %mul3A_474 : vector<16xf32>
        %xor3A_476 = arith.constant 1 : i32
        %xor3A_477 = vector.broadcast %xor3A_476 : i32 to vector<16xi32>
        %xor3A_478 = arith.xori %iota3A, %xor3A_477 : vector<16xi32>
        %broadcast_in_dim3A_479 = vector.shape_cast %xor3A_478 : vector<16xi32> to vector<16x1xi32>
        %gather3A_480 = vector.shape_cast %broadcast_in_dim3A_479 : vector<16x1xi32> to vector<16xi32>
        %gather3A_481 = tpu.dynamic_gather %add3A_436[%gather3A_480] in [0] : vector<16xf32>, vector<16xi32> -> vector<16xf32>
        %add3A_482 = arith.addf %add3A_436, %gather3A_481 : vector<16xf32>
        %broadcast_in_dim3A_483 = vector.shape_cast %xor3A_478 : vector<16xi32> to vector<16x1xi32>
        %gather3A_484 = vector.shape_cast %broadcast_in_dim3A_483 : vector<16x1xi32> to vector<16xi32>
        %gather3A_485 = tpu.dynamic_gather %add3A_475[%gather3A_484] in [0] : vector<16xf32>, vector<16xi32> -> vector<16xf32>
        %add3A_486 = arith.addf %add3A_475, %gather3A_485 : vector<16xf32>
        %xor3A_487 = arith.constant 2 : i32
        %xor3A_488 = vector.broadcast %xor3A_487 : i32 to vector<16xi32>
        %xor3A_489 = arith.xori %iota3A, %xor3A_488 : vector<16xi32>
        %broadcast_in_dim3A_490 = vector.shape_cast %xor3A_489 : vector<16xi32> to vector<16x1xi32>
        %gather3A_491 = vector.shape_cast %broadcast_in_dim3A_490 : vector<16x1xi32> to vector<16xi32>
        %gather3A_492 = tpu.dynamic_gather %add3A_482[%gather3A_491] in [0] : vector<16xf32>, vector<16xi32> -> vector<16xf32>
        %add3A_493 = arith.addf %add3A_482, %gather3A_492 : vector<16xf32>
        %broadcast_in_dim3A_494 = vector.shape_cast %xor3A_489 : vector<16xi32> to vector<16x1xi32>
        %gather3A_495 = vector.shape_cast %broadcast_in_dim3A_494 : vector<16x1xi32> to vector<16xi32>
        %gather3A_496 = tpu.dynamic_gather %add3A_486[%gather3A_495] in [0] : vector<16xf32>, vector<16xi32> -> vector<16xf32>
        %add3A_497 = arith.addf %add3A_486, %gather3A_496 : vector<16xf32>
        %xor3A_498 = arith.constant 4 : i32
        %xor3A_499 = vector.broadcast %xor3A_498 : i32 to vector<16xi32>
        %xor3A_500 = arith.xori %iota3A, %xor3A_499 : vector<16xi32>
        %broadcast_in_dim3A_501 = vector.shape_cast %xor3A_500 : vector<16xi32> to vector<16x1xi32>
        %gather3A_502 = vector.shape_cast %broadcast_in_dim3A_501 : vector<16x1xi32> to vector<16xi32>
        %gather3A_503 = tpu.dynamic_gather %add3A_493[%gather3A_502] in [0] : vector<16xf32>, vector<16xi32> -> vector<16xf32>
        %add3A_504 = arith.addf %add3A_493, %gather3A_503 : vector<16xf32>
        %broadcast_in_dim3A_505 = vector.shape_cast %xor3A_500 : vector<16xi32> to vector<16x1xi32>
        %gather3A_506 = vector.shape_cast %broadcast_in_dim3A_505 : vector<16x1xi32> to vector<16xi32>
        %gather3A_507 = tpu.dynamic_gather %add3A_497[%gather3A_506] in [0] : vector<16xf32>, vector<16xi32> -> vector<16xf32>
        %add3A_508 = arith.addf %add3A_497, %gather3A_507 : vector<16xf32>
        %xor3A_509 = arith.constant 8 : i32
        %xor3A_510 = vector.broadcast %xor3A_509 : i32 to vector<16xi32>
        %xor3A_511 = arith.xori %iota3A, %xor3A_510 : vector<16xi32>
        %broadcast_in_dim3A_512 = vector.shape_cast %xor3A_511 : vector<16xi32> to vector<16x1xi32>
        %gather3A_513 = vector.shape_cast %broadcast_in_dim3A_512 : vector<16x1xi32> to vector<16xi32>
        %gather3A_514 = tpu.dynamic_gather %add3A_504[%gather3A_513] in [0] : vector<16xf32>, vector<16xi32> -> vector<16xf32>
        %add3A_515 = arith.addf %add3A_504, %gather3A_514 : vector<16xf32>
        %broadcast_in_dim3A_516 = vector.shape_cast %xor3A_511 : vector<16xi32> to vector<16x1xi32>
        %gather3A_517 = vector.shape_cast %broadcast_in_dim3A_516 : vector<16x1xi32> to vector<16xi32>
        %gather3A_518 = tpu.dynamic_gather %add3A_508[%gather3A_517] in [0] : vector<16xf32>, vector<16xi32> -> vector<16xf32>
        %add3A_519 = arith.addf %add3A_508, %gather3A_518 : vector<16xf32>
        %mul3A_520 = arith.constant 0.13130644 : f32
        %mul3A_521 = vector.broadcast %mul3A_520 : f32 to vector<16xf32>
        %mul3A_522 = arith.mulf %add3A_515, %mul3A_521 : vector<16xf32>
        %exp3A_523 = math.exp %mul3A_522 : vector<16xf32>
        %mul3A_524 = arith.constant 0.13130644 : f32
        %mul3A_525 = vector.broadcast %mul3A_524 : f32 to vector<16xf32>
        %mul3A_526 = arith.mulf %add3A_519, %mul3A_525 : vector<16xf32>
        %exp3A_527 = math.exp %mul3A_526 : vector<16xf32>
        %get3A_528 = arith.index_cast %add3A_397 : i32 to index
        %get3A_529 = arith.constant 128 : index
        %get3A_530 = tpu.vector_load %arg18[%get3A_528, %get3A_529] {strides = array<i32>} : memref<64x256xf32, #tpu.memory_space<vmem>>, vector<1x16xf32>,
        %get3A_531 = vector.shape_cast %get3A_530 : vector<1x16xf32> to vector<16xf32>
        %mul3A_532 = arith.mulf %exp3A_523, %get3A_531 : vector<16xf32>
        %swap3A_533 = arith.index_cast %add3A_397 : i32 to index
        %swap3A_534 = arith.constant 0 : index
        %swap3A_535 = tpu.vector_load %arg17[%swap3A_533, %swap3A_534] {strides = array<i32>} : memref<64x128xf32, #tpu.memory_space<vmem>>, vector<1x16xf32>,
        %swap3A_536 = vector.shape_cast %swap3A_535 : vector<1x16xf32> to vector<16xf32>
        %swap3A_537 = vector.shape_cast %mul3A_532 : vector<16xf32> to vector<1x16xf32>
        tpu.vector_store %arg17[%swap3A_533, %swap3A_534], %swap3A_537 {strides = array<i32>} : memref<64x128xf32, #tpu.memory_space<vmem>>, vector<1x16xf32>,
        %get3A_538 = arith.index_cast %add3A_397 : i32 to index
        %get3A_539 = arith.constant 144 : index
        %get3A_540 = tpu.vector_load %arg18[%get3A_538, %get3A_539] {strides = array<i32>} : memref<64x256xf32, #tpu.memory_space<vmem>>, vector<1x16xf32>,
        %get3A_541 = vector.shape_cast %get3A_540 : vector<1x16xf32> to vector<16xf32>
        %mul3A_542 = arith.mulf %exp3A_523, %get3A_541 : vector<16xf32>
        %swap3A_543 = arith.index_cast %add3A_397 : i32 to index
        %swap3A_544 = arith.constant 16 : index
        %swap3A_545 = tpu.vector_load %arg17[%swap3A_543, %swap3A_544] {strides = array<i32>} : memref<64x128xf32, #tpu.memory_space<vmem>>, vector<1x16xf32>,
        %swap3A_546 = vector.shape_cast %swap3A_545 : vector<1x16xf32> to vector<16xf32>
        %swap3A_547 = vector.shape_cast %mul3A_542 : vector<16xf32> to vector<1x16xf32>
        tpu.vector_store %arg17[%swap3A_543, %swap3A_544], %swap3A_547 {strides = array<i32>} : memref<64x128xf32, #tpu.memory_space<vmem>>, vector<1x16xf32>,
        %get3A_548 = arith.index_cast %add3A_397 : i32 to index
        %get3A_549 = arith.constant 160 : index
        %get3A_550 = tpu.vector_load %arg18[%get3A_548, %get3A_549] {strides = array<i32>} : memref<64x256xf32, #tpu.memory_space<vmem>>, vector<1x16xf32>,
        %get3A_551 = vector.shape_cast %get3A_550 : vector<1x16xf32> to vector<16xf32>
        %mul3A_552 = arith.mulf %exp3A_523, %get3A_551 : vector<16xf32>
        %swap3A_553 = arith.index_cast %add3A_397 : i32 to index
        %swap3A_554 = arith.constant 32 : index
        %swap3A_555 = tpu.vector_load %arg17[%swap3A_553, %swap3A_554] {strides = array<i32>} : memref<64x128xf32, #tpu.memory_space<vmem>>, vector<1x16xf32>,
        %swap3A_556 = vector.shape_cast %swap3A_555 : vector<1x16xf32> to vector<16xf32>
        %swap3A_557 = vector.shape_cast %mul3A_552 : vector<16xf32> to vector<1x16xf32>
        tpu.vector_store %arg17[%swap3A_553, %swap3A_554], %swap3A_557 {strides = array<i32>} : memref<64x128xf32, #tpu.memory_space<vmem>>, vector<1x16xf32>,
        %eq3A_558 = arith.constant 10 : i32
        %eq3A_559 = vector.broadcast %eq3A_558 : i32 to vector<16xi32>
        %eq3A_560 = arith.cmpi eq, %iota3A, %eq3A_559 : vector<16xi32>
        %get3A_561 = arith.index_cast %add3A_397 : i32 to index
        %get3A_562 = arith.constant 176 : index
        %get3A_563 = tpu.vector_load %arg18[%get3A_561, %get3A_562] {strides = array<i32>} : memref<64x256xf32, #tpu.memory_space<vmem>>, vector<1x16xf32>,
        %get3A_564 = vector.shape_cast %get3A_563 : vector<1x16xf32> to vector<16xf32>
        %mul3A_565 = arith.mulf %exp3A_523, %get3A_564 : vector<16xf32>
        %select_n3A_566 = arith.select %eq3A_560, %exp3A_523, %mul3A_565 : vector<16xi1>, vector<16xf32>
        %swap3A_567 = arith.index_cast %add3A_397 : i32 to index
        %swap3A_568 = arith.constant 48 : index
        %swap3A_569 = tpu.vector_load %arg17[%swap3A_567, %swap3A_568] {strides = array<i32>} : memref<64x128xf32, #tpu.memory_space<vmem>>, vector<1x16xf32>,
        %swap3A_570 = vector.shape_cast %swap3A_569 : vector<1x16xf32> to vector<16xf32>
        %swap3A_571 = vector.shape_cast %select_n3A_566 : vector<16xf32> to vector<1x16xf32>
        tpu.vector_store %arg17[%swap3A_567, %swap3A_568], %swap3A_571 {strides = array<i32>} : memref<64x128xf32, #tpu.memory_space<vmem>>, vector<1x16xf32>,
        %get3A_572 = arith.index_cast %add3A_397 : i32 to index
        %get3A_573 = arith.constant 192 : index
        %get3A_574 = tpu.vector_load %arg18[%get3A_572, %get3A_573] {strides = array<i32>} : memref<64x256xf32, #tpu.memory_space<vmem>>, vector<1x16xf32>,
        %get3A_575 = vector.shape_cast %get3A_574 : vector<1x16xf32> to vector<16xf32>
        %mul3A_576 = arith.mulf %exp3A_527, %get3A_575 : vector<16xf32>
        %swap3A_577 = arith.index_cast %add3A_397 : i32 to index
        %swap3A_578 = arith.constant 64 : index
        %swap3A_579 = tpu.vector_load %arg17[%swap3A_577, %swap3A_578] {strides = array<i32>} : memref<64x128xf32, #tpu.memory_space<vmem>>, vector<1x16xf32>,
        %swap3A_580 = vector.shape_cast %swap3A_579 : vector<1x16xf32> to vector<16xf32>
        %swap3A_581 = vector.shape_cast %mul3A_576 : vector<16xf32> to vector<1x16xf32>
        tpu.vector_store %arg17[%swap3A_577, %swap3A_578], %swap3A_581 {strides = array<i32>} : memref<64x128xf32, #tpu.memory_space<vmem>>, vector<1x16xf32>,
        %get3A_582 = arith.index_cast %add3A_397 : i32 to index
        %get3A_583 = arith.constant 208 : index
        %get3A_584 = tpu.vector_load %arg18[%get3A_582, %get3A_583] {strides = array<i32>} : memref<64x256xf32, #tpu.memory_space<vmem>>, vector<1x16xf32>,
        %get3A_585 = vector.shape_cast %get3A_584 : vector<1x16xf32> to vector<16xf32>
        %mul3A_586 = arith.mulf %exp3A_527, %get3A_585 : vector<16xf32>
        %swap3A_587 = arith.index_cast %add3A_397 : i32 to index
        %swap3A_588 = arith.constant 80 : index
        %swap3A_589 = tpu.vector_load %arg17[%swap3A_587, %swap3A_588] {strides = array<i32>} : memref<64x128xf32, #tpu.memory_space<vmem>>, vector<1x16xf32>,
        %swap3A_590 = vector.shape_cast %swap3A_589 : vector<1x16xf32> to vector<16xf32>
        %swap3A_591 = vector.shape_cast %mul3A_586 : vector<16xf32> to vector<1x16xf32>
        tpu.vector_store %arg17[%swap3A_587, %swap3A_588], %swap3A_591 {strides = array<i32>} : memref<64x128xf32, #tpu.memory_space<vmem>>, vector<1x16xf32>,
        %get3A_592 = arith.index_cast %add3A_397 : i32 to index
        %get3A_593 = arith.constant 224 : index
        %get3A_594 = tpu.vector_load %arg18[%get3A_592, %get3A_593] {strides = array<i32>} : memref<64x256xf32, #tpu.memory_space<vmem>>, vector<1x16xf32>,
        %get3A_595 = vector.shape_cast %get3A_594 : vector<1x16xf32> to vector<16xf32>
        %mul3A_596 = arith.mulf %exp3A_527, %get3A_595 : vector<16xf32>
        %swap3A_597 = arith.index_cast %add3A_397 : i32 to index
        %swap3A_598 = arith.constant 96 : index
        %swap3A_599 = tpu.vector_load %arg17[%swap3A_597, %swap3A_598] {strides = array<i32>} : memref<64x128xf32, #tpu.memory_space<vmem>>, vector<1x16xf32>,
        %swap3A_600 = vector.shape_cast %swap3A_599 : vector<1x16xf32> to vector<16xf32>
        %swap3A_601 = vector.shape_cast %mul3A_596 : vector<16xf32> to vector<1x16xf32>
        tpu.vector_store %arg17[%swap3A_597, %swap3A_598], %swap3A_601 {strides = array<i32>} : memref<64x128xf32, #tpu.memory_space<vmem>>, vector<1x16xf32>,
        %eq3A_602 = arith.constant 10 : i32
        %eq3A_603 = vector.broadcast %eq3A_602 : i32 to vector<16xi32>
        %eq3A_604 = arith.cmpi eq, %iota3A, %eq3A_603 : vector<16xi32>
        %get3A_605 = arith.index_cast %add3A_397 : i32 to index
        %get3A_606 = arith.constant 240 : index
        %get3A_607 = tpu.vector_load %arg18[%get3A_605, %get3A_606] {strides = array<i32>} : memref<64x256xf32, #tpu.memory_space<vmem>>, vector<1x16xf32>,
        %get3A_608 = vector.shape_cast %get3A_607 : vector<1x16xf32> to vector<16xf32>
        %mul3A_609 = arith.mulf %exp3A_527, %get3A_608 : vector<16xf32>
        %select_n3A_610 = arith.select %eq3A_604, %exp3A_527, %mul3A_609 : vector<16xi1>, vector<16xf32>
        %swap3A_611 = arith.index_cast %add3A_397 : i32 to index
        %swap3A_612 = arith.constant 112 : index
        %swap3A_613 = tpu.vector_load %arg17[%swap3A_611, %swap3A_612] {strides = array<i32>} : memref<64x128xf32, #tpu.memory_space<vmem>>, vector<1x16xf32>,
        %swap3A_614 = vector.shape_cast %swap3A_613 : vector<1x16xf32> to vector<16xf32>
        %swap3A_615 = vector.shape_cast %select_n3A_610 : vector<16xf32> to vector<1x16xf32>
        tpu.vector_store %arg17[%swap3A_611, %swap3A_612], %swap3A_615 {strides = array<i32>} : memref<64x128xf32, #tpu.memory_space<vmem>>, vector<1x16xf32>,
        %mul3A_616 = arith.constant 4 : i32
        %mul3A_617 = arith.muli %scan3A_176, %mul3A_616 : i32
        %add3A_618 = arith.constant 2 : i32
        %add3A_619 = arith.addi %mul3A_617, %add3A_618 : i32
        %get3A_620 = arith.index_cast %add3A_619 : i32 to index
        %get3A_621 = arith.constant 0 : index
        %get3A_622 = tpu.vector_load %arg17[%get3A_620, %get3A_621] {strides = array<i32>} : memref<64x128xf32, #tpu.memory_space<vmem>>, vector<1x16xf32>,
        %get3A_623 = vector.shape_cast %get3A_622 : vector<1x16xf32> to vector<16xf32>
        %get3A_624 = arith.index_cast %add3A_619 : i32 to index
        %get3A_625 = arith.constant 0 : index
        %get3A_626 = tpu.vector_load %arg18[%get3A_624, %get3A_625] {strides = array<i32>} : memref<64x256xf32, #tpu.memory_space<vmem>>, vector<1x16xf32>,
        %get3A_627 = vector.shape_cast %get3A_626 : vector<1x16xf32> to vector<16xf32>
        %mul3A_628 = arith.mulf %get3A_623, %get3A_627 : vector<16xf32>
        %get3A_629 = arith.index_cast %add3A_619 : i32 to index
        %get3A_630 = arith.constant 16 : index
        %get3A_631 = tpu.vector_load %arg17[%get3A_629, %get3A_630] {strides = array<i32>} : memref<64x128xf32, #tpu.memory_space<vmem>>, vector<1x16xf32>,
        %get3A_632 = vector.shape_cast %get3A_631 : vector<1x16xf32> to vector<16xf32>
        %get3A_633 = arith.index_cast %add3A_619 : i32 to index
        %get3A_634 = arith.constant 16 : index
        %get3A_635 = tpu.vector_load %arg18[%get3A_633, %get3A_634] {strides = array<i32>} : memref<64x256xf32, #tpu.memory_space<vmem>>, vector<1x16xf32>,
        %get3A_636 = vector.shape_cast %get3A_635 : vector<1x16xf32> to vector<16xf32>
        %mul3A_637 = arith.mulf %get3A_632, %get3A_636 : vector<16xf32>
        %add3A_638 = arith.addf %mul3A_628, %mul3A_637 : vector<16xf32>
        %get3A_639 = arith.index_cast %add3A_619 : i32 to index
        %get3A_640 = arith.constant 32 : index
        %get3A_641 = tpu.vector_load %arg17[%get3A_639, %get3A_640] {strides = array<i32>} : memref<64x128xf32, #tpu.memory_space<vmem>>, vector<1x16xf32>,
        %get3A_642 = vector.shape_cast %get3A_641 : vector<1x16xf32> to vector<16xf32>
        %get3A_643 = arith.index_cast %add3A_619 : i32 to index
        %get3A_644 = arith.constant 32 : index
        %get3A_645 = tpu.vector_load %arg18[%get3A_643, %get3A_644] {strides = array<i32>} : memref<64x256xf32, #tpu.memory_space<vmem>>, vector<1x16xf32>,
        %get3A_646 = vector.shape_cast %get3A_645 : vector<1x16xf32> to vector<16xf32>
        %mul3A_647 = arith.mulf %get3A_642, %get3A_646 : vector<16xf32>
        %add3A_648 = arith.addf %add3A_638, %mul3A_647 : vector<16xf32>
        %get3A_649 = arith.index_cast %add3A_619 : i32 to index
        %get3A_650 = arith.constant 48 : index
        %get3A_651 = tpu.vector_load %arg17[%get3A_649, %get3A_650] {strides = array<i32>} : memref<64x128xf32, #tpu.memory_space<vmem>>, vector<1x16xf32>,
        %get3A_652 = vector.shape_cast %get3A_651 : vector<1x16xf32> to vector<16xf32>
        %get3A_653 = arith.index_cast %add3A_619 : i32 to index
        %get3A_654 = arith.constant 48 : index
        %get3A_655 = tpu.vector_load %arg18[%get3A_653, %get3A_654] {strides = array<i32>} : memref<64x256xf32, #tpu.memory_space<vmem>>, vector<1x16xf32>,
        %get3A_656 = vector.shape_cast %get3A_655 : vector<1x16xf32> to vector<16xf32>
        %mul3A_657 = arith.mulf %get3A_652, %get3A_656 : vector<16xf32>
        %add3A_658 = arith.addf %add3A_648, %mul3A_657 : vector<16xf32>
        %get3A_659 = arith.index_cast %add3A_619 : i32 to index
        %get3A_660 = arith.constant 64 : index
        %get3A_661 = tpu.vector_load %arg17[%get3A_659, %get3A_660] {strides = array<i32>} : memref<64x128xf32, #tpu.memory_space<vmem>>, vector<1x16xf32>,
        %get3A_662 = vector.shape_cast %get3A_661 : vector<1x16xf32> to vector<16xf32>
        %get3A_663 = arith.index_cast %add3A_619 : i32 to index
        %get3A_664 = arith.constant 64 : index
        %get3A_665 = tpu.vector_load %arg18[%get3A_663, %get3A_664] {strides = array<i32>} : memref<64x256xf32, #tpu.memory_space<vmem>>, vector<1x16xf32>,
        %get3A_666 = vector.shape_cast %get3A_665 : vector<1x16xf32> to vector<16xf32>
        %mul3A_667 = arith.mulf %get3A_662, %get3A_666 : vector<16xf32>
        %get3A_668 = arith.index_cast %add3A_619 : i32 to index
        %get3A_669 = arith.constant 80 : index
        %get3A_670 = tpu.vector_load %arg17[%get3A_668, %get3A_669] {strides = array<i32>} : memref<64x128xf32, #tpu.memory_space<vmem>>, vector<1x16xf32>,
        %get3A_671 = vector.shape_cast %get3A_670 : vector<1x16xf32> to vector<16xf32>
        %get3A_672 = arith.index_cast %add3A_619 : i32 to index
        %get3A_673 = arith.constant 80 : index
        %get3A_674 = tpu.vector_load %arg18[%get3A_672, %get3A_673] {strides = array<i32>} : memref<64x256xf32, #tpu.memory_space<vmem>>, vector<1x16xf32>,
        %get3A_675 = vector.shape_cast %get3A_674 : vector<1x16xf32> to vector<16xf32>
        %mul3A_676 = arith.mulf %get3A_671, %get3A_675 : vector<16xf32>
        %add3A_677 = arith.addf %mul3A_667, %mul3A_676 : vector<16xf32>
        %get3A_678 = arith.index_cast %add3A_619 : i32 to index
        %get3A_679 = arith.constant 96 : index
        %get3A_680 = tpu.vector_load %arg17[%get3A_678, %get3A_679] {strides = array<i32>} : memref<64x128xf32, #tpu.memory_space<vmem>>, vector<1x16xf32>,
        %get3A_681 = vector.shape_cast %get3A_680 : vector<1x16xf32> to vector<16xf32>
        %get3A_682 = arith.index_cast %add3A_619 : i32 to index
        %get3A_683 = arith.constant 96 : index
        %get3A_684 = tpu.vector_load %arg18[%get3A_682, %get3A_683] {strides = array<i32>} : memref<64x256xf32, #tpu.memory_space<vmem>>, vector<1x16xf32>,
        %get3A_685 = vector.shape_cast %get3A_684 : vector<1x16xf32> to vector<16xf32>
        %mul3A_686 = arith.mulf %get3A_681, %get3A_685 : vector<16xf32>
        %add3A_687 = arith.addf %add3A_677, %mul3A_686 : vector<16xf32>
        %get3A_688 = arith.index_cast %add3A_619 : i32 to index
        %get3A_689 = arith.constant 112 : index
        %get3A_690 = tpu.vector_load %arg17[%get3A_688, %get3A_689] {strides = array<i32>} : memref<64x128xf32, #tpu.memory_space<vmem>>, vector<1x16xf32>,
        %get3A_691 = vector.shape_cast %get3A_690 : vector<1x16xf32> to vector<16xf32>
        %get3A_692 = arith.index_cast %add3A_619 : i32 to index
        %get3A_693 = arith.constant 112 : index
        %get3A_694 = tpu.vector_load %arg18[%get3A_692, %get3A_693] {strides = array<i32>} : memref<64x256xf32, #tpu.memory_space<vmem>>, vector<1x16xf32>,
        %get3A_695 = vector.shape_cast %get3A_694 : vector<1x16xf32> to vector<16xf32>
        %mul3A_696 = arith.mulf %get3A_691, %get3A_695 : vector<16xf32>
        %add3A_697 = arith.addf %add3A_687, %mul3A_696 : vector<16xf32>
        %xor3A_698 = arith.constant 1 : i32
        %xor3A_699 = vector.broadcast %xor3A_698 : i32 to vector<16xi32>
        %xor3A_700 = arith.xori %iota3A, %xor3A_699 : vector<16xi32>
        %broadcast_in_dim3A_701 = vector.shape_cast %xor3A_700 : vector<16xi32> to vector<16x1xi32>
        %gather3A_702 = vector.shape_cast %broadcast_in_dim3A_701 : vector<16x1xi32> to vector<16xi32>
        %gather3A_703 = tpu.dynamic_gather %add3A_658[%gather3A_702] in [0] : vector<16xf32>, vector<16xi32> -> vector<16xf32>
        %add3A_704 = arith.addf %add3A_658, %gather3A_703 : vector<16xf32>
        %broadcast_in_dim3A_705 = vector.shape_cast %xor3A_700 : vector<16xi32> to vector<16x1xi32>
        %gather3A_706 = vector.shape_cast %broadcast_in_dim3A_705 : vector<16x1xi32> to vector<16xi32>
        %gather3A_707 = tpu.dynamic_gather %add3A_697[%gather3A_706] in [0] : vector<16xf32>, vector<16xi32> -> vector<16xf32>
        %add3A_708 = arith.addf %add3A_697, %gather3A_707 : vector<16xf32>
        %xor3A_709 = arith.constant 2 : i32
        %xor3A_710 = vector.broadcast %xor3A_709 : i32 to vector<16xi32>
        %xor3A_711 = arith.xori %iota3A, %xor3A_710 : vector<16xi32>
        %broadcast_in_dim3A_712 = vector.shape_cast %xor3A_711 : vector<16xi32> to vector<16x1xi32>
        %gather3A_713 = vector.shape_cast %broadcast_in_dim3A_712 : vector<16x1xi32> to vector<16xi32>
        %gather3A_714 = tpu.dynamic_gather %add3A_704[%gather3A_713] in [0] : vector<16xf32>, vector<16xi32> -> vector<16xf32>
        %add3A_715 = arith.addf %add3A_704, %gather3A_714 : vector<16xf32>
        %broadcast_in_dim3A_716 = vector.shape_cast %xor3A_711 : vector<16xi32> to vector<16x1xi32>
        %gather3A_717 = vector.shape_cast %broadcast_in_dim3A_716 : vector<16x1xi32> to vector<16xi32>
        %gather3A_718 = tpu.dynamic_gather %add3A_708[%gather3A_717] in [0] : vector<16xf32>, vector<16xi32> -> vector<16xf32>
        %add3A_719 = arith.addf %add3A_708, %gather3A_718 : vector<16xf32>
        %xor3A_720 = arith.constant 4 : i32
        %xor3A_721 = vector.broadcast %xor3A_720 : i32 to vector<16xi32>
        %xor3A_722 = arith.xori %iota3A, %xor3A_721 : vector<16xi32>
        %broadcast_in_dim3A_723 = vector.shape_cast %xor3A_722 : vector<16xi32> to vector<16x1xi32>
        %gather3A_724 = vector.shape_cast %broadcast_in_dim3A_723 : vector<16x1xi32> to vector<16xi32>
        %gather3A_725 = tpu.dynamic_gather %add3A_715[%gather3A_724] in [0] : vector<16xf32>, vector<16xi32> -> vector<16xf32>
        %add3A_726 = arith.addf %add3A_715, %gather3A_725 : vector<16xf32>
        %broadcast_in_dim3A_727 = vector.shape_cast %xor3A_722 : vector<16xi32> to vector<16x1xi32>
        %gather3A_728 = vector.shape_cast %broadcast_in_dim3A_727 : vector<16x1xi32> to vector<16xi32>
        %gather3A_729 = tpu.dynamic_gather %add3A_719[%gather3A_728] in [0] : vector<16xf32>, vector<16xi32> -> vector<16xf32>
        %add3A_730 = arith.addf %add3A_719, %gather3A_729 : vector<16xf32>
        %xor3A_731 = arith.constant 8 : i32
        %xor3A_732 = vector.broadcast %xor3A_731 : i32 to vector<16xi32>
        %xor3A_733 = arith.xori %iota3A, %xor3A_732 : vector<16xi32>
        %broadcast_in_dim3A_734 = vector.shape_cast %xor3A_733 : vector<16xi32> to vector<16x1xi32>
        %gather3A_735 = vector.shape_cast %broadcast_in_dim3A_734 : vector<16x1xi32> to vector<16xi32>
        %gather3A_736 = tpu.dynamic_gather %add3A_726[%gather3A_735] in [0] : vector<16xf32>, vector<16xi32> -> vector<16xf32>
        %add3A_737 = arith.addf %add3A_726, %gather3A_736 : vector<16xf32>
        %broadcast_in_dim3A_738 = vector.shape_cast %xor3A_733 : vector<16xi32> to vector<16x1xi32>
        %gather3A_739 = vector.shape_cast %broadcast_in_dim3A_738 : vector<16x1xi32> to vector<16xi32>
        %gather3A_740 = tpu.dynamic_gather %add3A_730[%gather3A_739] in [0] : vector<16xf32>, vector<16xi32> -> vector<16xf32>
        %add3A_741 = arith.addf %add3A_730, %gather3A_740 : vector<16xf32>
        %mul3A_742 = arith.constant 0.13130644 : f32
        %mul3A_743 = vector.broadcast %mul3A_742 : f32 to vector<16xf32>
        %mul3A_744 = arith.mulf %add3A_737, %mul3A_743 : vector<16xf32>
        %exp3A_745 = math.exp %mul3A_744 : vector<16xf32>
        %mul3A_746 = arith.constant 0.13130644 : f32
        %mul3A_747 = vector.broadcast %mul3A_746 : f32 to vector<16xf32>
        %mul3A_748 = arith.mulf %add3A_741, %mul3A_747 : vector<16xf32>
        %exp3A_749 = math.exp %mul3A_748 : vector<16xf32>
        %get3A_750 = arith.index_cast %add3A_619 : i32 to index
        %get3A_751 = arith.constant 128 : index
        %get3A_752 = tpu.vector_load %arg18[%get3A_750, %get3A_751] {strides = array<i32>} : memref<64x256xf32, #tpu.memory_space<vmem>>, vector<1x16xf32>,
        %get3A_753 = vector.shape_cast %get3A_752 : vector<1x16xf32> to vector<16xf32>
        %mul3A_754 = arith.mulf %exp3A_745, %get3A_753 : vector<16xf32>
        %swap3A_755 = arith.index_cast %add3A_619 : i32 to index
        %swap3A_756 = arith.constant 0 : index
        %swap3A_757 = tpu.vector_load %arg17[%swap3A_755, %swap3A_756] {strides = array<i32>} : memref<64x128xf32, #tpu.memory_space<vmem>>, vector<1x16xf32>,
        %swap3A_758 = vector.shape_cast %swap3A_757 : vector<1x16xf32> to vector<16xf32>
        %swap3A_759 = vector.shape_cast %mul3A_754 : vector<16xf32> to vector<1x16xf32>
        tpu.vector_store %arg17[%swap3A_755, %swap3A_756], %swap3A_759 {strides = array<i32>} : memref<64x128xf32, #tpu.memory_space<vmem>>, vector<1x16xf32>,
        %get3A_760 = arith.index_cast %add3A_619 : i32 to index
        %get3A_761 = arith.constant 144 : index
        %get3A_762 = tpu.vector_load %arg18[%get3A_760, %get3A_761] {strides = array<i32>} : memref<64x256xf32, #tpu.memory_space<vmem>>, vector<1x16xf32>,
        %get3A_763 = vector.shape_cast %get3A_762 : vector<1x16xf32> to vector<16xf32>
        %mul3A_764 = arith.mulf %exp3A_745, %get3A_763 : vector<16xf32>
        %swap3A_765 = arith.index_cast %add3A_619 : i32 to index
        %swap3A_766 = arith.constant 16 : index
        %swap3A_767 = tpu.vector_load %arg17[%swap3A_765, %swap3A_766] {strides = array<i32>} : memref<64x128xf32, #tpu.memory_space<vmem>>, vector<1x16xf32>,
        %swap3A_768 = vector.shape_cast %swap3A_767 : vector<1x16xf32> to vector<16xf32>
        %swap3A_769 = vector.shape_cast %mul3A_764 : vector<16xf32> to vector<1x16xf32>
        tpu.vector_store %arg17[%swap3A_765, %swap3A_766], %swap3A_769 {strides = array<i32>} : memref<64x128xf32, #tpu.memory_space<vmem>>, vector<1x16xf32>,
        %get3A_770 = arith.index_cast %add3A_619 : i32 to index
        %get3A_771 = arith.constant 160 : index
        %get3A_772 = tpu.vector_load %arg18[%get3A_770, %get3A_771] {strides = array<i32>} : memref<64x256xf32, #tpu.memory_space<vmem>>, vector<1x16xf32>,
        %get3A_773 = vector.shape_cast %get3A_772 : vector<1x16xf32> to vector<16xf32>
        %mul3A_774 = arith.mulf %exp3A_745, %get3A_773 : vector<16xf32>
        %swap3A_775 = arith.index_cast %add3A_619 : i32 to index
        %swap3A_776 = arith.constant 32 : index
        %swap3A_777 = tpu.vector_load %arg17[%swap3A_775, %swap3A_776] {strides = array<i32>} : memref<64x128xf32, #tpu.memory_space<vmem>>, vector<1x16xf32>,
        %swap3A_778 = vector.shape_cast %swap3A_777 : vector<1x16xf32> to vector<16xf32>
        %swap3A_779 = vector.shape_cast %mul3A_774 : vector<16xf32> to vector<1x16xf32>
        tpu.vector_store %arg17[%swap3A_775, %swap3A_776], %swap3A_779 {strides = array<i32>} : memref<64x128xf32, #tpu.memory_space<vmem>>, vector<1x16xf32>,
        %eq3A_780 = arith.constant 10 : i32
        %eq3A_781 = vector.broadcast %eq3A_780 : i32 to vector<16xi32>
        %eq3A_782 = arith.cmpi eq, %iota3A, %eq3A_781 : vector<16xi32>
        %get3A_783 = arith.index_cast %add3A_619 : i32 to index
        %get3A_784 = arith.constant 176 : index
        %get3A_785 = tpu.vector_load %arg18[%get3A_783, %get3A_784] {strides = array<i32>} : memref<64x256xf32, #tpu.memory_space<vmem>>, vector<1x16xf32>,
        %get3A_786 = vector.shape_cast %get3A_785 : vector<1x16xf32> to vector<16xf32>
        %mul3A_787 = arith.mulf %exp3A_745, %get3A_786 : vector<16xf32>
        %select_n3A_788 = arith.select %eq3A_782, %exp3A_745, %mul3A_787 : vector<16xi1>, vector<16xf32>
        %swap3A_789 = arith.index_cast %add3A_619 : i32 to index
        %swap3A_790 = arith.constant 48 : index
        %swap3A_791 = tpu.vector_load %arg17[%swap3A_789, %swap3A_790] {strides = array<i32>} : memref<64x128xf32, #tpu.memory_space<vmem>>, vector<1x16xf32>,
        %swap3A_792 = vector.shape_cast %swap3A_791 : vector<1x16xf32> to vector<16xf32>
        %swap3A_793 = vector.shape_cast %select_n3A_788 : vector<16xf32> to vector<1x16xf32>
        tpu.vector_store %arg17[%swap3A_789, %swap3A_790], %swap3A_793 {strides = array<i32>} : memref<64x128xf32, #tpu.memory_space<vmem>>, vector<1x16xf32>,
        %get3A_794 = arith.index_cast %add3A_619 : i32 to index
        %get3A_795 = arith.constant 192 : index
        %get3A_796 = tpu.vector_load %arg18[%get3A_794, %get3A_795] {strides = array<i32>} : memref<64x256xf32, #tpu.memory_space<vmem>>, vector<1x16xf32>,
        %get3A_797 = vector.shape_cast %get3A_796 : vector<1x16xf32> to vector<16xf32>
        %mul3A_798 = arith.mulf %exp3A_749, %get3A_797 : vector<16xf32>
        %swap3A_799 = arith.index_cast %add3A_619 : i32 to index
        %swap3A_800 = arith.constant 64 : index
        %swap3A_801 = tpu.vector_load %arg17[%swap3A_799, %swap3A_800] {strides = array<i32>} : memref<64x128xf32, #tpu.memory_space<vmem>>, vector<1x16xf32>,
        %swap3A_802 = vector.shape_cast %swap3A_801 : vector<1x16xf32> to vector<16xf32>
        %swap3A_803 = vector.shape_cast %mul3A_798 : vector<16xf32> to vector<1x16xf32>
        tpu.vector_store %arg17[%swap3A_799, %swap3A_800], %swap3A_803 {strides = array<i32>} : memref<64x128xf32, #tpu.memory_space<vmem>>, vector<1x16xf32>,
        %get3A_804 = arith.index_cast %add3A_619 : i32 to index
        %get3A_805 = arith.constant 208 : index
        %get3A_806 = tpu.vector_load %arg18[%get3A_804, %get3A_805] {strides = array<i32>} : memref<64x256xf32, #tpu.memory_space<vmem>>, vector<1x16xf32>,
        %get3A_807 = vector.shape_cast %get3A_806 : vector<1x16xf32> to vector<16xf32>
        %mul3A_808 = arith.mulf %exp3A_749, %get3A_807 : vector<16xf32>
        %swap3A_809 = arith.index_cast %add3A_619 : i32 to index
        %swap3A_810 = arith.constant 80 : index
        %swap3A_811 = tpu.vector_load %arg17[%swap3A_809, %swap3A_810] {strides = array<i32>} : memref<64x128xf32, #tpu.memory_space<vmem>>, vector<1x16xf32>,
        %swap3A_812 = vector.shape_cast %swap3A_811 : vector<1x16xf32> to vector<16xf32>
        %swap3A_813 = vector.shape_cast %mul3A_808 : vector<16xf32> to vector<1x16xf32>
        tpu.vector_store %arg17[%swap3A_809, %swap3A_810], %swap3A_813 {strides = array<i32>} : memref<64x128xf32, #tpu.memory_space<vmem>>, vector<1x16xf32>,
        %get3A_814 = arith.index_cast %add3A_619 : i32 to index
        %get3A_815 = arith.constant 224 : index
        %get3A_816 = tpu.vector_load %arg18[%get3A_814, %get3A_815] {strides = array<i32>} : memref<64x256xf32, #tpu.memory_space<vmem>>, vector<1x16xf32>,
        %get3A_817 = vector.shape_cast %get3A_816 : vector<1x16xf32> to vector<16xf32>
        %mul3A_818 = arith.mulf %exp3A_749, %get3A_817 : vector<16xf32>
        %swap3A_819 = arith.index_cast %add3A_619 : i32 to index
        %swap3A_820 = arith.constant 96 : index
        %swap3A_821 = tpu.vector_load %arg17[%swap3A_819, %swap3A_820] {strides = array<i32>} : memref<64x128xf32, #tpu.memory_space<vmem>>, vector<1x16xf32>,
        %swap3A_822 = vector.shape_cast %swap3A_821 : vector<1x16xf32> to vector<16xf32>
        %swap3A_823 = vector.shape_cast %mul3A_818 : vector<16xf32> to vector<1x16xf32>
        tpu.vector_store %arg17[%swap3A_819, %swap3A_820], %swap3A_823 {strides = array<i32>} : memref<64x128xf32, #tpu.memory_space<vmem>>, vector<1x16xf32>,
        %eq3A_824 = arith.constant 10 : i32
        %eq3A_825 = vector.broadcast %eq3A_824 : i32 to vector<16xi32>
        %eq3A_826 = arith.cmpi eq, %iota3A, %eq3A_825 : vector<16xi32>
        %get3A_827 = arith.index_cast %add3A_619 : i32 to index
        %get3A_828 = arith.constant 240 : index
        %get3A_829 = tpu.vector_load %arg18[%get3A_827, %get3A_828] {strides = array<i32>} : memref<64x256xf32, #tpu.memory_space<vmem>>, vector<1x16xf32>,
        %get3A_830 = vector.shape_cast %get3A_829 : vector<1x16xf32> to vector<16xf32>
        %mul3A_831 = arith.mulf %exp3A_749, %get3A_830 : vector<16xf32>
        %select_n3A_832 = arith.select %eq3A_826, %exp3A_749, %mul3A_831 : vector<16xi1>, vector<16xf32>
        %swap3A_833 = arith.index_cast %add3A_619 : i32 to index
        %swap3A_834 = arith.constant 112 : index
        %swap3A_835 = tpu.vector_load %arg17[%swap3A_833, %swap3A_834] {strides = array<i32>} : memref<64x128xf32, #tpu.memory_space<vmem>>, vector<1x16xf32>,
        %swap3A_836 = vector.shape_cast %swap3A_835 : vector<1x16xf32> to vector<16xf32>
        %swap3A_837 = vector.shape_cast %select_n3A_832 : vector<16xf32> to vector<1x16xf32>
        tpu.vector_store %arg17[%swap3A_833, %swap3A_834], %swap3A_837 {strides = array<i32>} : memref<64x128xf32, #tpu.memory_space<vmem>>, vector<1x16xf32>,
        %mul3A_838 = arith.constant 4 : i32
        %mul3A_839 = arith.muli %scan3A_176, %mul3A_838 : i32
        %add3A_840 = arith.constant 3 : i32
        %add3A_841 = arith.addi %mul3A_839, %add3A_840 : i32
        %get3A_842 = arith.index_cast %add3A_841 : i32 to index
        %get3A_843 = arith.constant 0 : index
        %get3A_844 = tpu.vector_load %arg17[%get3A_842, %get3A_843] {strides = array<i32>} : memref<64x128xf32, #tpu.memory_space<vmem>>, vector<1x16xf32>,
        %get3A_845 = vector.shape_cast %get3A_844 : vector<1x16xf32> to vector<16xf32>
        %get3A_846 = arith.index_cast %add3A_841 : i32 to index
        %get3A_847 = arith.constant 0 : index
        %get3A_848 = tpu.vector_load %arg18[%get3A_846, %get3A_847] {strides = array<i32>} : memref<64x256xf32, #tpu.memory_space<vmem>>, vector<1x16xf32>,
        %get3A_849 = vector.shape_cast %get3A_848 : vector<1x16xf32> to vector<16xf32>
        %mul3A_850 = arith.mulf %get3A_845, %get3A_849 : vector<16xf32>
        %get3A_851 = arith.index_cast %add3A_841 : i32 to index
        %get3A_852 = arith.constant 16 : index
        %get3A_853 = tpu.vector_load %arg17[%get3A_851, %get3A_852] {strides = array<i32>} : memref<64x128xf32, #tpu.memory_space<vmem>>, vector<1x16xf32>,
        %get3A_854 = vector.shape_cast %get3A_853 : vector<1x16xf32> to vector<16xf32>
        %get3A_855 = arith.index_cast %add3A_841 : i32 to index
        %get3A_856 = arith.constant 16 : index
        %get3A_857 = tpu.vector_load %arg18[%get3A_855, %get3A_856] {strides = array<i32>} : memref<64x256xf32, #tpu.memory_space<vmem>>, vector<1x16xf32>,
        %get3A_858 = vector.shape_cast %get3A_857 : vector<1x16xf32> to vector<16xf32>
        %mul3A_859 = arith.mulf %get3A_854, %get3A_858 : vector<16xf32>
        %add3A_860 = arith.addf %mul3A_850, %mul3A_859 : vector<16xf32>
        %get3A_861 = arith.index_cast %add3A_841 : i32 to index
        %get3A_862 = arith.constant 32 : index
        %get3A_863 = tpu.vector_load %arg17[%get3A_861, %get3A_862] {strides = array<i32>} : memref<64x128xf32, #tpu.memory_space<vmem>>, vector<1x16xf32>,
        %get3A_864 = vector.shape_cast %get3A_863 : vector<1x16xf32> to vector<16xf32>
        %get3A_865 = arith.index_cast %add3A_841 : i32 to index
        %get3A_866 = arith.constant 32 : index
        %get3A_867 = tpu.vector_load %arg18[%get3A_865, %get3A_866] {strides = array<i32>} : memref<64x256xf32, #tpu.memory_space<vmem>>, vector<1x16xf32>,
        %get3A_868 = vector.shape_cast %get3A_867 : vector<1x16xf32> to vector<16xf32>
        %mul3A_869 = arith.mulf %get3A_864, %get3A_868 : vector<16xf32>
        %add3A_870 = arith.addf %add3A_860, %mul3A_869 : vector<16xf32>
        %get3A_871 = arith.index_cast %add3A_841 : i32 to index
        %get3A_872 = arith.constant 48 : index
        %get3A_873 = tpu.vector_load %arg17[%get3A_871, %get3A_872] {strides = array<i32>} : memref<64x128xf32, #tpu.memory_space<vmem>>, vector<1x16xf32>,
        %get3A_874 = vector.shape_cast %get3A_873 : vector<1x16xf32> to vector<16xf32>
        %get3A_875 = arith.index_cast %add3A_841 : i32 to index
        %get3A_876 = arith.constant 48 : index
        %get3A_877 = tpu.vector_load %arg18[%get3A_875, %get3A_876] {strides = array<i32>} : memref<64x256xf32, #tpu.memory_space<vmem>>, vector<1x16xf32>,
        %get3A_878 = vector.shape_cast %get3A_877 : vector<1x16xf32> to vector<16xf32>
        %mul3A_879 = arith.mulf %get3A_874, %get3A_878 : vector<16xf32>
        %add3A_880 = arith.addf %add3A_870, %mul3A_879 : vector<16xf32>
        %get3A_881 = arith.index_cast %add3A_841 : i32 to index
        %get3A_882 = arith.constant 64 : index
        %get3A_883 = tpu.vector_load %arg17[%get3A_881, %get3A_882] {strides = array<i32>} : memref<64x128xf32, #tpu.memory_space<vmem>>, vector<1x16xf32>,
        %get3A_884 = vector.shape_cast %get3A_883 : vector<1x16xf32> to vector<16xf32>
        %get3A_885 = arith.index_cast %add3A_841 : i32 to index
        %get3A_886 = arith.constant 64 : index
        %get3A_887 = tpu.vector_load %arg18[%get3A_885, %get3A_886] {strides = array<i32>} : memref<64x256xf32, #tpu.memory_space<vmem>>, vector<1x16xf32>,
        %get3A_888 = vector.shape_cast %get3A_887 : vector<1x16xf32> to vector<16xf32>
        %mul3A_889 = arith.mulf %get3A_884, %get3A_888 : vector<16xf32>
        %get3A_890 = arith.index_cast %add3A_841 : i32 to index
        %get3A_891 = arith.constant 80 : index
        %get3A_892 = tpu.vector_load %arg17[%get3A_890, %get3A_891] {strides = array<i32>} : memref<64x128xf32, #tpu.memory_space<vmem>>, vector<1x16xf32>,
        %get3A_893 = vector.shape_cast %get3A_892 : vector<1x16xf32> to vector<16xf32>
        %get3A_894 = arith.index_cast %add3A_841 : i32 to index
        %get3A_895 = arith.constant 80 : index
        %get3A_896 = tpu.vector_load %arg18[%get3A_894, %get3A_895] {strides = array<i32>} : memref<64x256xf32, #tpu.memory_space<vmem>>, vector<1x16xf32>,
        %get3A_897 = vector.shape_cast %get3A_896 : vector<1x16xf32> to vector<16xf32>
        %mul3A_898 = arith.mulf %get3A_893, %get3A_897 : vector<16xf32>
        %add3A_899 = arith.addf %mul3A_889, %mul3A_898 : vector<16xf32>
        %get3A_900 = arith.index_cast %add3A_841 : i32 to index
        %get3A_901 = arith.constant 96 : index
        %get3A_902 = tpu.vector_load %arg17[%get3A_900, %get3A_901] {strides = array<i32>} : memref<64x128xf32, #tpu.memory_space<vmem>>, vector<1x16xf32>,
        %get3A_903 = vector.shape_cast %get3A_902 : vector<1x16xf32> to vector<16xf32>
        %get3A_904 = arith.index_cast %add3A_841 : i32 to index
        %get3A_905 = arith.constant 96 : index
        %get3A_906 = tpu.vector_load %arg18[%get3A_904, %get3A_905] {strides = array<i32>} : memref<64x256xf32, #tpu.memory_space<vmem>>, vector<1x16xf32>,
        %get3A_907 = vector.shape_cast %get3A_906 : vector<1x16xf32> to vector<16xf32>
        %mul3A_908 = arith.mulf %get3A_903, %get3A_907 : vector<16xf32>
        %add3A_909 = arith.addf %add3A_899, %mul3A_908 : vector<16xf32>
        %get3A_910 = arith.index_cast %add3A_841 : i32 to index
        %get3A_911 = arith.constant 112 : index
        %get3A_912 = tpu.vector_load %arg17[%get3A_910, %get3A_911] {strides = array<i32>} : memref<64x128xf32, #tpu.memory_space<vmem>>, vector<1x16xf32>,
        %get3A_913 = vector.shape_cast %get3A_912 : vector<1x16xf32> to vector<16xf32>
        %get3A_914 = arith.index_cast %add3A_841 : i32 to index
        %get3A_915 = arith.constant 112 : index
        %get3A_916 = tpu.vector_load %arg18[%get3A_914, %get3A_915] {strides = array<i32>} : memref<64x256xf32, #tpu.memory_space<vmem>>, vector<1x16xf32>,
        %get3A_917 = vector.shape_cast %get3A_916 : vector<1x16xf32> to vector<16xf32>
        %mul3A_918 = arith.mulf %get3A_913, %get3A_917 : vector<16xf32>
        %add3A_919 = arith.addf %add3A_909, %mul3A_918 : vector<16xf32>
        %xor3A_920 = arith.constant 1 : i32
        %xor3A_921 = vector.broadcast %xor3A_920 : i32 to vector<16xi32>
        %xor3A_922 = arith.xori %iota3A, %xor3A_921 : vector<16xi32>
        %broadcast_in_dim3A_923 = vector.shape_cast %xor3A_922 : vector<16xi32> to vector<16x1xi32>
        %gather3A_924 = vector.shape_cast %broadcast_in_dim3A_923 : vector<16x1xi32> to vector<16xi32>
        %gather3A_925 = tpu.dynamic_gather %add3A_880[%gather3A_924] in [0] : vector<16xf32>, vector<16xi32> -> vector<16xf32>
        %add3A_926 = arith.addf %add3A_880, %gather3A_925 : vector<16xf32>
        %broadcast_in_dim3A_927 = vector.shape_cast %xor3A_922 : vector<16xi32> to vector<16x1xi32>
        %gather3A_928 = vector.shape_cast %broadcast_in_dim3A_927 : vector<16x1xi32> to vector<16xi32>
        %gather3A_929 = tpu.dynamic_gather %add3A_919[%gather3A_928] in [0] : vector<16xf32>, vector<16xi32> -> vector<16xf32>
        %add3A_930 = arith.addf %add3A_919, %gather3A_929 : vector<16xf32>
        %xor3A_931 = arith.constant 2 : i32
        %xor3A_932 = vector.broadcast %xor3A_931 : i32 to vector<16xi32>
        %xor3A_933 = arith.xori %iota3A, %xor3A_932 : vector<16xi32>
        %broadcast_in_dim3A_934 = vector.shape_cast %xor3A_933 : vector<16xi32> to vector<16x1xi32>
        %gather3A_935 = vector.shape_cast %broadcast_in_dim3A_934 : vector<16x1xi32> to vector<16xi32>
        %gather3A_936 = tpu.dynamic_gather %add3A_926[%gather3A_935] in [0] : vector<16xf32>, vector<16xi32> -> vector<16xf32>
        %add3A_937 = arith.addf %add3A_926, %gather3A_936 : vector<16xf32>
        %broadcast_in_dim3A_938 = vector.shape_cast %xor3A_933 : vector<16xi32> to vector<16x1xi32>
        %gather3A_939 = vector.shape_cast %broadcast_in_dim3A_938 : vector<16x1xi32> to vector<16xi32>
        %gather3A_940 = tpu.dynamic_gather %add3A_930[%gather3A_939] in [0] : vector<16xf32>, vector<16xi32> -> vector<16xf32>
        %add3A_941 = arith.addf %add3A_930, %gather3A_940 : vector<16xf32>
        %xor3A_942 = arith.constant 4 : i32
        %xor3A_943 = vector.broadcast %xor3A_942 : i32 to vector<16xi32>
        %xor3A_944 = arith.xori %iota3A, %xor3A_943 : vector<16xi32>
        %broadcast_in_dim3A_945 = vector.shape_cast %xor3A_944 : vector<16xi32> to vector<16x1xi32>
        %gather3A_946 = vector.shape_cast %broadcast_in_dim3A_945 : vector<16x1xi32> to vector<16xi32>
        %gather3A_947 = tpu.dynamic_gather %add3A_937[%gather3A_946] in [0] : vector<16xf32>, vector<16xi32> -> vector<16xf32>
        %add3A_948 = arith.addf %add3A_937, %gather3A_947 : vector<16xf32>
        %broadcast_in_dim3A_949 = vector.shape_cast %xor3A_944 : vector<16xi32> to vector<16x1xi32>
        %gather3A_950 = vector.shape_cast %broadcast_in_dim3A_949 : vector<16x1xi32> to vector<16xi32>
        %gather3A_951 = tpu.dynamic_gather %add3A_941[%gather3A_950] in [0] : vector<16xf32>, vector<16xi32> -> vector<16xf32>
        %add3A_952 = arith.addf %add3A_941, %gather3A_951 : vector<16xf32>
        %xor3A_953 = arith.constant 8 : i32
        %xor3A_954 = vector.broadcast %xor3A_953 : i32 to vector<16xi32>
        %xor3A_955 = arith.xori %iota3A, %xor3A_954 : vector<16xi32>
        %broadcast_in_dim3A_956 = vector.shape_cast %xor3A_955 : vector<16xi32> to vector<16x1xi32>
        %gather3A_957 = vector.shape_cast %broadcast_in_dim3A_956 : vector<16x1xi32> to vector<16xi32>
        %gather3A_958 = tpu.dynamic_gather %add3A_948[%gather3A_957] in [0] : vector<16xf32>, vector<16xi32> -> vector<16xf32>
        %add3A_959 = arith.addf %add3A_948, %gather3A_958 : vector<16xf32>
        %broadcast_in_dim3A_960 = vector.shape_cast %xor3A_955 : vector<16xi32> to vector<16x1xi32>
        %gather3A_961 = vector.shape_cast %broadcast_in_dim3A_960 : vector<16x1xi32> to vector<16xi32>
        %gather3A_962 = tpu.dynamic_gather %add3A_952[%gather3A_961] in [0] : vector<16xf32>, vector<16xi32> -> vector<16xf32>
        %add3A_963 = arith.addf %add3A_952, %gather3A_962 : vector<16xf32>
        %mul3A_964 = arith.constant 0.13130644 : f32
        %mul3A_965 = vector.broadcast %mul3A_964 : f32 to vector<16xf32>
        %mul3A_966 = arith.mulf %add3A_959, %mul3A_965 : vector<16xf32>
        %exp3A_967 = math.exp %mul3A_966 : vector<16xf32>
        %mul3A_968 = arith.constant 0.13130644 : f32
        %mul3A_969 = vector.broadcast %mul3A_968 : f32 to vector<16xf32>
        %mul3A_970 = arith.mulf %add3A_963, %mul3A_969 : vector<16xf32>
        %exp3A_971 = math.exp %mul3A_970 : vector<16xf32>
        %get3A_972 = arith.index_cast %add3A_841 : i32 to index
        %get3A_973 = arith.constant 128 : index
        %get3A_974 = tpu.vector_load %arg18[%get3A_972, %get3A_973] {strides = array<i32>} : memref<64x256xf32, #tpu.memory_space<vmem>>, vector<1x16xf32>,
        %get3A_975 = vector.shape_cast %get3A_974 : vector<1x16xf32> to vector<16xf32>
        %mul3A_976 = arith.mulf %exp3A_967, %get3A_975 : vector<16xf32>
        %swap3A_977 = arith.index_cast %add3A_841 : i32 to index
        %swap3A_978 = arith.constant 0 : index
        %swap3A_979 = tpu.vector_load %arg17[%swap3A_977, %swap3A_978] {strides = array<i32>} : memref<64x128xf32, #tpu.memory_space<vmem>>, vector<1x16xf32>,
        %swap3A_980 = vector.shape_cast %swap3A_979 : vector<1x16xf32> to vector<16xf32>
        %swap3A_981 = vector.shape_cast %mul3A_976 : vector<16xf32> to vector<1x16xf32>
        tpu.vector_store %arg17[%swap3A_977, %swap3A_978], %swap3A_981 {strides = array<i32>} : memref<64x128xf32, #tpu.memory_space<vmem>>, vector<1x16xf32>,
        %get3A_982 = arith.index_cast %add3A_841 : i32 to index
        %get3A_983 = arith.constant 144 : index
        %get3A_984 = tpu.vector_load %arg18[%get3A_982, %get3A_983] {strides = array<i32>} : memref<64x256xf32, #tpu.memory_space<vmem>>, vector<1x16xf32>,
        %get3A_985 = vector.shape_cast %get3A_984 : vector<1x16xf32> to vector<16xf32>
        %mul3A_986 = arith.mulf %exp3A_967, %get3A_985 : vector<16xf32>
        %swap3A_987 = arith.index_cast %add3A_841 : i32 to index
        %swap3A_988 = arith.constant 16 : index
        %swap3A_989 = tpu.vector_load %arg17[%swap3A_987, %swap3A_988] {strides = array<i32>} : memref<64x128xf32, #tpu.memory_space<vmem>>, vector<1x16xf32>,
        %swap3A_990 = vector.shape_cast %swap3A_989 : vector<1x16xf32> to vector<16xf32>
        %swap3A_991 = vector.shape_cast %mul3A_986 : vector<16xf32> to vector<1x16xf32>
        tpu.vector_store %arg17[%swap3A_987, %swap3A_988], %swap3A_991 {strides = array<i32>} : memref<64x128xf32, #tpu.memory_space<vmem>>, vector<1x16xf32>,
        %get3A_992 = arith.index_cast %add3A_841 : i32 to index
        %get3A_993 = arith.constant 160 : index
        %get3A_994 = tpu.vector_load %arg18[%get3A_992, %get3A_993] {strides = array<i32>} : memref<64x256xf32, #tpu.memory_space<vmem>>, vector<1x16xf32>,
        %get3A_995 = vector.shape_cast %get3A_994 : vector<1x16xf32> to vector<16xf32>
        %mul3A_996 = arith.mulf %exp3A_967, %get3A_995 : vector<16xf32>
        %swap3A_997 = arith.index_cast %add3A_841 : i32 to index
        %swap3A_998 = arith.constant 32 : index
        %swap3A_999 = tpu.vector_load %arg17[%swap3A_997, %swap3A_998] {strides = array<i32>} : memref<64x128xf32, #tpu.memory_space<vmem>>, vector<1x16xf32>,
        %swap3A_1000 = vector.shape_cast %swap3A_999 : vector<1x16xf32> to vector<16xf32>
        %swap3A_1001 = vector.shape_cast %mul3A_996 : vector<16xf32> to vector<1x16xf32>
        tpu.vector_store %arg17[%swap3A_997, %swap3A_998], %swap3A_1001 {strides = array<i32>} : memref<64x128xf32, #tpu.memory_space<vmem>>, vector<1x16xf32>,
        %eq3A_1002 = arith.constant 10 : i32
        %eq3A_1003 = vector.broadcast %eq3A_1002 : i32 to vector<16xi32>
        %eq3A_1004 = arith.cmpi eq, %iota3A, %eq3A_1003 : vector<16xi32>
        %get3A_1005 = arith.index_cast %add3A_841 : i32 to index
        %get3A_1006 = arith.constant 176 : index
        %get3A_1007 = tpu.vector_load %arg18[%get3A_1005, %get3A_1006] {strides = array<i32>} : memref<64x256xf32, #tpu.memory_space<vmem>>, vector<1x16xf32>,
        %get3A_1008 = vector.shape_cast %get3A_1007 : vector<1x16xf32> to vector<16xf32>
        %mul3A_1009 = arith.mulf %exp3A_967, %get3A_1008 : vector<16xf32>
        %select_n3A_1010 = arith.select %eq3A_1004, %exp3A_967, %mul3A_1009 : vector<16xi1>, vector<16xf32>
        %swap3A_1011 = arith.index_cast %add3A_841 : i32 to index
        %swap3A_1012 = arith.constant 48 : index
        %swap3A_1013 = tpu.vector_load %arg17[%swap3A_1011, %swap3A_1012] {strides = array<i32>} : memref<64x128xf32, #tpu.memory_space<vmem>>, vector<1x16xf32>,
        %swap3A_1014 = vector.shape_cast %swap3A_1013 : vector<1x16xf32> to vector<16xf32>
        %swap3A_1015 = vector.shape_cast %select_n3A_1010 : vector<16xf32> to vector<1x16xf32>
        tpu.vector_store %arg17[%swap3A_1011, %swap3A_1012], %swap3A_1015 {strides = array<i32>} : memref<64x128xf32, #tpu.memory_space<vmem>>, vector<1x16xf32>,
        %get3A_1016 = arith.index_cast %add3A_841 : i32 to index
        %get3A_1017 = arith.constant 192 : index
        %get3A_1018 = tpu.vector_load %arg18[%get3A_1016, %get3A_1017] {strides = array<i32>} : memref<64x256xf32, #tpu.memory_space<vmem>>, vector<1x16xf32>,
        %get3A_1019 = vector.shape_cast %get3A_1018 : vector<1x16xf32> to vector<16xf32>
        %mul3A_1020 = arith.mulf %exp3A_971, %get3A_1019 : vector<16xf32>
        %swap3A_1021 = arith.index_cast %add3A_841 : i32 to index
        %swap3A_1022 = arith.constant 64 : index
        %swap3A_1023 = tpu.vector_load %arg17[%swap3A_1021, %swap3A_1022] {strides = array<i32>} : memref<64x128xf32, #tpu.memory_space<vmem>>, vector<1x16xf32>,
        %swap3A_1024 = vector.shape_cast %swap3A_1023 : vector<1x16xf32> to vector<16xf32>
        %swap3A_1025 = vector.shape_cast %mul3A_1020 : vector<16xf32> to vector<1x16xf32>
        tpu.vector_store %arg17[%swap3A_1021, %swap3A_1022], %swap3A_1025 {strides = array<i32>} : memref<64x128xf32, #tpu.memory_space<vmem>>, vector<1x16xf32>,
        %get3A_1026 = arith.index_cast %add3A_841 : i32 to index
        %get3A_1027 = arith.constant 208 : index
        %get3A_1028 = tpu.vector_load %arg18[%get3A_1026, %get3A_1027] {strides = array<i32>} : memref<64x256xf32, #tpu.memory_space<vmem>>, vector<1x16xf32>,
        %get3A_1029 = vector.shape_cast %get3A_1028 : vector<1x16xf32> to vector<16xf32>
        %mul3A_1030 = arith.mulf %exp3A_971, %get3A_1029 : vector<16xf32>
        %swap3A_1031 = arith.index_cast %add3A_841 : i32 to index
        %swap3A_1032 = arith.constant 80 : index
        %swap3A_1033 = tpu.vector_load %arg17[%swap3A_1031, %swap3A_1032] {strides = array<i32>} : memref<64x128xf32, #tpu.memory_space<vmem>>, vector<1x16xf32>,
        %swap3A_1034 = vector.shape_cast %swap3A_1033 : vector<1x16xf32> to vector<16xf32>
        %swap3A_1035 = vector.shape_cast %mul3A_1030 : vector<16xf32> to vector<1x16xf32>
        tpu.vector_store %arg17[%swap3A_1031, %swap3A_1032], %swap3A_1035 {strides = array<i32>} : memref<64x128xf32, #tpu.memory_space<vmem>>, vector<1x16xf32>,
        %get3A_1036 = arith.index_cast %add3A_841 : i32 to index
        %get3A_1037 = arith.constant 224 : index
        %get3A_1038 = tpu.vector_load %arg18[%get3A_1036, %get3A_1037] {strides = array<i32>} : memref<64x256xf32, #tpu.memory_space<vmem>>, vector<1x16xf32>,
        %get3A_1039 = vector.shape_cast %get3A_1038 : vector<1x16xf32> to vector<16xf32>
        %mul3A_1040 = arith.mulf %exp3A_971, %get3A_1039 : vector<16xf32>
        %swap3A_1041 = arith.index_cast %add3A_841 : i32 to index
        %swap3A_1042 = arith.constant 96 : index
        %swap3A_1043 = tpu.vector_load %arg17[%swap3A_1041, %swap3A_1042] {strides = array<i32>} : memref<64x128xf32, #tpu.memory_space<vmem>>, vector<1x16xf32>,
        %swap3A_1044 = vector.shape_cast %swap3A_1043 : vector<1x16xf32> to vector<16xf32>
        %swap3A_1045 = vector.shape_cast %mul3A_1040 : vector<16xf32> to vector<1x16xf32>
        tpu.vector_store %arg17[%swap3A_1041, %swap3A_1042], %swap3A_1045 {strides = array<i32>} : memref<64x128xf32, #tpu.memory_space<vmem>>, vector<1x16xf32>,
        %eq3A_1046 = arith.constant 10 : i32
        %eq3A_1047 = vector.broadcast %eq3A_1046 : i32 to vector<16xi32>
        %eq3A_1048 = arith.cmpi eq, %iota3A, %eq3A_1047 : vector<16xi32>
        %get3A_1049 = arith.index_cast %add3A_841 : i32 to index
        %get3A_1050 = arith.constant 240 : index
        %get3A_1051 = tpu.vector_load %arg18[%get3A_1049, %get3A_1050] {strides = array<i32>} : memref<64x256xf32, #tpu.memory_space<vmem>>, vector<1x16xf32>,
        %get3A_1052 = vector.shape_cast %get3A_1051 : vector<1x16xf32> to vector<16xf32>
        %mul3A_1053 = arith.mulf %exp3A_971, %get3A_1052 : vector<16xf32>
        %select_n3A_1054 = arith.select %eq3A_1048, %exp3A_971, %mul3A_1053 : vector<16xi1>, vector<16xf32>
        %swap3A_1055 = arith.index_cast %add3A_841 : i32 to index
        %swap3A_1056 = arith.constant 112 : index
        %swap3A_1057 = tpu.vector_load %arg17[%swap3A_1055, %swap3A_1056] {strides = array<i32>} : memref<64x128xf32, #tpu.memory_space<vmem>>, vector<1x16xf32>,
        %swap3A_1058 = vector.shape_cast %swap3A_1057 : vector<1x16xf32> to vector<16xf32>
        %swap3A_1059 = vector.shape_cast %select_n3A_1054 : vector<16xf32> to vector<1x16xf32>
        tpu.vector_store %arg17[%swap3A_1055, %swap3A_1056], %swap3A_1059 {strides = array<i32>} : memref<64x128xf32, #tpu.memory_space<vmem>>, vector<1x16xf32>,
      }
      %scan3A_172 = arith.constant 16 : i32
      %dma_start3A_173 = arith.constant 0 : i32
      %dma_start3A_174 = arith.constant 0 : i32
      %dma_start3A_175 = tpu.memref_slice %arg19[%dma_start3A_173, %dma_start3A_174] : memref<9984x128xf32, #tpu.memory_space<vmem_shared>> -> memref<9984x128xf32, #tpu.memory_space<vmem_shared>>
      tpu.enqueue_indirect_dma source(%arg17 : memref<64x128xf32, #tpu.memory_space<vmem>>) target(%dma_start3A_175 : memref<9984x128xf32, #tpu.memory_space<vmem_shared>>) offsets(%arg14 : memref<64xi32, #tpu.memory_space<vmem>>) semaphore(%arg25 : memref<!tpu.dma_semaphore, #tpu.memory_space<semaphore_mem>>) {add = true}
    }
    %scan3A_24 = arith.constant 160 : i32
    %dma_wait3A = arith.constant 0 : i32
    %dma_wait3A_25 = arith.constant 0 : i32
    %dma_wait3A_26 = tpu.memref_slice %arg19[%dma_wait3A, %dma_wait3A_25] : memref<9984x128xf32, #tpu.memory_space<vmem_shared>> -> memref<9984x128xf32, #tpu.memory_space<vmem_shared>>
    tpu.wait_indirect_dma semaphore(%arg25 : memref<!tpu.dma_semaphore, #tpu.memory_space<semaphore_mem>>) src(%arg17 : memref<64x128xf32, #tpu.memory_space<vmem>>) dst(%dma_wait3A_26 : memref<9984x128xf32, #tpu.memory_space<vmem_shared>>)
    %barrier3A_27 = arith.constant 0 : index
    tpu.barrier barrier_id(%barrier3A_27)
    %eq3A = arith.constant 0 : i32
    %eq3A_28 = arith.cmpi eq, %arg0, %eq3A : i32
    %convert_element_type3A = arith.extui %eq3A_28 : i1 to i32
    %cond3A = arith.constant 0 : i32
    %cond3A_29 = arith.cmpi ne, %convert_element_type3A, %cond3A : i32
    scf.if %cond3A_29 {
      %mul3A_35 = arith.constant 624 : i32
      %mul3A_36 = arith.muli %arg1, %mul3A_35 : i32
      %mul3A_37 = arith.constant 624 : i32
      %mul3A_38 = arith.muli %arg1, %mul3A_37 : i32
      "tpu.region"() ({
        %run_scoped3A = tpu.sem_alloc : memref<!tpu.dma_semaphore, #tpu.memory_space<semaphore_mem>>
        %dma_start3A_39 = arith.constant 0 : i32
        %dma_start3A_40 = tpu.memref_slice %arg7[%mul3A_38, %dma_start3A_39] : memref<9984x128xf32, #tpu.memory_space<hbm>> -> memref<624x128xf32, #tpu.memory_space<hbm>>
        %dma_start3A_41 = arith.constant 0 : i32
        %dma_start3A_42 = tpu.memref_slice %arg19[%mul3A_36, %dma_start3A_41] : memref<9984x128xf32, #tpu.memory_space<vmem_shared>> -> memref<624x128xf32, #tpu.memory_space<vmem_shared>>
        tpu.enqueue_dma source(%dma_start3A_42 : memref<624x128xf32, #tpu.memory_space<vmem_shared>>) target(%dma_start3A_40 : memref<624x128xf32, #tpu.memory_space<hbm>>) target_semaphore(%run_scoped3A : memref<!tpu.dma_semaphore, #tpu.memory_space<semaphore_mem>>)
        %dma_wait3A_43 = arith.constant 0 : i32
        %dma_wait3A_44 = tpu.memref_slice %arg7[%mul3A_38, %dma_wait3A_43] : memref<9984x128xf32, #tpu.memory_space<hbm>> -> memref<624x128xf32, #tpu.memory_space<hbm>>
        %dma_wait3A_45 = arith.constant 0 : i32
        %dma_wait3A_46 = tpu.memref_slice %arg19[%mul3A_36, %dma_wait3A_45] : memref<9984x128xf32, #tpu.memory_space<vmem_shared>> -> memref<624x128xf32, #tpu.memory_space<vmem_shared>>
        tpu.wait_dma2 semaphore(%run_scoped3A : memref<!tpu.dma_semaphore, #tpu.memory_space<semaphore_mem>>) src(%dma_wait3A_46 : memref<624x128xf32, #tpu.memory_space<vmem_shared>>) dst(%dma_wait3A_44 : memref<624x128xf32, #tpu.memory_space<hbm>>)
        tpu.yield
      }) : () -> ()
    } else {
    }
    %eq3A_30 = arith.constant 1 : i32
    %eq3A_31 = arith.cmpi eq, %arg0, %eq3A_30 : i32
    %convert_element_type3A_32 = arith.extui %eq3A_31 : i1 to i32
    %cond3A_33 = arith.constant 0 : i32
    %cond3A_34 = arith.cmpi ne, %convert_element_type3A_32, %cond3A_33 : i32
    scf.if %cond3A_34 {
      %mul3A_35 = arith.constant 624 : i32
      %mul3A_36 = arith.muli %arg1, %mul3A_35 : i32
      %mul3A_37 = arith.constant 624 : i32
      %mul3A_38 = arith.muli %arg1, %mul3A_37 : i32
      "tpu.region"() ({
        %run_scoped3A = tpu.sem_alloc : memref<!tpu.dma_semaphore, #tpu.memory_space<semaphore_mem>>
        %dma_start3A_39 = arith.constant 0 : i32
        %dma_start3A_40 = tpu.memref_slice %arg8[%mul3A_38, %dma_start3A_39] : memref<9984x128xf32, #tpu.memory_space<hbm>> -> memref<624x128xf32, #tpu.memory_space<hbm>>
        %dma_start3A_41 = arith.constant 0 : i32
        %dma_start3A_42 = tpu.memref_slice %arg19[%mul3A_36, %dma_start3A_41] : memref<9984x128xf32, #tpu.memory_space<vmem_shared>> -> memref<624x128xf32, #tpu.memory_space<vmem_shared>>
        tpu.enqueue_dma source(%dma_start3A_42 : memref<624x128xf32, #tpu.memory_space<vmem_shared>>) target(%dma_start3A_40 : memref<624x128xf32, #tpu.memory_space<hbm>>) target_semaphore(%run_scoped3A : memref<!tpu.dma_semaphore, #tpu.memory_space<semaphore_mem>>)
        %dma_wait3A_43 = arith.constant 0 : i32
        %dma_wait3A_44 = tpu.memref_slice %arg8[%mul3A_38, %dma_wait3A_43] : memref<9984x128xf32, #tpu.memory_space<hbm>> -> memref<624x128xf32, #tpu.memory_space<hbm>>
        %dma_wait3A_45 = arith.constant 0 : i32
        %dma_wait3A_46 = tpu.memref_slice %arg19[%mul3A_36, %dma_wait3A_45] : memref<9984x128xf32, #tpu.memory_space<vmem_shared>> -> memref<624x128xf32, #tpu.memory_space<vmem_shared>>
        tpu.wait_dma2 semaphore(%run_scoped3A : memref<!tpu.dma_semaphore, #tpu.memory_space<semaphore_mem>>) src(%dma_wait3A_46 : memref<624x128xf32, #tpu.memory_space<vmem_shared>>) dst(%dma_wait3A_44 : memref<624x128xf32, #tpu.memory_space<hbm>>)
        tpu.yield
      }) : () -> ()
    } else {
    }
    return
  }
}

module attributes {stable_mosaic.version = 14 : i64} {
  func.func @_qkv_body(%arg0: i32, %arg1: memref<128x128xf32, #tpu.memory_space<vmem>>, %arg2: memref<128x384xf32, #tpu.memory_space<vmem>>, %arg3: memref<8x384xf32, #tpu.memory_space<vmem>>, %arg4: memref<128x128xf32, #tpu.memory_space<vmem>>, %arg5: memref<128x256xf32, #tpu.memory_space<vmem>>) attributes {dimension_semantics = [#tpu.dimension_semantics<arbitrary>], iteration_bounds = array<i64: 78>, scalar_prefetch = 0 : i64, scratch_operands = 0 : i64, tpu.core_type = #tpu.core_type<tc>, window_params = [{transform_indices = @transform_0, window_bounds = array<i64: 128, 128>}, {pipeline_mode = #tpu.pipeline_mode<synchronous>, transform_indices = @transform_1, window_bounds = array<i64: 128, 384>}, {pipeline_mode = #tpu.pipeline_mode<synchronous>, transform_indices = @transform_2, window_bounds = array<i64: 8, 384>}, {transform_indices = @transform_3, window_bounds = array<i64: 128, 128>}, {transform_indices = @transform_4, window_bounds = array<i64: 128, 256>}]} {
    %get3A = arith.constant 0 : index
    %get3A_0 = arith.constant 0 : index
    %get3A_1 = vector.load %arg1[%get3A, %get3A_0] : memref<128x128xf32, #tpu.memory_space<vmem>>, vector<128x128xf32>
    %get3A_2 = arith.constant 0 : index
    %get3A_3 = arith.constant 0 : index
    %get3A_4 = vector.load %arg2[%get3A_2, %get3A_3] : memref<128x384xf32, #tpu.memory_space<vmem>>, vector<128x128xf32>
    %dot_general3A = arith.constant dense<0.000000e+00> : vector<128x128xf32>
    %dot_general3A_5 = tpu.matmul %get3A_1, %get3A_4, %dot_general3A {dimension_numbers = #tpu.dot_dimension_numbers<[1], [0], [0], [1], [0, 0, 1, 1], [], []>, transpose_lhs_hint = false} : vector<128x128xf32>, vector<128x128xf32>, vector<128x128xf32> -> vector<128x128xf32>
    %get3A_6 = arith.constant 0 : index
    %get3A_7 = arith.constant 0 : index
    %get3A_8 = vector.load %arg3[%get3A_6, %get3A_7] : memref<8x384xf32, #tpu.memory_space<vmem>>, vector<1x128xf32>
    %add3A = vector.broadcast %get3A_8 : vector<1x128xf32> to vector<128x128xf32>
    %add3A_9 = arith.addf %dot_general3A_5, %add3A : vector<128x128xf32>
    %swap3A = arith.constant 0 : index
    %swap3A_10 = arith.constant 0 : index
    %swap3A_11 = vector.load %arg4[%swap3A, %swap3A_10] : memref<128x128xf32, #tpu.memory_space<vmem>>, vector<128x128xf32>
    tpu.vector_store %arg4[%swap3A, %swap3A_10], %add3A_9 {strides = array<i32>} : memref<128x128xf32, #tpu.memory_space<vmem>>, vector<128x128xf32>,
    %get3A_12 = arith.constant 0 : index
    %get3A_13 = arith.constant 128 : index
    %get3A_14 = vector.load %arg2[%get3A_12, %get3A_13] : memref<128x384xf32, #tpu.memory_space<vmem>>, vector<128x128xf32>
    %dot_general3A_15 = arith.constant dense<0.000000e+00> : vector<128x128xf32>
    %dot_general3A_16 = tpu.matmul %get3A_1, %get3A_14, %dot_general3A_15 {dimension_numbers = #tpu.dot_dimension_numbers<[1], [0], [0], [1], [0, 0, 1, 1], [], []>, transpose_lhs_hint = false} : vector<128x128xf32>, vector<128x128xf32>, vector<128x128xf32> -> vector<128x128xf32>
    %get3A_17 = arith.constant 0 : index
    %get3A_18 = arith.constant 128 : index
    %get3A_19 = vector.load %arg3[%get3A_17, %get3A_18] : memref<8x384xf32, #tpu.memory_space<vmem>>, vector<1x128xf32>
    %add3A_20 = vector.broadcast %get3A_19 : vector<1x128xf32> to vector<128x128xf32>
    %add3A_21 = arith.addf %dot_general3A_16, %add3A_20 : vector<128x128xf32>
    %swap3A_22 = arith.constant 0 : index
    %swap3A_23 = arith.constant 0 : index
    %swap3A_24 = vector.load %arg5[%swap3A_22, %swap3A_23] : memref<128x256xf32, #tpu.memory_space<vmem>>, vector<128x128xf32>
    tpu.vector_store %arg5[%swap3A_22, %swap3A_23], %add3A_21 {strides = array<i32>} : memref<128x256xf32, #tpu.memory_space<vmem>>, vector<128x128xf32>,
    %get3A_25 = arith.constant 0 : index
    %get3A_26 = arith.constant 256 : index
    %get3A_27 = vector.load %arg2[%get3A_25, %get3A_26] : memref<128x384xf32, #tpu.memory_space<vmem>>, vector<128x128xf32>
    %dot_general3A_28 = arith.constant dense<0.000000e+00> : vector<128x128xf32>
    %dot_general3A_29 = tpu.matmul %get3A_1, %get3A_27, %dot_general3A_28 {dimension_numbers = #tpu.dot_dimension_numbers<[1], [0], [0], [1], [0, 0, 1, 1], [], []>, transpose_lhs_hint = false} : vector<128x128xf32>, vector<128x128xf32>, vector<128x128xf32> -> vector<128x128xf32>
    %get3A_30 = arith.constant 0 : index
    %get3A_31 = arith.constant 256 : index
    %get3A_32 = vector.load %arg3[%get3A_30, %get3A_31] : memref<8x384xf32, #tpu.memory_space<vmem>>, vector<1x128xf32>
    %add3A_33 = vector.broadcast %get3A_32 : vector<1x128xf32> to vector<128x128xf32>
    %add3A_34 = arith.addf %dot_general3A_29, %add3A_33 : vector<128x128xf32>
    %swap3A_35 = arith.constant 0 : index
    %swap3A_36 = arith.constant 128 : index
    %swap3A_37 = vector.load %arg5[%swap3A_35, %swap3A_36] : memref<128x256xf32, #tpu.memory_space<vmem>>, vector<128x128xf32>
    tpu.vector_store %arg5[%swap3A_35, %swap3A_36], %add3A_34 {strides = array<i32>} : memref<128x256xf32, #tpu.memory_space<vmem>>, vector<128x128xf32>,
    return
  }
  func.func @transform_0(%arg0: i32) -> (i32, i32) {
    %c0_i32 = arith.constant 0 : i32
    %c0_i32_0 = arith.constant 0 : i32
    return %arg0, %c0_i32 : i32, i32
  }
  func.func @transform_1(%arg0: i32) -> (i32, i32) {
    %c0_i32 = arith.constant 0 : i32
    %c0_i32_0 = arith.constant 0 : i32
    %c0_i32_1 = arith.constant 0 : i32
    return %c0_i32, %c0_i32_0 : i32, i32
  }
  func.func @transform_2(%arg0: i32) -> (i32, i32) {
    %c0_i32 = arith.constant 0 : i32
    %c0_i32_0 = arith.constant 0 : i32
    %c0_i32_1 = arith.constant 0 : i32
    return %c0_i32, %c0_i32_0 : i32, i32
  }
  func.func @transform_3(%arg0: i32) -> (i32, i32) {
    %c0_i32 = arith.constant 0 : i32
    %c0_i32_0 = arith.constant 0 : i32
    return %arg0, %c0_i32 : i32, i32
  }
  func.func @transform_4(%arg0: i32) -> (i32, i32) {
    %c0_i32 = arith.constant 0 : i32
    %c0_i32_0 = arith.constant 0 : i32
    return %arg0, %c0_i32 : i32, i32
  }
}

module attributes {stable_mosaic.version = 14 : i64} {
  func.func @_proj_body(%arg0: i32, %arg1: memref<128x128xf32, #tpu.memory_space<vmem>>, %arg2: memref<128x128xf32, #tpu.memory_space<vmem>>, %arg3: memref<128x128xf32, #tpu.memory_space<vmem>>, %arg4: memref<8x128xf32, #tpu.memory_space<vmem>>, %arg5: memref<128x128xf32, #tpu.memory_space<vmem>>) attributes {dimension_semantics = [#tpu.dimension_semantics<arbitrary>], iteration_bounds = array<i64: 78>, scalar_prefetch = 0 : i64, scratch_operands = 0 : i64, tpu.core_type = #tpu.core_type<tc>, window_params = [{transform_indices = @transform_0, window_bounds = array<i64: 128, 128>}, {transform_indices = @transform_1, window_bounds = array<i64: 128, 128>}, {pipeline_mode = #tpu.pipeline_mode<synchronous>, transform_indices = @transform_2, window_bounds = array<i64: 128, 128>}, {pipeline_mode = #tpu.pipeline_mode<synchronous>, transform_indices = @transform_3, window_bounds = array<i64: 8, 128>}, {transform_indices = @transform_4, window_bounds = array<i64: 128, 128>}]} {
    %get3A = arith.constant 0 : index
    %get3A_0 = arith.constant 0 : index
    %get3A_1 = vector.load %arg1[%get3A, %get3A_0] : memref<128x128xf32, #tpu.memory_space<vmem>>, vector<128x128xf32>
    %get3A_2 = arith.constant 0 : index
    %get3A_3 = arith.constant 0 : index
    %get3A_4 = vector.load %arg2[%get3A_2, %get3A_3] : memref<128x128xf32, #tpu.memory_space<vmem>>, vector<128x128xf32>
    %add3A = arith.addf %get3A_1, %get3A_4 : vector<128x128xf32>
    %iota3A = tpu.iota {dimensions = array<i32: 1>} : vector<128x128xi32>
    %lt3A = arith.constant 64 : i32
    %lt3A_5 = vector.broadcast %lt3A : i32 to vector<128x128xi32>
    %lt3A_6 = arith.cmpi slt, %iota3A, %lt3A_5 : vector<128x128xi32>
    %slice3A = vector.extract_strided_slice %add3A {offsets = [0, 58], sizes = [128, 1], strides = [1, 1]} : vector<128x128xf32> to vector<128x1xf32>
    %slice3A_7 = vector.extract_strided_slice %add3A {offsets = [0, 122], sizes = [128, 1], strides = [1, 1]} : vector<128x128xf32> to vector<128x1xf32>
    %broadcast_in_dim3A = vector.shape_cast %slice3A : vector<128x1xf32> to vector<128x1xf32>
    %broadcast_in_dim3A_8 = vector.broadcast %broadcast_in_dim3A : vector<128x1xf32> to vector<128x128xf32>
    %broadcast_in_dim3A_9 = vector.shape_cast %slice3A_7 : vector<128x1xf32> to vector<128x1xf32>
    %broadcast_in_dim3A_10 = vector.broadcast %broadcast_in_dim3A_9 : vector<128x1xf32> to vector<128x128xf32>
    %select_n3A = arith.select %lt3A_6, %broadcast_in_dim3A_8, %broadcast_in_dim3A_10 : vector<128x128xi1>, vector<128x128xf32>
    %add3A_11 = arith.constant 1.000000e-16 : f32
    %add3A_12 = vector.broadcast %add3A_11 : f32 to vector<128x128xf32>
    %add3A_13 = arith.addf %select_n3A, %add3A_12 : vector<128x128xf32>
    %div3A = arith.divf %add3A, %add3A_13 : vector<128x128xf32>
    %get3A_14 = arith.constant 0 : index
    %get3A_15 = arith.constant 0 : index
    %get3A_16 = vector.load %arg3[%get3A_14, %get3A_15] : memref<128x128xf32, #tpu.memory_space<vmem>>, vector<128x128xf32>
    %dot_general3A = arith.constant dense<0.000000e+00> : vector<128x128xf32>
    %dot_general3A_17 = tpu.matmul %div3A, %get3A_16, %dot_general3A {dimension_numbers = #tpu.dot_dimension_numbers<[1], [0], [0], [1], [0, 0, 1, 1], [], []>, transpose_lhs_hint = false} : vector<128x128xf32>, vector<128x128xf32>, vector<128x128xf32> -> vector<128x128xf32>
    %get3A_18 = arith.constant 0 : index
    %get3A_19 = arith.constant 0 : index
    %get3A_20 = vector.load %arg4[%get3A_18, %get3A_19] : memref<8x128xf32, #tpu.memory_space<vmem>>, vector<1x128xf32>
    %add3A_21 = vector.broadcast %get3A_20 : vector<1x128xf32> to vector<128x128xf32>
    %add3A_22 = arith.addf %dot_general3A_17, %add3A_21 : vector<128x128xf32>
    %swap3A = arith.constant 0 : index
    %swap3A_23 = arith.constant 0 : index
    %swap3A_24 = vector.load %arg5[%swap3A, %swap3A_23] : memref<128x128xf32, #tpu.memory_space<vmem>>, vector<128x128xf32>
    tpu.vector_store %arg5[%swap3A, %swap3A_23], %add3A_22 {strides = array<i32>} : memref<128x128xf32, #tpu.memory_space<vmem>>, vector<128x128xf32>,
    return
  }
  func.func @transform_0(%arg0: i32) -> (i32, i32) {
    %c0_i32 = arith.constant 0 : i32
    %c0_i32_0 = arith.constant 0 : i32
    return %arg0, %c0_i32 : i32, i32
  }
  func.func @transform_1(%arg0: i32) -> (i32, i32) {
    %c0_i32 = arith.constant 0 : i32
    %c0_i32_0 = arith.constant 0 : i32
    return %arg0, %c0_i32 : i32, i32
  }
  func.func @transform_2(%arg0: i32) -> (i32, i32) {
    %c0_i32 = arith.constant 0 : i32
    %c0_i32_0 = arith.constant 0 : i32
    %c0_i32_1 = arith.constant 0 : i32
    return %c0_i32, %c0_i32_0 : i32, i32
  }
  func.func @transform_3(%arg0: i32) -> (i32, i32) {
    %c0_i32 = arith.constant 0 : i32
    %c0_i32_0 = arith.constant 0 : i32
    %c0_i32_1 = arith.constant 0 : i32
    return %c0_i32, %c0_i32_0 : i32, i32
  }
  func.func @transform_4(%arg0: i32) -> (i32, i32) {
    %c0_i32 = arith.constant 0 : i32
    %c0_i32_0 = arith.constant 0 : i32
    return %arg0, %c0_i32 : i32, i32
  }
}

module attributes {stable_mosaic.version = 14 : i64} {
  func.func @_att_body(%arg0: memref<86x120x128xf32, #tpu.memory_space<vmem>>, %arg1: memref<86x120xf32, #tpu.memory_space<vmem>>, %arg2: memref<86x120x128xf32, #tpu.memory_space<vmem>>) attributes {dimension_semantics = [], scalar_prefetch = 0 : i64, scratch_operands = 0 : i64, tpu.core_type = #tpu.core_type<tc>} {
    %get3A = arith.constant 0 : index
    %get3A_0 = arith.constant 0 : index
    %get3A_1 = arith.constant 0 : index
    %get3A_2 = vector.load %arg0[%get3A, %get3A_0, %get3A_1] : memref<86x120x128xf32, #tpu.memory_space<vmem>>, vector<86x120x128xf32>
    %reduce_sum3A = arith.constant dense<0.000000e+00> : vector<86x120xf32>
    %reduce_sum3A_3 = vector.multi_reduction <add>, %get3A_2, %reduce_sum3A [2] : vector<86x120x128xf32> to vector<86x120xf32>
    %mul3A = arith.constant 8.620690e-03 : f32
    %mul3A_4 = vector.broadcast %mul3A : f32 to vector<86x120xf32>
    %mul3A_5 = arith.mulf %reduce_sum3A_3, %mul3A_4 : vector<86x120xf32>
    %iota3A = tpu.iota {dimensions = array<i32: 1>} : vector<86x120xi32>
    %lt3A = arith.constant 116 : i32
    %lt3A_6 = vector.broadcast %lt3A : i32 to vector<86x120xi32>
    %lt3A_7 = arith.cmpi slt, %iota3A, %lt3A_6 : vector<86x120xi32>
    %jit3A = arith.constant 0xFF800000 : f32
    %broadcast_in_dim3A = vector.broadcast %jit3A : f32 to vector<86x120xf32>
    %select_n3A = arith.select %lt3A_7, %mul3A_5, %broadcast_in_dim3A : vector<86x120xi1>, vector<86x120xf32>
    %reduce_max3A = arith.constant dense<0xFF800000> : vector<86xf32>
    %reduce_max3A_8 = vector.multi_reduction <maximumf>, %select_n3A, %reduce_max3A [1] : vector<86x120xf32> to vector<86xf32>
    %broadcast_in_dim3A_9 = vector.shape_cast %reduce_max3A_8 : vector<86xf32> to vector<86x1xf32>
    %sub3A = vector.broadcast %broadcast_in_dim3A_9 : vector<86x1xf32> to vector<86x120xf32>
    %sub3A_10 = arith.subf %select_n3A, %sub3A : vector<86x120xf32>
    %exp3A = math.exp %sub3A_10 : vector<86x120xf32>
    %reduce_sum3A_11 = arith.constant dense<0.000000e+00> : vector<86xf32>
    %reduce_sum3A_12 = vector.multi_reduction <add>, %exp3A, %reduce_sum3A_11 [1] : vector<86x120xf32> to vector<86xf32>
    %broadcast_in_dim3A_13 = vector.shape_cast %reduce_sum3A_12 : vector<86xf32> to vector<86x1xf32>
    %add3A = arith.constant 1.000000e-16 : f32
    %add3A_14 = vector.broadcast %add3A : f32 to vector<86x1xf32>
    %add3A_15 = arith.addf %broadcast_in_dim3A_13, %add3A_14 : vector<86x1xf32>
    %div3A = vector.broadcast %add3A_15 : vector<86x1xf32> to vector<86x120xf32>
    %div3A_16 = arith.divf %exp3A, %div3A : vector<86x120xf32>
    %swap3A = arith.constant 0 : index
    %swap3A_17 = arith.constant 0 : index
    %swap3A_18 = vector.load %arg1[%swap3A, %swap3A_17] : memref<86x120xf32, #tpu.memory_space<vmem>>, vector<86x120xf32>
    tpu.vector_store %arg1[%swap3A, %swap3A_17], %div3A_16 {strides = array<i32>} : memref<86x120xf32, #tpu.memory_space<vmem>>, vector<86x120xf32>,
    %broadcast_in_dim3A_19 = vector.shape_cast %div3A_16 : vector<86x120xf32> to vector<86x120x1xf32>
    %mul3A_20 = vector.broadcast %broadcast_in_dim3A_19 : vector<86x120x1xf32> to vector<86x120x128xf32>
    %mul3A_21 = arith.mulf %mul3A_20, %get3A_2 : vector<86x120x128xf32>
    %swap3A_22 = arith.constant 0 : index
    %swap3A_23 = arith.constant 0 : index
    %swap3A_24 = arith.constant 0 : index
    %swap3A_25 = vector.load %arg2[%swap3A_22, %swap3A_23, %swap3A_24] : memref<86x120x128xf32, #tpu.memory_space<vmem>>, vector<86x120x128xf32>
    tpu.vector_store %arg2[%swap3A_22, %swap3A_23, %swap3A_24], %mul3A_21 {strides = array<i32>} : memref<86x120x128xf32, #tpu.memory_space<vmem>>, vector<86x120x128xf32>,
    return
  }
}

</mosaic_0001>

<sc_bundles>
// kernel: kernel.6.cloned.1.call-start
scs
__scs_entry_jumppad:
0x0: {  	(pc) =	sbr.rel $0x88, $3  }
0x1: {  	(tag) =	ssettag $0x0;
	lr =	simm.s32 $0x1  }
0x2: {  	[smem:$0x3F97] =	sst lr;
	_ =	strace $0xD0000000  }
0x3: {  	_ = 	snop  }
0x4: {  	_ = 	snop  }
0x5: {  	_ = 	snop  }
0x6: {  	_ = 	snop  }
0x7: {  	_ = 	snop  }
__scs_overlays_trampoline_lowered:
0x8: {  	[smem:$0x3FA6] =	sst s0  }
0x9: {  	[smem:$0x3FA7] =	sst s1  }
0xa: {  	[smem:$0x3FA8] =	sst s2  }
0xb: {  	[smem:$0x3FA9] =	sst s3  }
0xc: {  	[smem:$0x3FAA] =	sst s4  }
0xd: {  	[smem:$0x3FAB] =	sst s5  }
0xe: {  	[smem:$0x3FAC] =	sst s6  }
0xf: {  	[smem:$0x3FAD] =	sst s7  }
0x10: {  	[smem:$0x3FAE] =	sst s8  }
0x11: {  	[smem:$0x3FAF] =	sst s9;
	s0 =	simm.s32 @!p0 $0x0  }
0x12: {  	s1 =	sld [smem:$0x3F95];
	s0 =	simm.s32 @p0 $0x1  }
0x13: {  	[smem:$0x3FB0] =	sst s0;
	s0 =	simm.s32 @!p1 $0x0  }
0x14: {  	s2 =	sld [smem:$0x3F94];
	s0 =	simm.s32 @p1 $0x1  }
0x15: {  	[smem:$0x3FB1] =	sst s0;
	s0 =	simm.s32 @!p2 $0x0  }
0x16: {  	s3 =	sld [smem:$0x3FDB];
	s0 =	simm.s32 @p2 $0x1  }
0x17: {  	s4 =	simm.s32 $0x1BF5;
	[smem:$0x3FB3] =	sst s0  }
0x18: {  	s0 =	sld [smem:$0x3F96];
	_ =	swait.ge [sflag:s4], $0x0  }
0x19: {  	s7 =	sld [smem:$0x3F97]  }
0x1a: {  	s8 =	sadd.s32 $0xFFFFE003, lr  }
0x1b: {  	s9 =	sadd.s32 $0xFFFFFEF7, lr;
	s5 =	simm.s32 $0xFFFFFFFF;
	p2 =	slt.u32 s8, $0xFFFFF086  }
0x1c: {  	p1 =	slt.u32 s9, $0xF7A;
	s5 =	simm.s32 @!p2 $0x0  }
0x1d: {  	s5 =	simm.s32 @p1 $0x1;
	p0 =	seq.s32 s7, s2  }
0x1e: {  	s7 =	smul.u32 @!p0 $0xF7A, s2;
	p2 =	seq.s32 @!p0 s5, $0x0  }
0x1f: {  	s9 =	smul.u32 $0xF7A, s1;
	s8 =	simm.s32 @!p0 $0x1BF5;
	p2 =	por !p2, p0  }
0x20: {  	[sflag:s8] =	ssyncset.s32 @!p0 $0xFFFFF086;
	s6 =	sadd.s32 @!p0 s3, s7;
	s7 =	simm.s32 @!p0 $0x108  }
0x21: {  	s3 =	sadd.s32 s3, s9;
	s6 =	sadd.s32 @!p0 $0x88, s6;
	s7 =	simm.s32 @p2 $0x1082  }
0x22: {  	[simem:s7], [sflag:s8] =	dma.local @!p0 [hbm:s6], $0xF7A  }
0x23: {  	s9 =	sor.u32 $0xD0000000, s2;
	s6 =	simm.s32 $0x108;
	_ =	swait.ge @!p0 [sflag:s8], $0x0  }
0x24: {  	s3 =	sadd.s32 $0x88, s3;
	s6 =	simm.s32 @!p1 $0x1082;
	[sflag:s4] =	ssyncset.s32 $0xFFFFF086  }
0x25: {  	[simem:s6], [sflag:s4] =	dma.local [hbm:s3], $0xF7A  }
0x26: {  	[smem:$0x3F97] =	sst s1;
	(tag) =	ssettag s2;
	_ =	strace s9  }
0x27: {  	s1 =	sld [smem:$0x3FA7]  }
0x28: {  	s2 =	sld [smem:$0x3FA8]  }
0x29: {  	s4 =	sld [smem:$0x3FAA]  }
0x2a: {  	p0 =	seq.s32 s5, $0x0;
	s5 =	sld [smem:$0x3FAB]  }
0x2b: {  	s6 =	sld [smem:$0x3FAC]  }
0x2c: {  	s7 =	sld [smem:$0x3FAD]  }
0x2d: {  	s3 =	simm.s32 $0x108;
	s8 =	sld [smem:$0x3FAE]  }
0x2e: {  	s3 =	simm.s32 @!p0 $0x1082;
	s9 =	sld [smem:$0x3FAF]  }
0x2f: {  	lr =	sadd.s32 s0, s3;
	s0 =	sld [smem:$0x3FA6]  }
0x30: {  	s3 =	sld [smem:$0x3FA9]  }
0x31: {  	[smem:$0x3FB2] =	sst s10  }
0x32: {  	s10 =	sld [smem:$0x3FB0];
	_ =	sdelay $0x3  }
0x33: {  	p0 =	seq.s32 s10, $0x1;
	s10 =	sld [smem:$0x3FB2];
	_ =	sdelay $0x3  }
0x34: {  	[smem:$0x3FB2] =	sst s10  }
0x35: {  	s10 =	sld [smem:$0x3FB1];
	_ =	sdelay $0x3  }
0x36: {  	p1 =	seq.s32 s10, $0x1;
	s10 =	sld [smem:$0x3FB2];
	_ =	sdelay $0x3  }
0x37: {  	[smem:$0x3FB2] =	sst s10  }
0x38: {  	s10 =	sld [smem:$0x3FB3]  }
0x39: {  	_ = 	snop;
	(pc) =	sbr.ind lr, $3  }
0x3a: {  	_ = 	snop  }
0x3b: {  	_ = 	snop  }
0x3c: {  	p2 =	seq.s32 s10, $0x1;
	s10 =	sld [smem:$0x3FB2]  }
0x3d: {  	_ =	shalt  }
0x3e: {  	_ =	shalt  }
0x3f: {  	_ =	shalt  }
0x40: {  	_ =	shalt  }
0x41: {  	_ =	shalt  }
0x42: {  	_ =	shalt  }
0x43: {  	_ =	shalt  }
0x44: {  	_ =	shalt  }
0x45: {  	_ =	shalt  }
0x46: {  	_ =	shalt  }
0x47: {  	_ =	shalt  }
0x48: {  	_ =	shalt  }
0x49: {  	_ =	shalt  }
0x4a: {  	_ =	shalt  }
0x4b: {  	_ =	shalt  }
0x4c: {  	_ =	shalt  }
0x4d: {  	_ =	shalt  }
0x4e: {  	_ =	shalt  }
0x4f: {  	_ =	shalt  }
0x50: {  	_ =	shalt  }
0x51: {  	_ =	shalt  }
0x52: {  	_ =	shalt  }
0x53: {  	_ =	shalt  }
0x54: {  	_ =	shalt  }
0x55: {  	_ =	shalt  }
0x56: {  	_ =	shalt  }
0x57: {  	_ =	shalt  }
0x58: {  	_ =	shalt  }
0x59: {  	_ =	shalt  }
0x5a: {  	_ =	shalt  }
0x5b: {  	_ =	shalt  }
0x5c: {  	_ =	shalt  }
0x5d: {  	_ =	shalt  }
0x5e: {  	_ =	shalt  }
0x5f: {  	_ =	shalt  }
0x60: {  	_ =	shalt  }
0x61: {  	_ =	shalt  }
0x62: {  	_ =	shalt  }
0x63: {  	_ =	shalt  }
0x64: {  	_ =	shalt  }
0x65: {  	_ =	shalt  }
0x66: {  	_ =	shalt  }
0x67: {  	_ =	shalt  }
0x68: {  	_ =	shalt  }
0x69: {  	_ =	shalt  }
0x6a: {  	_ =	shalt  }
0x6b: {  	_ =	shalt  }
0x6c: {  	_ =	shalt  }
0x6d: {  	_ =	shalt  }
0x6e: {  	_ =	shalt  }
0x6f: {  	_ =	shalt  }
0x70: {  	_ =	shalt  }
0x71: {  	_ =	shalt  }
0x72: {  	_ =	shalt  }
0x73: {  	_ =	shalt  }
0x74: {  	_ =	shalt  }
0x75: {  	_ =	shalt  }
0x76: {  	_ =	shalt  }
0x77: {  	_ =	shalt  }
0x78: {  	_ =	shalt  }
0x79: {  	_ =	shalt  }
0x7a: {  	_ =	shalt  }
0x7b: {  	_ =	shalt  }
0x7c: {  	_ =	shalt  }
0x7d: {  	_ =	shalt  }
0x7e: {  	_ =	shalt  }
0x7f: {  	_ =	shalt  }
0x80: {  	_ =	shalt  }
0x81: {  	_ =	shalt  }
0x82: {  	_ =	shalt  }
0x83: {  	_ =	shalt  }
0x84: {  	_ =	shalt  }
0x85: {  	_ =	shalt  }
0x86: {  	_ =	shalt  }
0x87: {  	_ =	shalt  }
.Lfunc_end0:
.L_simem_size_0:
called_computation_lowered:
.L_overlay_start_0:
0x88: {  	s2 =	sld [smem:$0x3FD9]  }
0x89: {  	s3 =	sld [smem:$0x3FFE];
	_ =	sdelay $0x1  }
0x8a: {  	s1 =	srdreg.scid  }
0x8b: {  	s0 =	sand.u32 $0x1, s1  }
0x8c: {  	s14 =	sshll.u32 s0, $0xA;
	s2 =	sadd.s32 s3, s2  }
0x8d: {  	s2 =	sadd.s32 s2, s14  }
0x8e: {  	[smem:$0x3FBE] =	sst s2  }
0x8f: {  	_ = 	snop  }
0x90: {  	s2 =	sld [smem:$0x3FD0];
	_ =	sdelay $0x2  }
0x91: {  	s15 =	simm.s32 $0xA;
	s4 =	simm.s32 $0x10  }
0x92: {  	[smem:s4], [sflag:s15] =	dma.local [hbm:s2], $0x1  }
0x93: {  	_ =	swait.eq [sflag:s15], $0x1  }
0x94: {  	[sflag:s15] =	ssyncset.done $0x0  }
0x95: {  	[sflag:s15] =	ssyncadd.s32 $0xFFFFFFFF  }
0x96: {  	s16 =	sld [smem:$0x11];
	(tm) =	ssettm $0x1  }
0x97: {  	s17 =	sld [smem:$0x3FFB];
	_ =	sdelay $0x3  }
0x98: {  	_ =	strace s17  }
0x99: {  	s3 =	sld [smem:$0x3FFC];
	_ =	sdelay $0x3  }
0x9a: {  	_ =	strace s3  }
0x9b: {  	s3 =	sld [smem:$0x3FFD];
	_ =	sdelay $0x3  }
0x9c: {  	_ =	strace s3  }
0x9d: {  	_ =	strace $0x8FFFFFFF  }
0x9e: {  	s18 =	sld [smem:$0x3FDB];
	_ =	sdelay $0x1  }
0x9f: {  	s19 =	simm.s32 $_scs_section_size  }
0xa0: {  	s5 =	simm.s32 $_size__tile_overlayer_lowered;
	s6 =	simm.s32 $_tile_overlayer_lowered  }
0xa1: {  	s22 =	simm.s32 $0x1BFF;
	s21 =	sshll.u32 s6, $0x1;
	s3 =	sadd.s32 s19, s18  }
0xa2: {  	s7 =	simm.s32 $0x0;
	s20 =	sshll.u32 s5, $0x1;
	s5 =	sadd.s32 s21, s3  }
0xa3: {  	[timem:s7], [sflag:s22] =	dma.local [hbm:s5], s20  }
0xa4: {  	_ =	swait.ge [sflag:s22], s20  }
0xa5: {  	s4 =	ssub.s32 $0x0, s20;
	[sflag:s22] =	ssyncset.done $0x0  }
0xa6: {  	[sflag:s22] =	ssyncadd.s32 s4;
	_ =	sdelay $0x1  }
0xa7: {  	s23 =	simm.s32 $0x1B8B  }
0xa8: {  	_ =	swait.ge [sflag:s23], $0x1  }
0xa9: {  	[sflag:s23] =	ssyncset.done $0x0  }
0xaa: {  	s25 =	simm.s32 $0x1B8E;
	s24 =	sld [smem:$0x3FFE];
	[sflag:s23] =	ssyncadd.s32 $0xFFFFFFFF  }
0xab: {  	s26 =	simm.s32 $execute0_lowered;
	[smem:$0x3FD2] =	sst s25  }
0xac: {  	s5 =	sshll.u32 s26, $0x1;
	_ =	strace $0x80000046;
	[dreg:$0x1] =	wrdreg $0xFFFFFFFF  }
0xad: {  	s28 =	simm.s32 $_size_execute0_lowered;
	s3 =	sadd.s32 s3, s5;
	[dreg:$0x0] =	wrdreg $0x0  }
0xae: {  	s5 =	sshll.u32 s28, $0x1;
	[dreg:$0x2] =	wrdreg s3  }
0xaf: {  	[dreg:$0x3] =	wrdreg s5  }
0xb0: {  	[dreg:$0x4] =	wrdreg $0xC0  }
0xb1: {  	_ =	task [dreg:s7], $0x5FFFF  }
0xb2: {  	[dreg:$0x1] =	wrdreg $0xFFFFFFFF  }
0xb3: {  	[dreg:$0x0] =	wrdreg $0x60  }
0xb4: {  	[dreg:$0x2] =	wrdreg s24  }
0xb5: {  	[dreg:$0x3] =	wrdreg s16  }
0xb6: {  	[dreg:$0x4] =	wrdreg $0xC3000  }
0xb7: {  	[dreg:$0x5] =	wrdreg $0x9  }
0xb8: {  	_ =	task.clear_ibuf [dreg:s7], $0x6FFFF;
	_ =	strace $0x90000046  }
0xb9: {  	s29 =	simm.s32 $0x9;
	_ =	strace $0x80000048  }
0xba: {  	_ =	swait.ge [sflag:s29], $0x1  }
0xbb: {  	[sflag:s29] =	ssyncadd.s32 $0xFFFFFFFF  }
0xbc: {  	_ =	strace $0x90000048  }
0xbd: {  	_ =	sfence  }
0xbe: {  	s30 =	sld [smem:$0x0];
	_ =	sdelay $0x2  }
0xbf: {  	s31 =	sshll.u32 s1, $0xD;
	s1 =	sshrl.u32 s1, $0x2  }
0xc0: {  	s3 =	sand.u32 $0x4000, s31;
	s1 =	sadd.s32 s1, s30  }
0xc1: {  	s0 =	sor.u32 s3, s0;
	s1 =	sshll.u32 s1, $0x11  }
0xc2: {  	s0 =	sor.u32 s1, s0  }
0xc3: {  	s0 =	sadd.s32 $0x8F2B, s0  }
0xc4: {  	[sflag:s0] =	ssyncadd.remote.s32 $0x1  }
0xc5: {  	_ =	sfence.sel $0xFFFF  }
0xc6: {  	[dreg:$0x0] =	wrdreg $0xFFFFFFFF;
	(pc) =	sbr.abs _section_cstart, $3  }
0xc7: {  	[dreg:$0x1] =	wrdreg $0xFFFFFFFF  }
0xc8: {  	_ =	task.clear_ibuf [dreg:s7], $0x2FFFF;
	_ =	strace $0x9FFFFFFF  }
0xc9: {  	(tm) =	ssettm $0x7FFFFFFF  }
tec
execute0_lowered:
.L_overlay_start_1:
0x0: {  	(tag) =	ssettag $0x1  }
0x1: {  	s0 =	rddreg [dreg:$0x0]  }
0x2: {  	s1 =	rddreg [dreg:$0x1]  }
0x3: {  	s2 =	rddreg [dreg:$0x2]  }
0x4: {  	s4 =	simm.s32 $0x0;
	s12 =	stileid.u32;
	s3 =	srdreg.scid  }
0x5: {  	s21 =	simm.s32 $0x40;
	s22 =	simm.s32 $0x300;
	s18 =	simm.s32 $0xBB00  }
0x6: {  	s19 =	simm.s32 $0x1;
	s23 =	simm.s32 $0x200;
	s28 =	simm.s32 $0x3  }
0x7: {  	[smem:$0x7FF] =	sst s4;
	s5 =	sadd.s32 $0x63A00, s0;
	s6 =	sadd.s32 $0x15A00, s0  }
0x8: {  	s8 =	smul.u32 $0x2700, s12;
	s3 =	sand.u32 $0x1, s3;
	s7 =	sadd.s32 $0x1A00, s0  }
0x9: {  	s9 =	smul.u32 $0x4E000, s12;
	s25 =	sshll.u32 s12, $0x6;
	_ =	strace $0x80000047  }
0xa: {  	v0 =	vimm.s32 $0xEFCDAB89;
	s10 =	sshll.u32 s3, $0x4;
	s24 =	ssub.s32 $0x2, s3;
	p0 =	seq.s32 s3, $0x1  }
0xb: {  	v1 =	vimm.s32 $0x67452301;
	v2 =	vimm.s32 $0xDCFE98BA;
	s3 =	simm.s32 $0xD8A00;
	s0 =	sadd.s32 s8, s0;
	s10 =	sor.u32 s12, s10  }
0xc: {  	v3 =	vimm.s32 $0x54761032;
	v0 =	vunpack.c.l.s4.s8 v0;
	v1 =	vunpack.c.l.s4.s8 v1;
	s11 =	sshrl.u32 s24, $0x1;
	s9 =	sshrl.u32 s9, $0x2;
	s12 =	sor.u32 $0x1C07, s25  }
0xd: {  	v4 =	vimm.s32 $0xBA98FEDC;
	v5 =	vimm.s32 $0x32107654;
	v2 =	vunpack.c.l.s4.s8 v2;
	s3 =	simm.s32 @!p0 $0xB1A00;
	s25 =	simm.s32 $0x2;
	s10 =	smul.u32 $0x5000, s10  }
0xe: {  	v3 =	vunpack.c.l.s4.s8 v3;
	v0 =	vunpack.c.0.s8.s32 v0;
	v1 =	vunpack.c.0.s8.s32 v1;
	s8 =	ssub.s32 s24, s11;
	s9 =	sadd.s32 s9, s2;
	s26 =	sadd.s32 $0x8AA00, s0  }
0xf: {  	v6 =	vlaneseq.u32;
	v4 =	vunpack.c.l.s4.s8 v4;
	v5 =	vunpack.c.l.s4.s8 v5;
	s0 =	sadd.s32 s3, s0;
	s3 =	simm.s32 $0x180;
	[dreg:$0x5] =	wrdreg s12  }
0x10: {  	s24 =	simm.s32 $0x5;
	[dreg:$0x4] =	wrdreg s26;
	s8 =	smax.u32 s8, $0x1;
	v7 =	vcombine.low v1, v0;
	v0 =	vunpack.c.0.s8.s32 v2;
	v1 =	vunpack.c.0.s8.s32 v3  }
0x11: {  	[dreg:$0xb] =	wrdreg s0;
	v2 =	vunpack.c.0.s8.s32 v4;
	v3 =	vunpack.c.0.s8.s32 v5;
	v4 =	vimm.s32 $0xFEDCBA98;
	s29 =	sshrl.u32 s10, $0x3;
	s14 =	sor.u32 $0x80, s10  }
0x12: {  	s15 =	sor.u32 $0xC0, s10;
	[dreg:$0xa] =	wrdreg s8;
	s10 =	sshrl.u32 s9, $0x3;
	v4 =	vunpack.c.l.s4.s8 v4;
	v5 =	vcombine.low v1, v0;
	v0 =	vimm.s32 $0x76543210  }
0x13: {  	vm0 =	vmmov $0xffff;
	s0 =	simm.s32 $0x4;
	s13 =	sadd.s32 s1, s29;
	v8 =	vcombine.low v3, v2;
	[dreg:$0xc] =	wrdreg s10;
	v3 =	vunpack.c.l.s4.s8 v0  }
0x14: {  	vm1 =	vcmask $0x272C;
	s30 =	sadd.s32 s7, s29;
	s11 =	sor.u32 $0x8, s29;
	v1 =	vshrl.u32 v6, $0x3;
	[dreg:$0x6] =	wrdreg s13;
	v9 =	vunpack.c.0.s8.s32 v4  }
0x15: {  	s26 =	simm.s32 $0x280;
	v2 =	vor.u32 $0x8, v6;
	[dreg:$0x7] =	wrdreg s30;
	s31 =	sadd.s32 s1, s11;
	v0 =	vand.u32 $0x7, v6;
	v6 =	vunpack.c.0.s8.s32 v3  }
0x16: {  	s8 =	simm.s32 $0x6300;
	s11 =	sadd.s32 s7, s11;
	v1 =	vmul.u32 $0x8, v1;
	[dreg:$0x8] =	wrdreg s31;
	v3 =	vand.u32 $0xF, v7;
	v7 =	vand.u32 $0xF, v9  }
0x17: {  	s13 =	simm.s32 $0x0;
	[dreg:$0x9] =	wrdreg s11;
	s11 =	simm.s32 $0x7;
	v4 =	vand.u32 $0xF, v5;
	v5 =	vand.u32 $0xF, v8;
	v6 =	vcombine.low v7, v6  }
.LBB2_1:
0x18: {  	[dreg:$0xd] =	wrdreg s13  }
0x19: {  	s9 =	rddreg [dreg:$0x4]  }
0x1a: {  	[spmem:s10], [sflag:s12] =	dma.local [hbm:s9], $0x2700  }
0x1b: {  	_ =	swait.ge [sflag:s11], $0x2700  }
0x1c: {  	[sflag:s11] =	ssyncset.done $0x0  }
0x1d: {  	[sflag:s11] =	ssyncadd.s32 $0xFFFFD900  }
0x1e: {  	[bflag:$0x0] =	sbarrier.arrive $0xFFFF  }
0x1f: {  	s16 =	rddreg [dreg:$0x6]  }
0x20: {  	[tilespmem:s4], [sflag:$0x7] =	stream.linear.gather [hbm4b:s16+s4], $0x40, $0x38;
	[tilespmem:$0x1FB00] =	vst v63  }
0x21: {  	_ =	swait.ge [sflag:s11], $0x40  }
0x22: {  	[sflag:s11] =	ssyncset.done $0x0  }
0x23: {  	s20 =	simm.s32 $0x80;
	s17 =	rddreg [dreg:$0x7];
	[sflag:s11] =	ssyncadd.s32 $0xFFFFFFC0  }
0x24: {  	[tilespmem:s20], [sflag:$0x7] =	stream.linear.gather [hbm4b:s17+s4], $0x40, $0x38;
	[tilespmem:$0x1FB00] =	vst v63  }
0x25: {  	_ =	swait.ge [sflag:s11], $0x40  }
0x26: {  	[sflag:s11] =	ssyncset.done $0x0  }
0x27: {  	[sflag:s11] =	ssyncadd.s32 $0xFFFFFFC0  }
0x28: {  	[tilespmem:s22], [sflag:$0x1] =	stream.indirect.gather [hbm4b:s5+s21], $0x80, s20, s21, $0xb8;
	[tilespmem:$0x1FB00] =	vst v63  }
0x29: {  	v7 =	vld [tilespmem:$0x0];
	_ =	sdelay $0x4  }
0x2a: {  	v8 =	vshll.u32 v7, $0x1  }
0x2b: {  	v7 =	vand.u32 $0x7, v7;
	v8 =	vand.u32 $0xFFFFFFF0, v8  }
0x2c: {  	v7 =	vor.u32 v7, v8  }
0x2d: {  	v8 =	vperm.xlane v7, v0;
	_ =	sdelay $0x1  }
0x2e: {  	v7 =	vperm.xlane v7, v2;
	v8 =	vadd.s32 v1, v8;
	_ =	sdelay $0x1  }
0x2f: {  	v7 =	vadd.s32 v1, v7;
	_ =	sdelay $0x1  }
0x30: {  	s30 =	simm.s32 $0x2300  }
0x31: {  	[tilespmem:s30], [sflag:$0x1] =	stream.indirect_vreg.gather [hbm4b:s6+s4], $0x80, v8, vm0, $0xb8;
	[tilespmem:$0x1FB00] =	vst v63  }
0x32: {  	s31 =	simm.s32 $0x2B00  }
0x33: {  	[tilespmem:s31], [sflag:$0x1] =	stream.indirect_vreg.gather [hbm4b:s6+s4], $0x80, v7, vm0, $0xb8;
	[tilespmem:$0x1FB00] =	vst v63  }
0x34: {  	v7 =	vld [tilespmem:$0x10];
	_ =	sdelay $0x4  }
0x35: {  	v8 =	vshll.u32 v7, $0x1  }
0x36: {  	v7 =	vand.u32 $0x7, v7;
	v8 =	vand.u32 $0xFFFFFFF0, v8  }
0x37: {  	v7 =	vor.u32 v7, v8  }
0x38: {  	v8 =	vperm.xlane v7, v0;
	_ =	sdelay $0x1  }
0x39: {  	v7 =	vperm.xlane v7, v2;
	v8 =	vadd.s32 v1, v8;
	_ =	sdelay $0x1  }
0x3a: {  	v7 =	vadd.s32 v1, v7;
	_ =	sdelay $0x1  }
0x3b: {  	s10 =	simm.s32 $0x3300  }
0x3c: {  	[tilespmem:s10], [sflag:$0x1] =	stream.indirect_vreg.gather [hbm4b:s6+s4], $0x80, v8, vm0, $0xb8;
	[tilespmem:$0x1FB00] =	vst v63  }
0x3d: {  	s11 =	simm.s32 $0x3B00  }
0x3e: {  	[tilespmem:s11], [sflag:$0x1] =	stream.indirect_vreg.gather [hbm4b:s6+s4], $0x80, v7, vm0, $0xb8;
	[tilespmem:$0x1FB00] =	vst v63  }
0x3f: {  	v7 =	vld [tilespmem:$0x20];
	_ =	sdelay $0x4  }
0x40: {  	v8 =	vshll.u32 v7, $0x1  }
0x41: {  	v7 =	vand.u32 $0x7, v7;
	v8 =	vand.u32 $0xFFFFFFF0, v8  }
0x42: {  	v7 =	vor.u32 v7, v8  }
0x43: {  	v8 =	vperm.xlane v7, v0;
	_ =	sdelay $0x1  }
0x44: {  	v7 =	vperm.xlane v7, v2;
	v8 =	vadd.s32 v1, v8;
	_ =	sdelay $0x1  }
0x45: {  	v7 =	vadd.s32 v1, v7;
	_ =	sdelay $0x1  }
0x46: {  	s12 =	simm.s32 $0x4300  }
0x47: {  	[tilespmem:s12], [sflag:$0x1] =	stream.indirect_vreg.gather [hbm4b:s6+s4], $0x80, v8, vm0, $0xb8;
	[tilespmem:$0x1FB00] =	vst v63  }
0x48: {  	s13 =	simm.s32 $0x4B00  }
0x49: {  	[tilespmem:s13], [sflag:$0x1] =	stream.indirect_vreg.gather [hbm4b:s6+s4], $0x80, v7, vm0, $0xb8;
	[tilespmem:$0x1FB00] =	vst v63  }
0x4a: {  	v7 =	vld [tilespmem:$0x30];
	_ =	sdelay $0x4  }
0x4b: {  	v8 =	vshll.u32 v7, $0x1  }
0x4c: {  	v7 =	vand.u32 $0x7, v7;
	v8 =	vand.u32 $0xFFFFFFF0, v8  }
0x4d: {  	v7 =	vor.u32 v7, v8  }
0x4e: {  	v8 =	vperm.xlane v7, v0;
	_ =	sdelay $0x1  }
0x4f: {  	v7 =	vperm.xlane v7, v2;
	v8 =	vadd.s32 v1, v8;
	_ =	sdelay $0x1  }
0x50: {  	v7 =	vadd.s32 v1, v7;
	_ =	sdelay $0x1  }
0x51: {  	s16 =	simm.s32 $0x5300  }
0x52: {  	[tilespmem:s16], [sflag:$0x1] =	stream.indirect_vreg.gather [hbm4b:s6+s4], $0x80, v8, vm0, $0xb8;
	[tilespmem:$0x1FB00] =	vst v63  }
0x53: {  	s17 =	simm.s32 $0x5B00  }
0x54: {  	[tilespmem:s17], [sflag:$0x1] =	stream.indirect_vreg.gather [hbm4b:s6+s4], $0x80, v7, vm0, $0xb8;
	[tilespmem:$0x1FB00] =	vst v63  }
0x55: {  	s20 =	rddreg [dreg:$0x8];
	s30 =	simm.s32 $0x100  }
0x56: {  	[tilespmem:s30], [sflag:$0x4] =	stream.linear.gather [hbm4b:s20+s4], $0x40, $0x38;
	[tilespmem:$0x1FB00] =	vst v63  }
0x57: {  	s29 =	simm.s32 $0x0;
	s31 =	rddreg [dreg:$0x9]  }
0x58: {  	[tilespmem:s3], [sflag:$0x4] =	stream.linear.gather [hbm4b:s31+s4], $0x40, $0x38;
	[tilespmem:$0x1FB00] =	vst v63  }
.LBB2_2:
0x59: {  	_ =	swait.ge [sflag:s0], $0x40  }
0x5a: {  	[sflag:s0] =	ssyncset.done $0x0  }
0x5b: {  	[sflag:s0] =	ssyncadd.s32 $0xFFFFFFC0  }
0x5c: {  	_ =	swait.ge [sflag:s0], $0x40  }
0x5d: {  	p0 =	seq.s32 s29, $0x0;
	[sflag:s0] =	ssyncset.done $0x0  }
0x5e: {  	s10 =	simm.s32 @!p0 $0x6;
	[sflag:s0] =	ssyncadd.s32 $0xFFFFFFC0  }
0x5f: {  	_ =	swait.ge @!p0 [sflag:s10], $0x2000  }
0x60: {  	[sflag:s10] =	ssyncset.done @!p0 $0x0  }
0x61: {  	[sflag:s10] =	ssyncadd.s32 @!p0 $0xFFFFE000  }
0x62: {  	[tilespmem:s8], [sflag:$0x2] =	stream.indirect.gather [hbm4b:s5+s21], $0x80, s3, s21, $0xb8;
	[tilespmem:$0x1FB00] =	vst v63  }
0x63: {  	v7 =	vld [tilespmem:$0x100];
	_ =	sdelay $0x4  }
0x64: {  	v8 =	vshll.u32 v7, $0x1  }
0x65: {  	v7 =	vand.u32 $0x7, v7;
	v8 =	vand.u32 $0xFFFFFFF0, v8  }
0x66: {  	v7 =	vor.u32 v7, v8  }
0x67: {  	v8 =	vperm.xlane v7, v0;
	_ =	sdelay $0x1  }
0x68: {  	v7 =	vperm.xlane v7, v2;
	v8 =	vadd.s32 v1, v8;
	_ =	sdelay $0x1  }
0x69: {  	v7 =	vadd.s32 v1, v7;
	_ =	sdelay $0x1  }
0x6a: {  	s9 =	simm.s32 $0x8300  }
0x6b: {  	[tilespmem:s9], [sflag:$0x2] =	stream.indirect_vreg.gather [hbm4b:s6+s4], $0x80, v8, vm0, $0xb8;
	[tilespmem:$0x1FB00] =	vst v63  }
0x6c: {  	s11 =	simm.s32 $0x8B00  }
0x6d: {  	[tilespmem:s11], [sflag:$0x2] =	stream.indirect_vreg.gather [hbm4b:s6+s4], $0x80, v7, vm0, $0xb8;
	[tilespmem:$0x1FB00] =	vst v63  }
0x6e: {  	v7 =	vld [tilespmem:$0x110];
	_ =	sdelay $0x4  }
0x6f: {  	v8 =	vshll.u32 v7, $0x1  }
0x70: {  	v7 =	vand.u32 $0x7, v7;
	v8 =	vand.u32 $0xFFFFFFF0, v8  }
0x71: {  	v7 =	vor.u32 v7, v8  }
0x72: {  	v8 =	vperm.xlane v7, v0;
	_ =	sdelay $0x1  }
0x73: {  	v7 =	vperm.xlane v7, v2;
	v8 =	vadd.s32 v1, v8;
	_ =	sdelay $0x1  }
0x74: {  	v7 =	vadd.s32 v1, v7;
	_ =	sdelay $0x1  }
0x75: {  	s12 =	simm.s32 $0x9300  }
0x76: {  	[tilespmem:s12], [sflag:$0x2] =	stream.indirect_vreg.gather [hbm4b:s6+s4], $0x80, v8, vm0, $0xb8;
	[tilespmem:$0x1FB00] =	vst v63  }
0x77: {  	s13 =	simm.s32 $0x9B00  }
0x78: {  	[tilespmem:s13], [sflag:$0x2] =	stream.indirect_vreg.gather [hbm4b:s6+s4], $0x80, v7, vm0, $0xb8;
	[tilespmem:$0x1FB00] =	vst v63  }
0x79: {  	v7 =	vld [tilespmem:$0x120];
	_ =	sdelay $0x4  }
0x7a: {  	v8 =	vshll.u32 v7, $0x1  }
0x7b: {  	v7 =	vand.u32 $0x7, v7;
	v8 =	vand.u32 $0xFFFFFFF0, v8  }
0x7c: {  	v7 =	vor.u32 v7, v8  }
0x7d: {  	v8 =	vperm.xlane v7, v0;
	_ =	sdelay $0x1  }
0x7e: {  	v7 =	vperm.xlane v7, v2;
	v8 =	vadd.s32 v1, v8;
	_ =	sdelay $0x1  }
0x7f: {  	v7 =	vadd.s32 v1, v7;
	_ =	sdelay $0x1  }
0x80: {  	s16 =	simm.s32 $0xA300  }
0x81: {  	[tilespmem:s16], [sflag:$0x2] =	stream.indirect_vreg.gather [hbm4b:s6+s4], $0x80, v8, vm0, $0xb8;
	[tilespmem:$0x1FB00] =	vst v63  }
0x82: {  	s17 =	simm.s32 $0xAB00  }
0x83: {  	[tilespmem:s17], [sflag:$0x2] =	stream.indirect_vreg.gather [hbm4b:s6+s4], $0x80, v7, vm0, $0xb8;
	[tilespmem:$0x1FB00] =	vst v63  }
0x84: {  	v7 =	vld [tilespmem:$0x130];
	_ =	sdelay $0x4  }
0x85: {  	v8 =	vshll.u32 v7, $0x1  }
0x86: {  	v7 =	vand.u32 $0x7, v7;
	v8 =	vand.u32 $0xFFFFFFF0, v8  }
0x87: {  	v7 =	vor.u32 v7, v8  }
0x88: {  	v8 =	vperm.xlane v7, v0;
	_ =	sdelay $0x1  }
0x89: {  	v7 =	vperm.xlane v7, v2;
	v8 =	vadd.s32 v1, v8;
	_ =	sdelay $0x1  }
0x8a: {  	v7 =	vadd.s32 v1, v7;
	_ =	sdelay $0x1  }
0x8b: {  	s20 =	simm.s32 $0xB300  }
0x8c: {  	[tilespmem:s20], [sflag:$0x2] =	stream.indirect_vreg.gather [hbm4b:s6+s4], $0x80, v8, vm0, $0xb8;
	[tilespmem:$0x1FB00] =	vst v63  }
0x8d: {  	_ = 	snop  }
0x8e: {  	[tilespmem:s18], [sflag:$0x2] =	stream.indirect_vreg.gather [hbm4b:s6+s4], $0x80, v7, vm0, $0xb8;
	[tilespmem:$0x1FB00] =	vst v63  }
0x8f: {  	_ =	swait.ge [sflag:s19], $0x2000  }
0x90: {  	[sflag:s19] =	ssyncset.done $0x0  }
0x91: {  	[sflag:s19] =	ssyncadd.s32 $0xFFFFE000  }
0x92: {  	_ =	swait.ge [sflag:s19], $0x4000  }
0x93: {  	[sflag:s19] =	ssyncset.done $0x0  }
0x94: {  	[sflag:s19] =	ssyncadd.s32 $0xFFFFC000  }
0x95: {  	v7 =	vld [tilespmem:$0x80]  }
0x96: {  	v8 =	vld [tilespmem:$0x90]  }
0x97: {  	v9 =	vld [tilespmem:$0xA0]  }
0x98: {  	v10 =	vld [tilespmem:$0xB0];
	_ =	sdelay $0x1  }
0x99: {  	s30 =	sshll.u32 s29, $0x7;
	p0 =	seq.s32 s29, $0x9F;
	[tilespmem:$0x200] =	vst v7  }
0x9a: {  	s10 =	sadd.s32 @!p0 s30, s14;
	[tilespmem:$0x210] =	vst v8  }
0x9b: {  	s31 =	simm.s32 $0x0;
	p1 =	por $0x0, $0x0;
	s10 =	sshrl.u32 @!p0 s10, $0x3;
	[tilespmem:$0x220] =	vst v9  }
0x9c: {  	s29 =	sadd.s32 $0x1, s29;
	s11 =	sadd.s32 @!p0 s1, s10;
	s12 =	simm.s32 @!p0 $0x0;
	[tilespmem:$0x230] =	vst v10  }
0x9d: {  	[tilespmem:s12], [sflag:$0x3] =	stream.linear.gather @!p0 [hbm4b:s11+s12], $0x40, $0x38;
	[tilespmem:$0x1FB00] =	vst v63  }
0x9e: {  	s10 =	sadd.s32 @!p0 s7, s10;
	s20 =	simm.s32 $0x180;
	s11 =	simm.s32 @!p0 $0x80  }
0x9f: {  	[tilespmem:s11], [sflag:$0x3] =	stream.linear.gather @!p0 [hbm4b:s10+s12], $0x40, $0x38;
	[tilespmem:$0x1FB00] =	vst v63  }
0xa0: {  	s10 =	simm.s32 $0x400;
	s11 =	simm.s32 $0x0;
	s12 =	simm.s32 $0x0  }
.LBB2_3:
0xa1: {  	s13 =	sadd.s32 $0xFFFFFE80, s20;
	s16 =	sand.u32 $0x3800, s12  }
0xa2: {  	v7 =	vld [tilespmem:s10+$0xFFFFFF00];
	s17 =	sand.u32 $0x200, s13;
	s13 =	sadd.s32 $0x2300, s16  }
0xa3: {  	v9 =	vld [tilespmem:s10+$0xFFFFFF10];
	s16 =	sadd.s32 s17, s13  }
0xa4: {  	v8 =	vld [tilespmem:s16+$0x0]  }
0xa5: {  	v10 =	vld [tilespmem:s16+$0x10]  }
0xa6: {  	v11 =	vld [tilespmem:s10+$0xFFFFFF20]  }
0xa7: {  	v12 =	vld [tilespmem:s16+$0x20]  }
0xa8: {  	v13 =	vld [tilespmem:s10+$0xFFFFFF30]  }
0xa9: {  	v14 =	vld [tilespmem:s16+$0x30]  }
0xaa: {  	v7 =	vmul.f32 v8, v7;
	v8 =	vmul.f32 v10, v9;
	_ =	sdelay $0x1  }
0xab: {  	v7 =	vadd.f32 v8, v7;
	v8 =	vmul.f32 v12, v11;
	_ =	sdelay $0x1  }
0xac: {  	v7 =	vadd.f32 v8, v7;
	v8 =	vmul.f32 v14, v13;
	_ =	sdelay $0x1  }
0xad: {  	v7 =	vadd.f32 v8, v7;
	_ =	sdelay $0x1  }
0xae: {  	v8 =	vperm.xlane v7, v3;
	_ =	sdelay $0x1  }
0xaf: {  	v7 =	vadd.f32 v8, v7;
	_ =	sdelay $0x1  }
0xb0: {  	v8 =	vperm.xlane v7, v4;
	_ =	sdelay $0x1  }
0xb1: {  	v7 =	vadd.f32 v8, v7;
	_ =	sdelay $0x1  }
0xb2: {  	v8 =	vperm.xlane v7, v5;
	_ =	sdelay $0x1  }
0xb3: {  	v7 =	vadd.f32 v8, v7;
	_ =	sdelay $0x1  }
0xb4: {  	v8 =	vperm.xlane v7, v6;
	_ =	sdelay $0x1  }
0xb5: {  	v7 =	vadd.f32 v8, v7;
	_ =	sdelay $0x1  }
0xb6: {  	v7 =	vmul.f32 $1.313064400e-01, v7  }
0xb7: {  	v62 =	vld [tilespmem:s10+$0xFFFFFF50]  }
0xb8: {  	v61 =	vld [tilespmem:s16+$0x40];
	v7 =	vmul.f32 $1.442695020e+00, v7  }
0xb9: {  	v63 =	vld [tilespmem:s16+$0x50]  }
0xba: {  	s17 =	simm.s32 $0x1;
	v8 =	vld [tilespmem:s10+$0xFFFFFF40];
	(erf) = vpow2.f32 v7  }
0xbb: {  	s17 =	simm.s32 @!p1 $0x0;
	v16 =	vld [tilespmem:s16+$0x60]  }
0xbc: {  	s17 =	sshll.u32 s17, $0x9;
	v7 =	vld [tilespmem:s10+$0xFFFFFF60]  }
0xbd: {  	v17 =	vld [tilespmem:s10+$0xFFFFFF70];
	s17 =	sadd.s32 s17, s12  }
0xbe: {  	v18 =	vld [tilespmem:s16+$0x70];
	s9 =	sor.u32 $0x400, s17  }
0xbf: {  	v20 =	vld [tilespmem:s9+$0x2300];
	v19 =	vmul.f32 v63, v62;
	v8 =	vmul.f32 v61, v8;
	_ =	sdelay $0x1  }
0xc0: {  	v8 =	vadd.f32 v19, v8;
	v7 =	vmul.f32 v16, v7;
	_ =	sdelay $0x1  }
0xc1: {  	v7 =	vadd.f32 v7, v8;
	v8 =	vmul.f32 v18, v17;
	v21 =	vpop (erf)  }
0xc2: {  	v10 =	vmul.f32 v21, v20  }
0xc3: {  	v7 =	vadd.f32 v8, v7  }
0xc4: {  	s9 =	sor.u32 $0x410, s17;
	[tilespmem:s10+$0xFFFFFF00] =	vst v10  }
0xc5: {  	v8 =	vperm.xlane v7, v3;
	v10 =	vld [tilespmem:s9+$0x2300];
	_ =	sdelay $0x1  }
0xc6: {  	v7 =	vadd.f32 v8, v7;
	_ =	sdelay $0x1  }
0xc7: {  	v8 =	vperm.xlane v7, v4  }
0xc8: {  	v10 =	vmul.f32 v10, v21  }
0xc9: {  	v7 =	vadd.f32 v8, v7  }
0xca: {  	s9 =	sor.u32 $0x420, s17;
	[tilespmem:s10+$0xFFFFFF10] =	vst v10  }
0xcb: {  	v8 =	vperm.xlane v7, v5;
	v10 =	vld [tilespmem:s9+$0x2300];
	_ =	sdelay $0x1  }
0xcc: {  	v7 =	vadd.f32 v8, v7;
	_ =	sdelay $0x1  }
0xcd: {  	v8 =	vperm.xlane v7, v6  }
0xce: {  	v10 =	vmul.f32 v10, v21  }
0xcf: {  	v7 =	vadd.f32 v8, v7  }
0xd0: {  	s9 =	sor.u32 $0x430, s17;
	[tilespmem:s10+$0xFFFFFF20] =	vst v10  }
0xd1: {  	v7 =	vmul.f32 $1.313064400e-01, v7;
	v8 =	vld [tilespmem:s9+$0x2300];
	_ =	sdelay $0x1  }
0xd2: {  	v7 =	vmul.f32 $1.442695020e+00, v7;
	_ =	sdelay $0x1  }
0xd3: {  	(erf) = vpow2.f32 v7  }
0xd4: {  	v7 =	vmul.f32 v8, v21;
	_ =	sdelay $0x1  }
0xd5: {  	v7 =	vsel vm1, v7, v21  }
0xd6: {  	s9 =	sor.u32 $0x440, s17;
	[tilespmem:s10+$0xFFFFFF30] =	vst v7  }
0xd7: {  	v7 =	vld [tilespmem:s9+$0x2300];
	_ =	sdelay $0x3  }
0xd8: {  	v8 =	vpop (erf)  }
0xd9: {  	v7 =	vmul.f32 v7, v8;
	_ =	sdelay $0x1  }
0xda: {  	s9 =	sor.u32 $0x450, s17;
	[tilespmem:s10+$0xFFFFFF40] =	vst v7  }
0xdb: {  	v7 =	vld [tilespmem:s9+$0x2300];
	_ =	sdelay $0x4  }
0xdc: {  	v7 =	vmul.f32 v7, v8;
	_ =	sdelay $0x1  }
0xdd: {  	s9 =	sor.u32 $0x460, s17;
	[tilespmem:s10+$0xFFFFFF50] =	vst v7  }
0xde: {  	v7 =	vld [tilespmem:s9+$0x2300];
	_ =	sdelay $0x4  }
0xdf: {  	v7 =	vmul.f32 v7, v8;
	_ =	sdelay $0x1  }
0xe0: {  	s9 =	sor.u32 $0x470, s17;
	[tilespmem:s10+$0xFFFFFF60] =	vst v7  }
0xe1: {  	v7 =	vld [tilespmem:s9+$0x2300];
	_ =	sdelay $0x4  }
0xe2: {  	v7 =	vmul.f32 v7, v8  }
0xe3: {  	s17 =	sadd.s32 $0xFFFFFF00, s20  }
0xe4: {  	v22 =	vld [tilespmem:s10+$0xFFFFFF90];
	s16 =	sand.u32 $0x280, s17;
	v7 =	vsel vm1, v7, v8  }
0xe5: {  	s17 =	sadd.s32 s16, s13;
	[tilespmem:s10+$0xFFFFFF70] =	vst v7;
	v7 =	vld [tilespmem:s10+$0xFFFFFF80]  }
0xe6: {  	v8 =	vld [tilespmem:s17+$0x0]  }
0xe7: {  	v10 =	vld [tilespmem:s17+$0x10]  }
0xe8: {  	v23 =	vld [tilespmem:s10+$0xFFFFFFA0]  }
0xe9: {  	v24 =	vld [tilespmem:s17+$0x20]  }
0xea: {  	v25 =	vld [tilespmem:s10+$0xFFFFFFB0]  }
0xeb: {  	v26 =	vld [tilespmem:s17+$0x30]  }
0xec: {  	v7 =	vmul.f32 v8, v7;
	v8 =	vmul.f32 v10, v22;
	_ =	sdelay $0x1  }
0xed: {  	v7 =	vadd.f32 v8, v7;
	v8 =	vmul.f32 v24, v23;
	_ =	sdelay $0x1  }
0xee: {  	v7 =	vadd.f32 v8, v7;
	v8 =	vmul.f32 v26, v25;
	_ =	sdelay $0x1  }
0xef: {  	v7 =	vadd.f32 v8, v7;
	_ =	sdelay $0x1  }
0xf0: {  	v8 =	vperm.xlane v7, v3;
	_ =	sdelay $0x1  }
0xf1: {  	v7 =	vadd.f32 v8, v7;
	_ =	sdelay $0x1  }
0xf2: {  	v8 =	vperm.xlane v7, v4;
	_ =	sdelay $0x1  }
0xf3: {  	v7 =	vadd.f32 v8, v7;
	_ =	sdelay $0x1  }
0xf4: {  	v8 =	vperm.xlane v7, v5;
	_ =	sdelay $0x1  }
0xf5: {  	v7 =	vadd.f32 v8, v7;
	_ =	sdelay $0x1  }
0xf6: {  	v8 =	vperm.xlane v7, v6;
	_ =	sdelay $0x1  }
0xf7: {  	v7 =	vadd.f32 v8, v7;
	_ =	sdelay $0x1  }
0xf8: {  	v7 =	vmul.f32 $1.313064400e-01, v7  }
0xf9: {  	v28 =	vld [tilespmem:s10+$0xFFFFFFD0]  }
0xfa: {  	v27 =	vld [tilespmem:s17+$0x40];
	v7 =	vmul.f32 $1.442695020e+00, v7  }
0xfb: {  	v29 =	vld [tilespmem:s17+$0x50]  }
0xfc: {  	s9 =	sand.u32 $0x7, s11;
	v8 =	vld [tilespmem:s10+$0xFFFFFFC0];
	(erf) = vpow2.f32 v7  }
0xfd: {  	s16 =	sshll.u32 s9, $0x7;
	v30 =	vld [tilespmem:s17+$0x60]  }
0xfe: {  	s16 =	sadd.s32 s12, s16;
	v7 =	vld [tilespmem:s10+$0xFFFFFFE0]  }
0xff: {  	v31 =	vld [tilespmem:s10+$0xFFFFFFF0];
	s9 =	sadd.s32 $0x80, s16  }
0x100: {  	v32 =	vld [tilespmem:s17+$0x70];
	s17 =	sor.u32 $0x400, s9  }
0x101: {  	v34 =	vld [tilespmem:s17+$0x2300];
	v33 =	vmul.f32 v29, v28;
	v8 =	vmul.f32 v27, v8;
	_ =	sdelay $0x1  }
0x102: {  	v8 =	vadd.f32 v33, v8;
	v7 =	vmul.f32 v30, v7;
	_ =	sdelay $0x1  }
0x103: {  	v7 =	vadd.f32 v7, v8;
	v8 =	vmul.f32 v32, v31;
	v35 =	vpop (erf)  }
0x104: {  	v10 =	vmul.f32 v35, v34  }
0x105: {  	v7 =	vadd.f32 v8, v7  }
0x106: {  	s17 =	sor.u32 $0x410, s9;
	[tilespmem:s10+$0xFFFFFF80] =	vst v10  }
0x107: {  	v8 =	vperm.xlane v7, v3;
	v10 =	vld [tilespmem:s17+$0x2300];
	_ =	sdelay $0x1  }
0x108: {  	v7 =	vadd.f32 v8, v7;
	_ =	sdelay $0x1  }
0x109: {  	v8 =	vperm.xlane v7, v4  }
0x10a: {  	v10 =	vmul.f32 v10, v35  }
0x10b: {  	v7 =	vadd.f32 v8, v7  }
0x10c: {  	s17 =	sor.u32 $0x420, s9;
	[tilespmem:s10+$0xFFFFFF90] =	vst v10  }
0x10d: {  	v8 =	vperm.xlane v7, v5;
	v10 =	vld [tilespmem:s17+$0x2300];
	_ =	sdelay $0x1  }
0x10e: {  	v7 =	vadd.f32 v8, v7;
	_ =	sdelay $0x1  }
0x10f: {  	v8 =	vperm.xlane v7, v6  }
0x110: {  	v10 =	vmul.f32 v10, v35  }
0x111: {  	v7 =	vadd.f32 v8, v7  }
0x112: {  	s17 =	sor.u32 $0x430, s9;
	[tilespmem:s10+$0xFFFFFFA0] =	vst v10  }
0x113: {  	v7 =	vmul.f32 $1.313064400e-01, v7;
	v8 =	vld [tilespmem:s17+$0x2300];
	_ =	sdelay $0x1  }
0x114: {  	v7 =	vmul.f32 $1.442695020e+00, v7;
	_ =	sdelay $0x1  }
0x115: {  	(erf) = vpow2.f32 v7  }
0x116: {  	v7 =	vmul.f32 v8, v35;
	_ =	sdelay $0x1  }
0x117: {  	v7 =	vsel vm1, v7, v35  }
0x118: {  	s17 =	sor.u32 $0x440, s9;
	[tilespmem:s10+$0xFFFFFFB0] =	vst v7  }
0x119: {  	v7 =	vld [tilespmem:s17+$0x2300];
	_ =	sdelay $0x3  }
0x11a: {  	v8 =	vpop (erf)  }
0x11b: {  	v7 =	vmul.f32 v7, v8;
	_ =	sdelay $0x1  }
0x11c: {  	s17 =	sor.u32 $0x450, s9;
	[tilespmem:s10+$0xFFFFFFC0] =	vst v7  }
0x11d: {  	v7 =	vld [tilespmem:s17+$0x2300];
	_ =	sdelay $0x4  }
0x11e: {  	v7 =	vmul.f32 v7, v8;
	_ =	sdelay $0x1  }
0x11f: {  	s17 =	sor.u32 $0x460, s9;
	[tilespmem:s10+$0xFFFFFFD0] =	vst v7  }
0x120: {  	v7 =	vld [tilespmem:s17+$0x2300];
	_ =	sdelay $0x4  }
0x121: {  	v7 =	vmul.f32 v7, v8;
	_ =	sdelay $0x1  }
0x122: {  	s9 =	sor.u32 $0x470, s9;
	[tilespmem:s10+$0xFFFFFFE0] =	vst v7  }
0x123: {  	v7 =	vld [tilespmem:s9+$0x2300];
	_ =	sdelay $0x4  }
0x124: {  	v7 =	vmul.f32 v7, v8  }
0x125: {  	s17 =	sadd.s32 $0xFFFFFF80, s20  }
0x126: {  	v36 =	vld [tilespmem:s10+$0x10];
	s9 =	sand.u32 $0x300, s17;
	v7 =	vsel vm1, v7, v8  }
0x127: {  	s9 =	sadd.s32 s9, s13;
	[tilespmem:s10+$0xFFFFFFF0] =	vst v7;
	v7 =	vld [tilespmem:s10+$0x0]  }
0x128: {  	v8 =	vld [tilespmem:s9+$0x0]  }
0x129: {  	v10 =	vld [tilespmem:s9+$0x10]  }
0x12a: {  	v37 =	vld [tilespmem:s10+$0x20]  }
0x12b: {  	v38 =	vld [tilespmem:s9+$0x20]  }
0x12c: {  	v39 =	vld [tilespmem:s10+$0x30]  }
0x12d: {  	v40 =	vld [tilespmem:s9+$0x30]  }
0x12e: {  	v7 =	vmul.f32 v8, v7;
	v8 =	vmul.f32 v10, v36;
	_ =	sdelay $0x1  }
0x12f: {  	v7 =	vadd.f32 v8, v7;
	v8 =	vmul.f32 v38, v37;
	_ =	sdelay $0x1  }
0x130: {  	v7 =	vadd.f32 v8, v7;
	v8 =	vmul.f32 v40, v39;
	_ =	sdelay $0x1  }
0x131: {  	v7 =	vadd.f32 v8, v7;
	_ =	sdelay $0x1  }
0x132: {  	v8 =	vperm.xlane v7, v3;
	_ =	sdelay $0x1  }
0x133: {  	v7 =	vadd.f32 v8, v7;
	_ =	sdelay $0x1  }
0x134: {  	v8 =	vperm.xlane v7, v4;
	_ =	sdelay $0x1  }
0x135: {  	v7 =	vadd.f32 v8, v7;
	_ =	sdelay $0x1  }
0x136: {  	v8 =	vperm.xlane v7, v5;
	_ =	sdelay $0x1  }
0x137: {  	v7 =	vadd.f32 v8, v7;
	_ =	sdelay $0x1  }
0x138: {  	v8 =	vperm.xlane v7, v6;
	_ =	sdelay $0x1  }
0x139: {  	v7 =	vadd.f32 v8, v7;
	_ =	sdelay $0x1  }
0x13a: {  	v7 =	vmul.f32 $1.313064400e-01, v7  }
0x13b: {  	v42 =	vld [tilespmem:s10+$0x50]  }
0x13c: {  	v41 =	vld [tilespmem:s9+$0x40];
	v7 =	vmul.f32 $1.442695020e+00, v7  }
0x13d: {  	v43 =	vld [tilespmem:s9+$0x50]  }
0x13e: {  	s17 =	sand.u32 $0x3, s31;
	v8 =	vld [tilespmem:s10+$0x40];
	(erf) = vpow2.f32 v7  }
0x13f: {  	s17 =	sshll.u32 s17, $0x8;
	v44 =	vld [tilespmem:s9+$0x60]  }
0x140: {  	s17 =	sadd.s32 s12, s17;
	v7 =	vld [tilespmem:s10+$0x60]  }
0x141: {  	v45 =	vld [tilespmem:s10+$0x70];
	s17 =	sadd.s32 $0x100, s17  }
0x142: {  	v46 =	vld [tilespmem:s9+$0x70];
	s9 =	sor.u32 $0x400, s17  }
0x143: {  	v48 =	vld [tilespmem:s9+$0x2300];
	v47 =	vmul.f32 v43, v42;
	v8 =	vmul.f32 v41, v8;
	_ =	sdelay $0x1  }
0x144: {  	v8 =	vadd.f32 v47, v8;
	v7 =	vmul.f32 v44, v7;
	_ =	sdelay $0x1  }
0x145: {  	v7 =	vadd.f32 v7, v8;
	v8 =	vmul.f32 v46, v45;
	v49 =	vpop (erf)  }
0x146: {  	v10 =	vmul.f32 v49, v48  }
0x147: {  	v7 =	vadd.f32 v8, v7  }
0x148: {  	s9 =	sor.u32 $0x410, s17;
	[tilespmem:s10+$0x0] =	vst v10  }
0x149: {  	v8 =	vperm.xlane v7, v3;
	v10 =	vld [tilespmem:s9+$0x2300];
	_ =	sdelay $0x1  }
0x14a: {  	v7 =	vadd.f32 v8, v7;
	_ =	sdelay $0x1  }
0x14b: {  	v8 =	vperm.xlane v7, v4  }
0x14c: {  	v10 =	vmul.f32 v10, v49  }
0x14d: {  	v7 =	vadd.f32 v8, v7  }
0x14e: {  	s9 =	sor.u32 $0x420, s17;
	[tilespmem:s10+$0x10] =	vst v10  }
0x14f: {  	v8 =	vperm.xlane v7, v5;
	v10 =	vld [tilespmem:s9+$0x2300];
	_ =	sdelay $0x1  }
0x150: {  	v7 =	vadd.f32 v8, v7;
	_ =	sdelay $0x1  }
0x151: {  	v8 =	vperm.xlane v7, v6  }
0x152: {  	v10 =	vmul.f32 v10, v49  }
0x153: {  	v7 =	vadd.f32 v8, v7  }
0x154: {  	s9 =	sor.u32 $0x430, s17;
	[tilespmem:s10+$0x20] =	vst v10  }
0x155: {  	v7 =	vmul.f32 $1.313064400e-01, v7;
	v8 =	vld [tilespmem:s9+$0x2300];
	_ =	sdelay $0x1  }
0x156: {  	v7 =	vmul.f32 $1.442695020e+00, v7;
	_ =	sdelay $0x1  }
0x157: {  	(erf) = vpow2.f32 v7  }
0x158: {  	v7 =	vmul.f32 v8, v49;
	_ =	sdelay $0x1  }
0x159: {  	v7 =	vsel vm1, v7, v49  }
0x15a: {  	s9 =	sor.u32 $0x440, s17;
	[tilespmem:s10+$0x30] =	vst v7  }
0x15b: {  	v7 =	vld [tilespmem:s9+$0x2300];
	_ =	sdelay $0x3  }
0x15c: {  	v8 =	vpop (erf)  }
0x15d: {  	v7 =	vmul.f32 v7, v8;
	_ =	sdelay $0x1  }
0x15e: {  	s9 =	sor.u32 $0x450, s17;
	[tilespmem:s10+$0x40] =	vst v7  }
0x15f: {  	v7 =	vld [tilespmem:s9+$0x2300];
	_ =	sdelay $0x4  }
0x160: {  	v7 =	vmul.f32 v7, v8;
	_ =	sdelay $0x1  }
0x161: {  	s9 =	sor.u32 $0x460, s17;
	[tilespmem:s10+$0x50] =	vst v7  }
0x162: {  	v7 =	vld [tilespmem:s9+$0x2300];
	_ =	sdelay $0x4  }
0x163: {  	v7 =	vmul.f32 v7, v8;
	_ =	sdelay $0x1  }
0x164: {  	s17 =	sor.u32 $0x470, s17;
	[tilespmem:s10+$0x60] =	vst v7  }
0x165: {  	v7 =	vld [tilespmem:s17+$0x2300];
	_ =	sdelay $0x4  }
0x166: {  	v7 =	vmul.f32 v7, v8;
	_ =	sdelay $0x1  }
0x167: {  	v50 =	vld [tilespmem:s10+$0x90];
	s17 =	sand.u32 $0x380, s20;
	v7 =	vsel vm1, v7, v8  }
0x168: {  	s9 =	sadd.s32 s17, s13;
	[tilespmem:s10+$0x70] =	vst v7;
	v7 =	vld [tilespmem:s10+$0x80]  }
0x169: {  	v8 =	vld [tilespmem:s9+$0x0]  }
0x16a: {  	v10 =	vld [tilespmem:s9+$0x10]  }
0x16b: {  	v51 =	vld [tilespmem:s10+$0xA0]  }
0x16c: {  	v52 =	vld [tilespmem:s9+$0x20]  }
0x16d: {  	v53 =	vld [tilespmem:s10+$0xB0]  }
0x16e: {  	v54 =	vld [tilespmem:s9+$0x30]  }
0x16f: {  	v7 =	vmul.f32 v8, v7;
	v8 =	vmul.f32 v10, v50;
	_ =	sdelay $0x1  }
0x170: {  	v7 =	vadd.f32 v8, v7;
	v8 =	vmul.f32 v52, v51;
	_ =	sdelay $0x1  }
0x171: {  	v7 =	vadd.f32 v8, v7;
	v8 =	vmul.f32 v54, v53;
	_ =	sdelay $0x1  }
0x172: {  	v7 =	vadd.f32 v8, v7;
	_ =	sdelay $0x1  }
0x173: {  	v8 =	vperm.xlane v7, v3;
	_ =	sdelay $0x1  }
0x174: {  	v7 =	vadd.f32 v8, v7;
	_ =	sdelay $0x1  }
0x175: {  	v8 =	vperm.xlane v7, v4;
	_ =	sdelay $0x1  }
0x176: {  	v7 =	vadd.f32 v8, v7;
	_ =	sdelay $0x1  }
0x177: {  	v8 =	vperm.xlane v7, v5;
	_ =	sdelay $0x1  }
0x178: {  	v7 =	vadd.f32 v8, v7;
	_ =	sdelay $0x1  }
0x179: {  	v8 =	vperm.xlane v7, v6;
	_ =	sdelay $0x1  }
0x17a: {  	v7 =	vadd.f32 v8, v7;
	_ =	sdelay $0x1  }
0x17b: {  	v7 =	vmul.f32 $1.313064400e-01, v7  }
0x17c: {  	v56 =	vld [tilespmem:s10+$0xD0]  }
0x17d: {  	v55 =	vld [tilespmem:s9+$0x40];
	v7 =	vmul.f32 $1.442695020e+00, v7  }
0x17e: {  	v57 =	vld [tilespmem:s9+$0x50]  }
0x17f: {  	v8 =	vld [tilespmem:s10+$0xC0];
	(erf) = vpow2.f32 v7  }
0x180: {  	v58 =	vld [tilespmem:s9+$0x60]  }
0x181: {  	v7 =	vld [tilespmem:s10+$0xE0]  }
0x182: {  	v59 =	vld [tilespmem:s10+$0xF0];
	s13 =	sadd.s32 $0x180, s16  }
0x183: {  	s16 =	sor.u32 $0x400, s13;
	v60 =	vld [tilespmem:s9+$0x70]  }
0x184: {  	v62 =	vld [tilespmem:s16+$0x2300];
	v61 =	vmul.f32 v57, v56;
	v8 =	vmul.f32 v55, v8;
	_ =	sdelay $0x1  }
0x185: {  	v8 =	vadd.f32 v61, v8;
	v7 =	vmul.f32 v58, v7;
	_ =	sdelay $0x1  }
0x186: {  	v7 =	vadd.f32 v7, v8;
	v8 =	vmul.f32 v60, v59;
	v63 =	vpop (erf)  }
0x187: {  	v10 =	vmul.f32 v63, v62  }
0x188: {  	v7 =	vadd.f32 v8, v7  }
0x189: {  	s17 =	sor.u32 $0x410, s13;
	[tilespmem:s10+$0x80] =	vst v10  }
0x18a: {  	v8 =	vperm.xlane v7, v3;
	v10 =	vld [tilespmem:s17+$0x2300];
	_ =	sdelay $0x1  }
0x18b: {  	v7 =	vadd.f32 v8, v7;
	_ =	sdelay $0x1  }
0x18c: {  	v8 =	vperm.xlane v7, v4  }
0x18d: {  	v10 =	vmul.f32 v10, v63  }
0x18e: {  	v7 =	vadd.f32 v8, v7  }
0x18f: {  	s16 =	sor.u32 $0x420, s13;
	[tilespmem:s10+$0x90] =	vst v10  }
0x190: {  	v8 =	vperm.xlane v7, v5;
	v10 =	vld [tilespmem:s16+$0x2300];
	_ =	sdelay $0x1  }
0x191: {  	v7 =	vadd.f32 v8, v7;
	_ =	sdelay $0x1  }
0x192: {  	v8 =	vperm.xlane v7, v6  }
0x193: {  	v10 =	vmul.f32 v10, v63  }
0x194: {  	v7 =	vadd.f32 v8, v7  }
0x195: {  	s17 =	sor.u32 $0x430, s13;
	[tilespmem:s10+$0xA0] =	vst v10  }
0x196: {  	v7 =	vmul.f32 $1.313064400e-01, v7;
	v8 =	vld [tilespmem:s17+$0x2300];
	_ =	sdelay $0x1  }
0x197: {  	v7 =	vmul.f32 $1.442695020e+00, v7;
	_ =	sdelay $0x1  }
0x198: {  	(erf) = vpow2.f32 v7  }
0x199: {  	v7 =	vmul.f32 v8, v63;
	_ =	sdelay $0x1  }
0x19a: {  	v7 =	vsel vm1, v7, v63  }
0x19b: {  	s16 =	sor.u32 $0x440, s13;
	[tilespmem:s10+$0xB0] =	vst v7  }
0x19c: {  	v7 =	vld [tilespmem:s16+$0x2300];
	_ =	sdelay $0x3  }
0x19d: {  	v8 =	vpop (erf)  }
0x19e: {  	v7 =	vmul.f32 v7, v8;
	_ =	sdelay $0x1  }
0x19f: {  	s17 =	sor.u32 $0x450, s13;
	[tilespmem:s10+$0xC0] =	vst v7  }
0x1a0: {  	v7 =	vld [tilespmem:s17+$0x2300];
	_ =	sdelay $0x4  }
0x1a1: {  	v7 =	vmul.f32 v7, v8;
	_ =	sdelay $0x1  }
0x1a2: {  	s16 =	sor.u32 $0x460, s13;
	[tilespmem:s10+$0xD0] =	vst v7  }
0x1a3: {  	v7 =	vld [tilespmem:s16+$0x2300];
	_ =	sdelay $0x4  }
0x1a4: {  	v7 =	vmul.f32 v7, v8;
	_ =	sdelay $0x1  }
0x1a5: {  	s17 =	sor.u32 $0x470, s13;
	[tilespmem:s10+$0xE0] =	vst v7  }
0x1a6: {  	v7 =	vld [tilespmem:s17+$0x2300];
	_ =	sdelay $0x2  }
0x1a7: {  	p2 =	sne.s32 s12, $0x3C00  }
.Ltmp0:
0x1a8: {  	_ = 	snop;
	(pc) =	sbr.rel @p2 .LBB2_3-.Ltmp0, $3  }
0x1a9: {  	v7 =	vmul.f32 v7, v8;
	_ =	sdelay $0x1  }
0x1aa: {  	p1 =	por !p1, !p1;
	s11 =	sadd.s32 $0x4, s11;
	s31 =	sadd.s32 $0x2, s31;
	v7 =	vsel vm1, v7, v8  }
0x1ab: {  	s12 =	sadd.s32 $0x400, s12;
	s20 =	sadd.s32 $0x200, s20;
	[tilespmem:s10+$0xF0] =	vst v7;
	s10 =	sadd.s32 $0x200, s10  }
.Ltmp1:
0x1ac: {  	(pc) =	sbr.rel @!p0 .LBB2_5-.Ltmp1, $2  }
0x1ad: {  	_ =	sdelay $0x2  }
0x1ae: {  	[spmem:s2] =	stream.indirect.scatter.add.f32 [tilespmem:s22], [sflag:$0x5], $0x80, s23, s21, $0xb8;
	[tilespmem:$0x1FB00] =	vst v63  }
.Ltmp2:
0x1af: {  	(pc) =	sbr.rel .LBB2_7-.Ltmp2, $4  }
0x1b0: {  	_ = 	snop  }
0x1b1: {  	_ =	swait.ge [sflag:s24], $0x2000  }
0x1b2: {  	[sflag:s24] =	ssyncset.done $0x0  }
0x1b3: {  	[sflag:s24] =	ssyncadd.s32 $0xFFFFE000  }
.LBB2_5:
0x1b4: {  	_ =	swait.ge [sflag:s28], $0x40  }
0x1b5: {  	[sflag:s28] =	ssyncset.done $0x0  }
0x1b6: {  	[sflag:s28] =	ssyncadd.s32 $0xFFFFFFC0  }
0x1b7: {  	_ =	swait.ge [sflag:s28], $0x40  }
0x1b8: {  	[sflag:s28] =	ssyncset.done $0x0  }
0x1b9: {  	[sflag:s28] =	ssyncadd.s32 $0xFFFFFFC0  }
0x1ba: {  	_ =	swait.ge [sflag:s24], $0x2000  }
0x1bb: {  	[sflag:s24] =	ssyncset.done $0x0  }
0x1bc: {  	s9 =	simm.s32 $0x80;
	[sflag:s24] =	ssyncadd.s32 $0xFFFFE000  }
0x1bd: {  	[tilespmem:s22], [sflag:$0x1] =	stream.indirect.gather [hbm4b:s5+s21], $0x80, s9, s21, $0xb8;
	[tilespmem:$0x1FB00] =	vst v63  }
0x1be: {  	v7 =	vld [tilespmem:$0x0];
	_ =	sdelay $0x4  }
0x1bf: {  	v8 =	vshll.u32 v7, $0x1  }
0x1c0: {  	v7 =	vand.u32 $0x7, v7;
	v8 =	vand.u32 $0xFFFFFFF0, v8  }
0x1c1: {  	v7 =	vor.u32 v7, v8  }
0x1c2: {  	v8 =	vperm.xlane v7, v0;
	_ =	sdelay $0x1  }
0x1c3: {  	v7 =	vperm.xlane v7, v2;
	v8 =	vadd.s32 v1, v8;
	_ =	sdelay $0x1  }
0x1c4: {  	v7 =	vadd.s32 v1, v7;
	_ =	sdelay $0x1  }
0x1c5: {  	s10 =	simm.s32 $0x2300  }
0x1c6: {  	[tilespmem:s10], [sflag:$0x1] =	stream.indirect_vreg.gather [hbm4b:s6+s4], $0x80, v8, vm0, $0xb8;
	[tilespmem:$0x1FB00] =	vst v63  }
0x1c7: {  	s11 =	simm.s32 $0x2B00  }
0x1c8: {  	[tilespmem:s11], [sflag:$0x1] =	stream.indirect_vreg.gather [hbm4b:s6+s4], $0x80, v7, vm0, $0xb8;
	[tilespmem:$0x1FB00] =	vst v63  }
0x1c9: {  	v7 =	vld [tilespmem:$0x10];
	_ =	sdelay $0x4  }
0x1ca: {  	v8 =	vshll.u32 v7, $0x1  }
0x1cb: {  	v7 =	vand.u32 $0x7, v7;
	v8 =	vand.u32 $0xFFFFFFF0, v8  }
0x1cc: {  	v7 =	vor.u32 v7, v8  }
0x1cd: {  	v8 =	vperm.xlane v7, v0;
	_ =	sdelay $0x1  }
0x1ce: {  	v7 =	vperm.xlane v7, v2;
	v8 =	vadd.s32 v1, v8;
	_ =	sdelay $0x1  }
0x1cf: {  	v7 =	vadd.s32 v1, v7;
	_ =	sdelay $0x1  }
0x1d0: {  	s12 =	simm.s32 $0x3300  }
0x1d1: {  	[tilespmem:s12], [sflag:$0x1] =	stream.indirect_vreg.gather [hbm4b:s6+s4], $0x80, v8, vm0, $0xb8;
	[tilespmem:$0x1FB00] =	vst v63  }
0x1d2: {  	s13 =	simm.s32 $0x3B00  }
0x1d3: {  	[tilespmem:s13], [sflag:$0x1] =	stream.indirect_vreg.gather [hbm4b:s6+s4], $0x80, v7, vm0, $0xb8;
	[tilespmem:$0x1FB00] =	vst v63  }
0x1d4: {  	v7 =	vld [tilespmem:$0x20];
	_ =	sdelay $0x4  }
0x1d5: {  	v8 =	vshll.u32 v7, $0x1  }
0x1d6: {  	v7 =	vand.u32 $0x7, v7;
	v8 =	vand.u32 $0xFFFFFFF0, v8  }
0x1d7: {  	v7 =	vor.u32 v7, v8  }
0x1d8: {  	v8 =	vperm.xlane v7, v0;
	_ =	sdelay $0x1  }
0x1d9: {  	v7 =	vperm.xlane v7, v2;
	v8 =	vadd.s32 v1, v8;
	_ =	sdelay $0x1  }
0x1da: {  	v7 =	vadd.s32 v1, v7;
	_ =	sdelay $0x1  }
0x1db: {  	s16 =	simm.s32 $0x4300  }
0x1dc: {  	[tilespmem:s16], [sflag:$0x1] =	stream.indirect_vreg.gather [hbm4b:s6+s4], $0x80, v8, vm0, $0xb8;
	[tilespmem:$0x1FB00] =	vst v63  }
0x1dd: {  	s17 =	simm.s32 $0x4B00  }
0x1de: {  	[tilespmem:s17], [sflag:$0x1] =	stream.indirect_vreg.gather [hbm4b:s6+s4], $0x80, v7, vm0, $0xb8;
	[tilespmem:$0x1FB00] =	vst v63  }
0x1df: {  	v7 =	vld [tilespmem:$0x30];
	_ =	sdelay $0x4  }
0x1e0: {  	v8 =	vshll.u32 v7, $0x1  }
0x1e1: {  	v7 =	vand.u32 $0x7, v7;
	v8 =	vand.u32 $0xFFFFFFF0, v8  }
0x1e2: {  	v7 =	vor.u32 v7, v8  }
0x1e3: {  	v8 =	vperm.xlane v7, v0;
	_ =	sdelay $0x1  }
0x1e4: {  	v7 =	vperm.xlane v7, v2;
	v8 =	vadd.s32 v1, v8;
	_ =	sdelay $0x1  }
0x1e5: {  	v7 =	vadd.s32 v1, v7;
	_ =	sdelay $0x1  }
0x1e6: {  	s20 =	simm.s32 $0x5300  }
0x1e7: {  	[tilespmem:s20], [sflag:$0x1] =	stream.indirect_vreg.gather [hbm4b:s6+s4], $0x80, v8, vm0, $0xb8;
	[tilespmem:$0x1FB00] =	vst v63  }
0x1e8: {  	s31 =	simm.s32 $0x5B00  }
0x1e9: {  	[tilespmem:s31], [sflag:$0x1] =	stream.indirect_vreg.gather [hbm4b:s6+s4], $0x80, v7, vm0, $0xb8;
	[tilespmem:$0x1FB00] =	vst v63  }
.LBB2_7:
0x1ea: {  	_ =	swait.ge [sflag:s25], $0x2000  }
0x1eb: {  	[sflag:s25] =	ssyncset.done $0x0  }
0x1ec: {  	[sflag:s25] =	ssyncadd.s32 $0xFFFFE000  }
0x1ed: {  	_ =	swait.ge [sflag:s25], $0x4000  }
0x1ee: {  	[sflag:s25] =	ssyncset.done $0x0  }
0x1ef: {  	[sflag:s25] =	ssyncadd.s32 $0xFFFFC000  }
0x1f0: {  	v7 =	vld [tilespmem:$0x180]  }
0x1f1: {  	v8 =	vld [tilespmem:$0x190]  }
0x1f2: {  	v9 =	vld [tilespmem:$0x1A0]  }
0x1f3: {  	v10 =	vld [tilespmem:$0x1B0];
	_ =	sdelay $0x1  }
0x1f4: {  	[tilespmem:$0x280] =	vst v7  }
0x1f5: {  	s9 =	sadd.s32 @!p0 s30, s15;
	[tilespmem:$0x290] =	vst v8  }
0x1f6: {  	s11 =	simm.s32 @!p0 $0x0;
	s12 =	simm.s32 @!p0 $0x100;
	s9 =	sshrl.u32 @!p0 s9, $0x3;
	[tilespmem:$0x2A0] =	vst v9  }
0x1f7: {  	s30 =	simm.s32 $0x0;
	s20 =	simm.s32 $0x180;
	s10 =	sadd.s32 @!p0 s1, s9;
	[tilespmem:$0x2B0] =	vst v10  }
0x1f8: {  	[tilespmem:s12], [sflag:$0x4] =	stream.linear.gather @!p0 [hbm4b:s10+s11], $0x40, $0x38;
	[tilespmem:$0x1FB00] =	vst v63  }
0x1f9: {  	s9 =	sadd.s32 @!p0 s7, s9;
	s10 =	simm.s32 @!p0 $0x180;
	s12 =	simm.s32 $0x0  }
0x1fa: {  	[tilespmem:s10], [sflag:$0x4] =	stream.linear.gather @!p0 [hbm4b:s9+s11], $0x40, $0x38;
	[tilespmem:$0x1FB00] =	vst v63  }
0x1fb: {  	p0 =	por $0x0, $0x0;
	s10 =	simm.s32 $0x6400;
	s11 =	simm.s32 $0x0  }
.LBB2_8:
0x1fc: {  	s9 =	sadd.s32 $0xFFFFFE80, s20;
	s13 =	sand.u32 $0x3800, s12  }
0x1fd: {  	v7 =	vld [tilespmem:s10+$0xFFFFFF00];
	s9 =	sand.u32 $0x200, s9;
	s13 =	sor.u32 $0x8300, s13  }
0x1fe: {  	v9 =	vld [tilespmem:s10+$0xFFFFFF10];
	s9 =	sadd.s32 s9, s13  }
0x1ff: {  	v8 =	vld [tilespmem:s9+$0x0]  }
0x200: {  	v10 =	vld [tilespmem:s9+$0x10]  }
0x201: {  	v11 =	vld [tilespmem:s10+$0xFFFFFF20]  }
0x202: {  	v12 =	vld [tilespmem:s9+$0x20]  }
0x203: {  	v13 =	vld [tilespmem:s10+$0xFFFFFF30]  }
0x204: {  	v14 =	vld [tilespmem:s9+$0x30]  }
0x205: {  	v7 =	vmul.f32 v8, v7;
	v8 =	vmul.f32 v10, v9;
	_ =	sdelay $0x1  }
0x206: {  	v7 =	vadd.f32 v8, v7;
	v8 =	vmul.f32 v12, v11;
	_ =	sdelay $0x1  }
0x207: {  	v7 =	vadd.f32 v8, v7;
	v8 =	vmul.f32 v14, v13;
	_ =	sdelay $0x1  }
0x208: {  	v7 =	vadd.f32 v8, v7;
	_ =	sdelay $0x1  }
0x209: {  	v8 =	vperm.xlane v7, v3;
	_ =	sdelay $0x1  }
0x20a: {  	v7 =	vadd.f32 v8, v7;
	_ =	sdelay $0x1  }
0x20b: {  	v8 =	vperm.xlane v7, v4;
	_ =	sdelay $0x1  }
0x20c: {  	v7 =	vadd.f32 v8, v7;
	_ =	sdelay $0x1  }
0x20d: {  	v8 =	vperm.xlane v7, v5;
	_ =	sdelay $0x1  }
0x20e: {  	v7 =	vadd.f32 v8, v7;
	_ =	sdelay $0x1  }
0x20f: {  	v8 =	vperm.xlane v7, v6;
	_ =	sdelay $0x1  }
0x210: {  	v7 =	vadd.f32 v8, v7;
	_ =	sdelay $0x1  }
0x211: {  	v7 =	vmul.f32 $1.313064400e-01, v7  }
0x212: {  	v62 =	vld [tilespmem:s10+$0xFFFFFF50]  }
0x213: {  	v61 =	vld [tilespmem:s9+$0x40];
	v7 =	vmul.f32 $1.442695020e+00, v7  }
0x214: {  	v63 =	vld [tilespmem:s9+$0x50]  }
0x215: {  	s16 =	simm.s32 $0x1;
	v8 =	vld [tilespmem:s10+$0xFFFFFF40];
	(erf) = vpow2.f32 v7  }
0x216: {  	s16 =	simm.s32 @!p0 $0x0;
	v16 =	vld [tilespmem:s9+$0x60]  }
0x217: {  	s16 =	sshll.u32 s16, $0x9;
	v7 =	vld [tilespmem:s10+$0xFFFFFF60]  }
0x218: {  	v17 =	vld [tilespmem:s10+$0xFFFFFF70];
	s16 =	sadd.s32 s16, s12  }
0x219: {  	v18 =	vld [tilespmem:s9+$0x70];
	s17 =	sor.u32 $0x400, s16  }
0x21a: {  	v20 =	vld [tilespmem:s17+$0x8300];
	v19 =	vmul.f32 v63, v62;
	v8 =	vmul.f32 v61, v8;
	_ =	sdelay $0x1  }
0x21b: {  	v8 =	vadd.f32 v19, v8;
	v7 =	vmul.f32 v16, v7;
	_ =	sdelay $0x1  }
0x21c: {  	v7 =	vadd.f32 v7, v8;
	v8 =	vmul.f32 v18, v17;
	v21 =	vpop (erf)  }
0x21d: {  	v10 =	vmul.f32 v21, v20  }
0x21e: {  	v7 =	vadd.f32 v8, v7  }
0x21f: {  	s31 =	sor.u32 $0x410, s16;
	[tilespmem:s10+$0xFFFFFF00] =	vst v10  }
0x220: {  	v8 =	vperm.xlane v7, v3;
	v10 =	vld [tilespmem:s31+$0x8300];
	_ =	sdelay $0x1  }
0x221: {  	v7 =	vadd.f32 v8, v7;
	_ =	sdelay $0x1  }
0x222: {  	v8 =	vperm.xlane v7, v4  }
0x223: {  	v10 =	vmul.f32 v10, v21  }
0x224: {  	v7 =	vadd.f32 v8, v7  }
0x225: {  	s17 =	sor.u32 $0x420, s16;
	[tilespmem:s10+$0xFFFFFF10] =	vst v10  }
0x226: {  	v8 =	vperm.xlane v7, v5;
	v10 =	vld [tilespmem:s17+$0x8300];
	_ =	sdelay $0x1  }
0x227: {  	v7 =	vadd.f32 v8, v7;
	_ =	sdelay $0x1  }
0x228: {  	v8 =	vperm.xlane v7, v6  }
0x229: {  	v10 =	vmul.f32 v10, v21  }
0x22a: {  	v7 =	vadd.f32 v8, v7  }
0x22b: {  	s31 =	sor.u32 $0x430, s16;
	[tilespmem:s10+$0xFFFFFF20] =	vst v10  }
0x22c: {  	v7 =	vmul.f32 $1.313064400e-01, v7;
	v8 =	vld [tilespmem:s31+$0x8300];
	_ =	sdelay $0x1  }
0x22d: {  	v7 =	vmul.f32 $1.442695020e+00, v7;
	_ =	sdelay $0x1  }
0x22e: {  	(erf) = vpow2.f32 v7  }
0x22f: {  	v7 =	vmul.f32 v8, v21;
	_ =	sdelay $0x1  }
0x230: {  	v7 =	vsel vm1, v7, v21  }
0x231: {  	s17 =	sor.u32 $0x440, s16;
	[tilespmem:s10+$0xFFFFFF30] =	vst v7  }
0x232: {  	v7 =	vld [tilespmem:s17+$0x8300];
	_ =	sdelay $0x3  }
0x233: {  	v8 =	vpop (erf)  }
0x234: {  	v7 =	vmul.f32 v7, v8;
	_ =	sdelay $0x1  }
0x235: {  	s31 =	sor.u32 $0x450, s16;
	[tilespmem:s10+$0xFFFFFF40] =	vst v7  }
0x236: {  	v7 =	vld [tilespmem:s31+$0x8300];
	_ =	sdelay $0x4  }
0x237: {  	v7 =	vmul.f32 v7, v8;
	_ =	sdelay $0x1  }
0x238: {  	s17 =	sor.u32 $0x460, s16;
	[tilespmem:s10+$0xFFFFFF50] =	vst v7  }
0x239: {  	v7 =	vld [tilespmem:s17+$0x8300];
	_ =	sdelay $0x4  }
0x23a: {  	v7 =	vmul.f32 v7, v8;
	_ =	sdelay $0x1  }
0x23b: {  	s31 =	sor.u32 $0x470, s16;
	[tilespmem:s10+$0xFFFFFF60] =	vst v7  }
0x23c: {  	v7 =	vld [tilespmem:s31+$0x8300];
	_ =	sdelay $0x4  }
0x23d: {  	v7 =	vmul.f32 v7, v8  }
0x23e: {  	s16 =	sadd.s32 $0xFFFFFF00, s20  }
0x23f: {  	v22 =	vld [tilespmem:s10+$0xFFFFFF90];
	s9 =	sand.u32 $0x280, s16;
	v7 =	vsel vm1, v7, v8  }
0x240: {  	s9 =	sadd.s32 s9, s13;
	[tilespmem:s10+$0xFFFFFF70] =	vst v7;
	v7 =	vld [tilespmem:s10+$0xFFFFFF80]  }
0x241: {  	v8 =	vld [tilespmem:s9+$0x0]  }
0x242: {  	v10 =	vld [tilespmem:s9+$0x10]  }
0x243: {  	v23 =	vld [tilespmem:s10+$0xFFFFFFA0]  }
0x244: {  	v24 =	vld [tilespmem:s9+$0x20]  }
0x245: {  	v25 =	vld [tilespmem:s10+$0xFFFFFFB0]  }
0x246: {  	v26 =	vld [tilespmem:s9+$0x30]  }
0x247: {  	v7 =	vmul.f32 v8, v7;
	v8 =	vmul.f32 v10, v22;
	_ =	sdelay $0x1  }
0x248: {  	v7 =	vadd.f32 v8, v7;
	v8 =	vmul.f32 v24, v23;
	_ =	sdelay $0x1  }
0x249: {  	v7 =	vadd.f32 v8, v7;
	v8 =	vmul.f32 v26, v25;
	_ =	sdelay $0x1  }
0x24a: {  	v7 =	vadd.f32 v8, v7;
	_ =	sdelay $0x1  }
0x24b: {  	v8 =	vperm.xlane v7, v3;
	_ =	sdelay $0x1  }
0x24c: {  	v7 =	vadd.f32 v8, v7;
	_ =	sdelay $0x1  }
0x24d: {  	v8 =	vperm.xlane v7, v4;
	_ =	sdelay $0x1  }
0x24e: {  	v7 =	vadd.f32 v8, v7;
	_ =	sdelay $0x1  }
0x24f: {  	v8 =	vperm.xlane v7, v5;
	_ =	sdelay $0x1  }
0x250: {  	v7 =	vadd.f32 v8, v7;
	_ =	sdelay $0x1  }
0x251: {  	v8 =	vperm.xlane v7, v6;
	_ =	sdelay $0x1  }
0x252: {  	v7 =	vadd.f32 v8, v7;
	_ =	sdelay $0x1  }
0x253: {  	v7 =	vmul.f32 $1.313064400e-01, v7  }
0x254: {  	v28 =	vld [tilespmem:s10+$0xFFFFFFD0]  }
0x255: {  	v27 =	vld [tilespmem:s9+$0x40];
	v7 =	vmul.f32 $1.442695020e+00, v7  }
0x256: {  	v29 =	vld [tilespmem:s9+$0x50]  }
0x257: {  	s17 =	sand.u32 $0x7, s11;
	v8 =	vld [tilespmem:s10+$0xFFFFFFC0];
	(erf) = vpow2.f32 v7  }
0x258: {  	s16 =	sshll.u32 s17, $0x7;
	v30 =	vld [tilespmem:s9+$0x60]  }
0x259: {  	s16 =	sadd.s32 s12, s16;
	v7 =	vld [tilespmem:s10+$0xFFFFFFE0]  }
0x25a: {  	v31 =	vld [tilespmem:s10+$0xFFFFFFF0];
	s17 =	sadd.s32 $0x80, s16  }
0x25b: {  	s31 =	sor.u32 $0x400, s17;
	v32 =	vld [tilespmem:s9+$0x70]  }
0x25c: {  	v34 =	vld [tilespmem:s31+$0x8300];
	v33 =	vmul.f32 v29, v28;
	v8 =	vmul.f32 v27, v8;
	_ =	sdelay $0x1  }
0x25d: {  	v8 =	vadd.f32 v33, v8;
	v7 =	vmul.f32 v30, v7;
	_ =	sdelay $0x1  }
0x25e: {  	v7 =	vadd.f32 v7, v8;
	v8 =	vmul.f32 v32, v31;
	v35 =	vpop (erf)  }
0x25f: {  	v10 =	vmul.f32 v35, v34  }
0x260: {  	v7 =	vadd.f32 v8, v7  }
0x261: {  	s31 =	sor.u32 $0x410, s17;
	[tilespmem:s10+$0xFFFFFF80] =	vst v10  }
0x262: {  	v8 =	vperm.xlane v7, v3;
	v10 =	vld [tilespmem:s31+$0x8300];
	_ =	sdelay $0x1  }
0x263: {  	v7 =	vadd.f32 v8, v7;
	_ =	sdelay $0x1  }
0x264: {  	v8 =	vperm.xlane v7, v4  }
0x265: {  	v10 =	vmul.f32 v10, v35  }
0x266: {  	v7 =	vadd.f32 v8, v7  }
0x267: {  	s31 =	sor.u32 $0x420, s17;
	[tilespmem:s10+$0xFFFFFF90] =	vst v10  }
0x268: {  	v8 =	vperm.xlane v7, v5;
	v10 =	vld [tilespmem:s31+$0x8300];
	_ =	sdelay $0x1  }
0x269: {  	v7 =	vadd.f32 v8, v7;
	_ =	sdelay $0x1  }
0x26a: {  	v8 =	vperm.xlane v7, v6  }
0x26b: {  	v10 =	vmul.f32 v10, v35  }
0x26c: {  	v7 =	vadd.f32 v8, v7  }
0x26d: {  	s31 =	sor.u32 $0x430, s17;
	[tilespmem:s10+$0xFFFFFFA0] =	vst v10  }
0x26e: {  	v7 =	vmul.f32 $1.313064400e-01, v7;
	v8 =	vld [tilespmem:s31+$0x8300];
	_ =	sdelay $0x1  }
0x26f: {  	v7 =	vmul.f32 $1.442695020e+00, v7;
	_ =	sdelay $0x1  }
0x270: {  	(erf) = vpow2.f32 v7  }
0x271: {  	v7 =	vmul.f32 v8, v35;
	_ =	sdelay $0x1  }
0x272: {  	v7 =	vsel vm1, v7, v35  }
0x273: {  	s31 =	sor.u32 $0x440, s17;
	[tilespmem:s10+$0xFFFFFFB0] =	vst v7  }
0x274: {  	v7 =	vld [tilespmem:s31+$0x8300];
	_ =	sdelay $0x3  }
0x275: {  	v8 =	vpop (erf)  }
0x276: {  	v7 =	vmul.f32 v7, v8;
	_ =	sdelay $0x1  }
0x277: {  	s31 =	sor.u32 $0x450, s17;
	[tilespmem:s10+$0xFFFFFFC0] =	vst v7  }
0x278: {  	v7 =	vld [tilespmem:s31+$0x8300];
	_ =	sdelay $0x4  }
0x279: {  	v7 =	vmul.f32 v7, v8;
	_ =	sdelay $0x1  }
0x27a: {  	s31 =	sor.u32 $0x460, s17;
	[tilespmem:s10+$0xFFFFFFD0] =	vst v7  }
0x27b: {  	v7 =	vld [tilespmem:s31+$0x8300];
	_ =	sdelay $0x4  }
0x27c: {  	v7 =	vmul.f32 v7, v8;
	_ =	sdelay $0x1  }
0x27d: {  	s31 =	sor.u32 $0x470, s17;
	[tilespmem:s10+$0xFFFFFFE0] =	vst v7  }
0x27e: {  	v7 =	vld [tilespmem:s31+$0x8300];
	_ =	sdelay $0x4  }
0x27f: {  	v7 =	vmul.f32 v7, v8  }
0x280: {  	s17 =	sadd.s32 $0xFFFFFF80, s20  }
0x281: {  	v36 =	vld [tilespmem:s10+$0x10];
	s9 =	sand.u32 $0x300, s17;
	v7 =	vsel vm1, v7, v8  }
0x282: {  	s9 =	sadd.s32 s9, s13;
	[tilespmem:s10+$0xFFFFFFF0] =	vst v7;
	v7 =	vld [tilespmem:s10+$0x0]  }
0x283: {  	v8 =	vld [tilespmem:s9+$0x0]  }
0x284: {  	v10 =	vld [tilespmem:s9+$0x10]  }
0x285: {  	v37 =	vld [tilespmem:s10+$0x20]  }
0x286: {  	v38 =	vld [tilespmem:s9+$0x20]  }
0x287: {  	v39 =	vld [tilespmem:s10+$0x30]  }
0x288: {  	v40 =	vld [tilespmem:s9+$0x30]  }
0x289: {  	v7 =	vmul.f32 v8, v7;
	v8 =	vmul.f32 v10, v36;
	_ =	sdelay $0x1  }
0x28a: {  	v7 =	vadd.f32 v8, v7;
	v8 =	vmul.f32 v38, v37;
	_ =	sdelay $0x1  }
0x28b: {  	v7 =	vadd.f32 v8, v7;
	v8 =	vmul.f32 v40, v39;
	_ =	sdelay $0x1  }
0x28c: {  	v7 =	vadd.f32 v8, v7;
	_ =	sdelay $0x1  }
0x28d: {  	v8 =	vperm.xlane v7, v3;
	_ =	sdelay $0x1  }
0x28e: {  	v7 =	vadd.f32 v8, v7;
	_ =	sdelay $0x1  }
0x28f: {  	v8 =	vperm.xlane v7, v4;
	_ =	sdelay $0x1  }
0x290: {  	v7 =	vadd.f32 v8, v7;
	_ =	sdelay $0x1  }
0x291: {  	v8 =	vperm.xlane v7, v5;
	_ =	sdelay $0x1  }
0x292: {  	v7 =	vadd.f32 v8, v7;
	_ =	sdelay $0x1  }
0x293: {  	v8 =	vperm.xlane v7, v6;
	_ =	sdelay $0x1  }
0x294: {  	v7 =	vadd.f32 v8, v7;
	_ =	sdelay $0x1  }
0x295: {  	v7 =	vmul.f32 $1.313064400e-01, v7  }
0x296: {  	v42 =	vld [tilespmem:s10+$0x50]  }
0x297: {  	v41 =	vld [tilespmem:s9+$0x40];
	v7 =	vmul.f32 $1.442695020e+00, v7  }
0x298: {  	v43 =	vld [tilespmem:s9+$0x50]  }
0x299: {  	s31 =	sand.u32 $0x3, s30;
	v8 =	vld [tilespmem:s10+$0x40];
	(erf) = vpow2.f32 v7  }
0x29a: {  	s17 =	sshll.u32 s31, $0x8;
	v44 =	vld [tilespmem:s9+$0x60]  }
0x29b: {  	s17 =	sadd.s32 s12, s17;
	v7 =	vld [tilespmem:s10+$0x60]  }
0x29c: {  	v45 =	vld [tilespmem:s10+$0x70];
	s17 =	sadd.s32 $0x100, s17  }
0x29d: {  	s31 =	sor.u32 $0x400, s17;
	v46 =	vld [tilespmem:s9+$0x70]  }
0x29e: {  	v48 =	vld [tilespmem:s31+$0x8300];
	v47 =	vmul.f32 v43, v42;
	v8 =	vmul.f32 v41, v8;
	_ =	sdelay $0x1  }
0x29f: {  	v8 =	vadd.f32 v47, v8;
	v7 =	vmul.f32 v44, v7;
	_ =	sdelay $0x1  }
0x2a0: {  	v7 =	vadd.f32 v7, v8;
	v8 =	vmul.f32 v46, v45;
	v49 =	vpop (erf)  }
0x2a1: {  	v10 =	vmul.f32 v49, v48  }
0x2a2: {  	v7 =	vadd.f32 v8, v7  }
0x2a3: {  	s31 =	sor.u32 $0x410, s17;
	[tilespmem:s10+$0x0] =	vst v10  }
0x2a4: {  	v8 =	vperm.xlane v7, v3;
	v10 =	vld [tilespmem:s31+$0x8300];
	_ =	sdelay $0x1  }
0x2a5: {  	v7 =	vadd.f32 v8, v7;
	_ =	sdelay $0x1  }
0x2a6: {  	v8 =	vperm.xlane v7, v4  }
0x2a7: {  	v10 =	vmul.f32 v10, v49  }
0x2a8: {  	v7 =	vadd.f32 v8, v7  }
0x2a9: {  	s31 =	sor.u32 $0x420, s17;
	[tilespmem:s10+$0x10] =	vst v10  }
0x2aa: {  	v8 =	vperm.xlane v7, v5;
	v10 =	vld [tilespmem:s31+$0x8300];
	_ =	sdelay $0x1  }
0x2ab: {  	v7 =	vadd.f32 v8, v7;
	_ =	sdelay $0x1  }
0x2ac: {  	v8 =	vperm.xlane v7, v6  }
0x2ad: {  	v10 =	vmul.f32 v10, v49  }
0x2ae: {  	v7 =	vadd.f32 v8, v7  }
0x2af: {  	s31 =	sor.u32 $0x430, s17;
	[tilespmem:s10+$0x20] =	vst v10  }
0x2b0: {  	v7 =	vmul.f32 $1.313064400e-01, v7;
	v8 =	vld [tilespmem:s31+$0x8300];
	_ =	sdelay $0x1  }
0x2b1: {  	v7 =	vmul.f32 $1.442695020e+00, v7;
	_ =	sdelay $0x1  }
0x2b2: {  	(erf) = vpow2.f32 v7  }
0x2b3: {  	v7 =	vmul.f32 v8, v49;
	_ =	sdelay $0x1  }
0x2b4: {  	v7 =	vsel vm1, v7, v49  }
0x2b5: {  	s31 =	sor.u32 $0x440, s17;
	[tilespmem:s10+$0x30] =	vst v7  }
0x2b6: {  	v7 =	vld [tilespmem:s31+$0x8300];
	_ =	sdelay $0x3  }
0x2b7: {  	v8 =	vpop (erf)  }
0x2b8: {  	v7 =	vmul.f32 v7, v8;
	_ =	sdelay $0x1  }
0x2b9: {  	s31 =	sor.u32 $0x450, s17;
	[tilespmem:s10+$0x40] =	vst v7  }
0x2ba: {  	v7 =	vld [tilespmem:s31+$0x8300];
	_ =	sdelay $0x4  }
0x2bb: {  	v7 =	vmul.f32 v7, v8;
	_ =	sdelay $0x1  }
0x2bc: {  	s31 =	sor.u32 $0x460, s17;
	[tilespmem:s10+$0x50] =	vst v7  }
0x2bd: {  	v7 =	vld [tilespmem:s31+$0x8300];
	_ =	sdelay $0x4  }
0x2be: {  	v7 =	vmul.f32 v7, v8;
	_ =	sdelay $0x1  }
0x2bf: {  	s17 =	sor.u32 $0x470, s17;
	[tilespmem:s10+$0x60] =	vst v7  }
0x2c0: {  	v7 =	vld [tilespmem:s17+$0x8300];
	_ =	sdelay $0x4  }
0x2c1: {  	v7 =	vmul.f32 v7, v8;
	_ =	sdelay $0x1  }
0x2c2: {  	v50 =	vld [tilespmem:s10+$0x90];
	s31 =	sand.u32 $0x380, s20;
	v7 =	vsel vm1, v7, v8  }
0x2c3: {  	s9 =	sadd.s32 s31, s13;
	[tilespmem:s10+$0x70] =	vst v7;
	v7 =	vld [tilespmem:s10+$0x80]  }
0x2c4: {  	v8 =	vld [tilespmem:s9+$0x0]  }
0x2c5: {  	v10 =	vld [tilespmem:s9+$0x10]  }
0x2c6: {  	v51 =	vld [tilespmem:s10+$0xA0]  }
0x2c7: {  	v52 =	vld [tilespmem:s9+$0x20]  }
0x2c8: {  	v53 =	vld [tilespmem:s10+$0xB0]  }
0x2c9: {  	v54 =	vld [tilespmem:s9+$0x30]  }
0x2ca: {  	v7 =	vmul.f32 v8, v7;
	v8 =	vmul.f32 v10, v50;
	_ =	sdelay $0x1  }
0x2cb: {  	v7 =	vadd.f32 v8, v7;
	v8 =	vmul.f32 v52, v51;
	_ =	sdelay $0x1  }
0x2cc: {  	v7 =	vadd.f32 v8, v7;
	v8 =	vmul.f32 v54, v53;
	_ =	sdelay $0x1  }
0x2cd: {  	v7 =	vadd.f32 v8, v7;
	_ =	sdelay $0x1  }
0x2ce: {  	v8 =	vperm.xlane v7, v3;
	_ =	sdelay $0x1  }
0x2cf: {  	v7 =	vadd.f32 v8, v7;
	_ =	sdelay $0x1  }
0x2d0: {  	v8 =	vperm.xlane v7, v4;
	_ =	sdelay $0x1  }
0x2d1: {  	v7 =	vadd.f32 v8, v7;
	_ =	sdelay $0x1  }
0x2d2: {  	v8 =	vperm.xlane v7, v5;
	_ =	sdelay $0x1  }
0x2d3: {  	v7 =	vadd.f32 v8, v7;
	_ =	sdelay $0x1  }
0x2d4: {  	v8 =	vperm.xlane v7, v6;
	_ =	sdelay $0x1  }
0x2d5: {  	v7 =	vadd.f32 v8, v7;
	_ =	sdelay $0x1  }
0x2d6: {  	v7 =	vmul.f32 $1.313064400e-01, v7  }
0x2d7: {  	v56 =	vld [tilespmem:s10+$0xD0]  }
0x2d8: {  	v55 =	vld [tilespmem:s9+$0x40];
	v7 =	vmul.f32 $1.442695020e+00, v7  }
0x2d9: {  	v57 =	vld [tilespmem:s9+$0x50]  }
0x2da: {  	v8 =	vld [tilespmem:s10+$0xC0];
	(erf) = vpow2.f32 v7  }
0x2db: {  	v58 =	vld [tilespmem:s9+$0x60]  }
0x2dc: {  	v7 =	vld [tilespmem:s10+$0xE0]  }
0x2dd: {  	v59 =	vld [tilespmem:s10+$0xF0];
	s13 =	sadd.s32 $0x180, s16  }
0x2de: {  	s17 =	sor.u32 $0x400, s13;
	v60 =	vld [tilespmem:s9+$0x70]  }
0x2df: {  	v62 =	vld [tilespmem:s17+$0x8300];
	v61 =	vmul.f32 v57, v56;
	v8 =	vmul.f32 v55, v8;
	_ =	sdelay $0x1  }
0x2e0: {  	v8 =	vadd.f32 v61, v8;
	v7 =	vmul.f32 v58, v7;
	_ =	sdelay $0x1  }
0x2e1: {  	v7 =	vadd.f32 v7, v8;
	v8 =	vmul.f32 v60, v59;
	v63 =	vpop (erf)  }
0x2e2: {  	v10 =	vmul.f32 v63, v62  }
0x2e3: {  	v7 =	vadd.f32 v8, v7  }
0x2e4: {  	s31 =	sor.u32 $0x410, s13;
	[tilespmem:s10+$0x80] =	vst v10  }
0x2e5: {  	v8 =	vperm.xlane v7, v3;
	v10 =	vld [tilespmem:s31+$0x8300];
	_ =	sdelay $0x1  }
0x2e6: {  	v7 =	vadd.f32 v8, v7;
	_ =	sdelay $0x1  }
0x2e7: {  	v8 =	vperm.xlane v7, v4  }
0x2e8: {  	v10 =	vmul.f32 v10, v63  }
0x2e9: {  	v7 =	vadd.f32 v8, v7  }
0x2ea: {  	s16 =	sor.u32 $0x420, s13;
	[tilespmem:s10+$0x90] =	vst v10  }
0x2eb: {  	v8 =	vperm.xlane v7, v5;
	v10 =	vld [tilespmem:s16+$0x8300];
	_ =	sdelay $0x1  }
0x2ec: {  	v7 =	vadd.f32 v8, v7;
	_ =	sdelay $0x1  }
0x2ed: {  	v8 =	vperm.xlane v7, v6  }
0x2ee: {  	v10 =	vmul.f32 v10, v63  }
0x2ef: {  	v7 =	vadd.f32 v8, v7  }
0x2f0: {  	s17 =	sor.u32 $0x430, s13;
	[tilespmem:s10+$0xA0] =	vst v10  }
0x2f1: {  	v7 =	vmul.f32 $1.313064400e-01, v7;
	v8 =	vld [tilespmem:s17+$0x8300];
	_ =	sdelay $0x1  }
0x2f2: {  	v7 =	vmul.f32 $1.442695020e+00, v7;
	_ =	sdelay $0x1  }
0x2f3: {  	(erf) = vpow2.f32 v7  }
0x2f4: {  	v7 =	vmul.f32 v8, v63;
	_ =	sdelay $0x1  }
0x2f5: {  	v7 =	vsel vm1, v7, v63  }
0x2f6: {  	s31 =	sor.u32 $0x440, s13;
	[tilespmem:s10+$0xB0] =	vst v7  }
0x2f7: {  	v7 =	vld [tilespmem:s31+$0x8300];
	_ =	sdelay $0x3  }
0x2f8: {  	v8 =	vpop (erf)  }
0x2f9: {  	v7 =	vmul.f32 v7, v8;
	_ =	sdelay $0x1  }
0x2fa: {  	s16 =	sor.u32 $0x450, s13;
	[tilespmem:s10+$0xC0] =	vst v7  }
0x2fb: {  	v7 =	vld [tilespmem:s16+$0x8300];
	_ =	sdelay $0x4  }
0x2fc: {  	v7 =	vmul.f32 v7, v8;
	_ =	sdelay $0x1  }
0x2fd: {  	s17 =	sor.u32 $0x460, s13;
	[tilespmem:s10+$0xD0] =	vst v7  }
0x2fe: {  	v7 =	vld [tilespmem:s17+$0x8300];
	_ =	sdelay $0x4  }
0x2ff: {  	v7 =	vmul.f32 v7, v8;
	_ =	sdelay $0x1  }
0x300: {  	s31 =	sor.u32 $0x470, s13;
	[tilespmem:s10+$0xE0] =	vst v7  }
0x301: {  	v7 =	vld [tilespmem:s31+$0x8300];
	_ =	sdelay $0x2  }
0x302: {  	p1 =	sne.s32 s12, $0x3C00  }
.Ltmp3:
0x303: {  	_ = 	snop;
	(pc) =	sbr.rel @p1 .LBB2_8-.Ltmp3, $3  }
0x304: {  	v7 =	vmul.f32 v7, v8;
	_ =	sdelay $0x1  }
0x305: {  	p0 =	por !p0, !p0;
	s11 =	sadd.s32 $0x4, s11;
	s30 =	sadd.s32 $0x2, s30;
	v7 =	vsel vm1, v7, v8  }
0x306: {  	s12 =	sadd.s32 $0x400, s12;
	s20 =	sadd.s32 $0x200, s20;
	[tilespmem:s10+$0xF0] =	vst v7;
	s10 =	sadd.s32 $0x200, s10  }
0x307: {  	p0 =	sne.s32 s29, $0xA0  }
.Ltmp4:
0x308: {  	_ = 	snop;
	(pc) =	sbr.rel @p0 .LBB2_2-.Ltmp4, $2  }
0x309: {  	_ =	sdelay $0x2  }
0x30a: {  	[spmem:s2] =	stream.indirect.scatter.add.f32 [tilespmem:s8], [sflag:$0x6], $0x80, s26, s21, $0xb8;
	[tilespmem:$0x1FB00] =	vst v63  }
0x30b: {  	s9 =	simm.s32 $0x6  }
0x30c: {  	_ =	swait.ge [sflag:s9], $0x2000  }
0x30d: {  	[sflag:s9] =	ssyncset.done $0x0  }
0x30e: {  	[sflag:s9] =	ssyncadd.s32 $0xFFFFE000  }
0x30f: {  	[bflag:$0x0] =	sbarrier.arrive $0xFFFF  }
0x310: {  	s12 =	rddreg [dreg:$0x5]  }
0x311: {  	s30 =	rddreg [dreg:$0xb]  }
0x312: {  	s11 =	simm.s32 $0x7;
	s10 =	rddreg [dreg:$0xc]  }
0x313: {  	[hbm:s30], [sflag:s12] =	dma.local [spmem:s10], $0x2700  }
0x314: {  	_ =	swait.ge [sflag:s11], $0x2700  }
0x315: {  	s13 =	rddreg [dreg:$0xd]  }
0x316: {  	s31 =	rddreg [dreg:$0xa];
	s13 =	sadd.s32 $0x1, s13  }
0x317: {  	p0 =	sne.s32 s13, s31  }
.Ltmp5:
0x318: {  	_ = 	snop;
	(pc) =	sbr.rel @p0 .LBB2_1-.Ltmp5, $3  }
0x319: {  	_ =	sdelay $0x1  }
0x31a: {  	[sflag:s11] =	ssyncset.done $0x0  }
0x31b: {  	[sflag:s11] =	ssyncadd.s32 $0xFFFFD900  }
0x31c: {  	_ =	sfence.sel $0x180000  }
0x31d: {  	[bflag:$0x0] =	sbarrier.arrive $0xFFFF  }
0x31e: {  	_ =	strace $0x90000047  }
0x31f: {  	s0 =	stileid.u32;
	[bflag:$0x2] =	sbarrier.arrive $0xFFFF  }
0x320: {  	p0 =	sne.s32 s0, $0x0;
	s0 =	rddreg [dreg:$0x3]  }
0x321: {  	s0 =	sadd.s32 @!p0 $0x100000, s0  }
0x322: {  	[sflag:s0] =	ssyncadd.tile.s32 @!p0 $0x1;
	_ =	shalt  }
.Lfunc_end2:
_tile_overlayer_lowered:
.L_overlay_start_2:
0x323: {  	(tag) =	ssettag $0x2  }
0x324: {  	s0 =	rddreg [dreg:$0x0];
	s2 =	stileid.u32  }
0x325: {  	s1 =	rddreg [dreg:$0x1];
	p0 =	sne.s32 s2, $0x0  }
0x326: {  	s3 =	rddreg [dreg:$0x2];
	[bflag:$0x3] =	sbarrier.arrive $0xFFFF;
	s2 =	simm.s32 @!p0 $0x1C07  }
0x327: {  	[timem:s3], [sflag:s2] =	dma.local @!p0 [hbm:s0], s1  }
0x328: {  	s0 =	simm.s32 @!p0 $0x7  }
0x329: {  	_ =	swait.ge @!p0 [sflag:s0], s1  }
0x32a: {  	s1 =	ssub.s32 @!p0 $0x0, s1;
	[sflag:s0] =	ssyncset.done @!p0 $0x0  }
0x32b: {  	[sflag:s0] =	ssyncadd.s32 @!p0 s1  }
0x32c: {  	[bflag:$0x3] =	sbarrier.arrive $0xFFFF  }
0x32d: {  	_ =	shalt  }

</sc_bundles>
